<compile_context>
chip_gen: v7x
topology: tpu7x:2x2x1
jax: 0.10.2.dev20260603
libtpu: 0.0.44.dev20260713+nightly
codegen_flags: <defaults>
</compile_context>

<pallas_src>
import functools

import jax
import jax.numpy as jnp
from jax import lax
from jax.experimental import pallas as pl
from jax.experimental.pallas import tpu as pltpu
from jax.experimental.pallas import tpu_sc as plsc

N_TOKENS = 1000000
N_HIDDEN = 64
BATCH = 16384
N_NEG = 5
TOTAL = BATCH * (1 + N_NEG)
NC = 2
NS = 16
NW = NC * NS
PER_W = TOTAL // NW
CHUNK = 256
N_CHUNKS = PER_W // CHUNK

_SC_PARAMS = pltpu.CompilerParams(
    needs_layout_passes=False, use_tc_tiling_on_sc=False)
_MESH = plsc.VectorSubcoreMesh(core_axis_name="c", subcore_axis_name="s")


def _sc_dots_body(u_idx_hbm, v_idx_hbm, u_table_hbm, v_table_hbm, out_hbm,
                  u_idx, v_idx, u_rows, v_rows, dots_v,
                  sem_ua, sem_ub, sem_va, sem_vb):
    wid = lax.axis_index("s") * NC + lax.axis_index("c")
    base_w = wid * PER_W
    pltpu.sync_copy(u_idx_hbm.at[pl.ds(base_w, PER_W)], u_idx)
    pltpu.sync_copy(v_idx_hbm.at[pl.ds(base_w, PER_W)], v_idx)

    def start(c, par, sem_u, sem_v):
        pltpu.async_copy(
            u_table_hbm.at[u_idx.at[pl.ds(c * CHUNK, CHUNK)]],
            u_rows.at[pl.ds(par * CHUNK, CHUNK)], sem_u)
        pltpu.async_copy(
            v_table_hbm.at[v_idx.at[pl.ds(c * CHUNK, CHUNK)]],
            v_rows.at[pl.ds(par * CHUNK, CHUNK)], sem_v)

    def wait(par, sem_u, sem_v):
        pltpu.make_async_copy(
            u_table_hbm.at[u_idx.at[pl.ds(0, CHUNK)]],
            u_rows.at[pl.ds(par * CHUNK, CHUNK)], sem_u).wait()
        pltpu.make_async_copy(
            v_table_hbm.at[v_idx.at[pl.ds(0, CHUNK)]],
            v_rows.at[pl.ds(par * CHUNK, CHUNK)], sem_v).wait()

    lane = lax.iota(jnp.int32, 16)

    def compute(c, par):
        def group_body(g, _):
            vec = jnp.zeros((16,), jnp.float32)
            for j in range(16):
                r = par * CHUNK + g * 16 + j
                acc = (u_rows[r, pl.ds(0, 16)] * v_rows[r, pl.ds(0, 16)]
                       + u_rows[r, pl.ds(16, 16)] * v_rows[r, pl.ds(16, 16)]
                       ) + (
                      u_rows[r, pl.ds(32, 16)] * v_rows[r, pl.ds(32, 16)]
                       + u_rows[r, pl.ds(48, 16)] * v_rows[r, pl.ds(48, 16)])
                vec = jnp.where(lane == j, jnp.sum(acc), vec)
            dots_v[pl.ds(g * 16, 16)] = vec
            return 0

        lax.fori_loop(0, CHUNK // 16, group_body, 0)
        pltpu.sync_copy(dots_v, out_hbm.at[pl.ds(base_w + c * CHUNK, CHUNK)])

    start(0, 0, sem_ua, sem_va)

    def chunk_body(c2, _):
        c = c2 * 2

        @pl.when(c + 1 < N_CHUNKS)
        def _():
            start(c + 1, 1, sem_ub, sem_vb)

        wait(0, sem_ua, sem_va)
        compute(c, 0)

        @pl.when(c + 2 < N_CHUNKS)
        def _():
            start(c + 2, 0, sem_ua, sem_va)

        @pl.when(c + 1 < N_CHUNKS)
        def _():
            wait(1, sem_ub, sem_vb)
            compute(c + 1, 1)

        return 0

    lax.fori_loop(0, (N_CHUNKS + 1) // 2, chunk_body, 0)


_sc_dots = functools.partial(
    pl.kernel,
    mesh=_MESH,
    out_type=jax.ShapeDtypeStruct((TOTAL,), jnp.float32),
    scratch_types=[
        pltpu.VMEM((PER_W,), jnp.int32),
        pltpu.VMEM((PER_W,), jnp.int32),
        pltpu.VMEM((2 * CHUNK, N_HIDDEN), jnp.float32),
        pltpu.VMEM((2 * CHUNK, N_HIDDEN), jnp.float32),
        pltpu.VMEM((CHUNK,), jnp.float32),
        pltpu.SemaphoreType.DMA,
        pltpu.SemaphoreType.DMA,
        pltpu.SemaphoreType.DMA,
        pltpu.SemaphoreType.DMA,
    ],
    compiler_params=_SC_PARAMS,
)(_sc_dots_body)


_ROWS = TOTAL // 128
_POS_ROWS = BATCH // 128


def _tc_loss_body(dots_ref, out_ref):
    x = dots_ref[...]
    row = lax.broadcasted_iota(jnp.int32, (_ROWS, 128), 0)
    sgn = jnp.where(row < _POS_ROWS, 1.0, -1.0).astype(jnp.float32)
    z = x * sgn
    ls = jnp.minimum(z, 0.0) - jnp.log1p(jnp.exp(-jnp.abs(z)))
    out_ref[0, 0] = -jnp.sum(ls)


def kernel(u_pos, v_pos, u_neg, v_neg, u_table, v_table):
    u_idx = jnp.concatenate(
        [u_pos.astype(jnp.int32), u_neg.reshape(-1).astype(jnp.int32)])
    v_idx = jnp.concatenate(
        [v_pos.astype(jnp.int32), v_neg.reshape(-1).astype(jnp.int32)])
    dots = _sc_dots(u_idx, v_idx, u_table, v_table)
    loss = pl.pallas_call(
        _tc_loss_body,
        out_shape=jax.ShapeDtypeStruct((1, 1), jnp.float32),
        out_specs=pl.BlockSpec(memory_space=pltpu.SMEM),
    )(dots.reshape(_ROWS, 128))
    return loss[0, 0]

# --- scband reference (transcript-rebuilt; emitter-appended) ---
"""Pipeline reference for scband-skip-gram-model-25082609009304 (READ-ONLY COPY).

The authoritative reference and input builder live on the scoring server;
editing this copy changes nothing except your own understanding.
"""

import jax, jax.numpy as jnp
import numpy as np

N_TOKENS = 1000000
N_HIDDEN = 64
BATCH = 16384
N_NEG = 5

def setup_inputs(seed: int = 0) -> dict:
    key = jax.random.key(seed)
    k1, k2, k3, k4, k5, k6 = jax.random.split(key, 6)
    u_pos = jax.random.randint(k1, (BATCH,), 0, N_TOKENS)
    v_pos = jax.random.randint(k2, (BATCH,), 0, N_TOKENS)
    u_neg = jax.random.randint(k3, (BATCH, N_NEG), 0, N_TOKENS)
    v_neg = jax.random.randint(k4, (BATCH, N_NEG), 0, N_TOKENS)
    initrange = 0.1
    u_table = jax.random.uniform(k5, (N_TOKENS, N_HIDDEN), dtype=jnp.float32, minval=-initrange, maxval=initrange)
    v_table = jax.random.uniform(k6, (N_TOKENS, N_HIDDEN), dtype=jnp.float32, minval=-initrange, maxval=initrange)
    return {"u_pos": u_pos, "v_pos": v_pos, "u_neg": u_neg, "v_neg": v_neg, "u_table": u_table, "v_table": v_table}

def reference(u_pos, v_pos, u_neg, v_neg, u_table, v_table):
    # Embedding lookups (gathers)
    u_emb = jnp.take(u_table, u_pos, axis=0)
    v_emb = jnp.take(v_table, v_pos, axis=0)
    u_neg_emb = jnp.take(u_table, u_neg.reshape(-1), axis=0)
    v_neg_emb = jnp.take(v_table, v_neg.reshape(-1), axis=0)
    # Positive loss
    loss = jnp.multiply(u_emb, v_emb)
    loss = jnp.sum(loss, axis=1)
    loss = jax.nn.log_sigmoid(loss)
    # Negative loss
    neg_loss = jnp.multiply(u_neg_emb, v_neg_emb)
    neg_loss = jnp.sum(neg_loss, axis=1)
    neg_loss = jax.nn.log_sigmoid(-neg_loss)
    return -1.0 * (jnp.sum(loss) + jnp.sum(neg_loss))

if __name__ == "__main__":
    import jax
    _d = setup_inputs()
    print(jax.jit(kernel)(*tuple(_d.values())))

</pallas_src>

<mosaic_0001>
#map = affine_map<(d0, d1) -> (0)>
#map1 = affine_map<(d0, d1) -> (0, 0)>
module attributes {stable_mosaic.version = 14 : i64} {
  func.func @_sc_dots_body(%arg0: i32, %arg1: i32, %arg2: memref<98304xi32, #tpu.memory_space<hbm>>, %arg3: memref<98304xi32, #tpu.memory_space<hbm>>, %arg4: memref<1000000x64xf32, #tpu.memory_space<hbm>>, %arg5: memref<1000000x64xf32, #tpu.memory_space<hbm>>, %arg6: memref<98304xf32, #tpu.memory_space<hbm>>, %arg7: memref<3072xi32, #tpu.memory_space<vmem>>, %arg8: memref<3072xi32, #tpu.memory_space<vmem>>, %arg9: memref<512x64xf32, #tpu.memory_space<vmem>>, %arg10: memref<512x64xf32, #tpu.memory_space<vmem>>, %arg11: memref<256xf32, #tpu.memory_space<vmem>>, %arg12: memref<!tpu.dma_semaphore, #tpu.memory_space<semaphore_mem>>, %arg13: memref<!tpu.dma_semaphore, #tpu.memory_space<semaphore_mem>>, %arg14: memref<!tpu.dma_semaphore, #tpu.memory_space<semaphore_mem>>, %arg15: memref<!tpu.dma_semaphore, #tpu.memory_space<semaphore_mem>>) attributes {dimension_semantics = [#tpu.dimension_semantics<core_parallel>, #tpu.dimension_semantics<subcore_parallel>], iteration_bounds = array<i64: 2, 16>, scalar_prefetch = 0 : i64, scratch_operands = 9 : i64, tpu.core_type = #tpu.core_type<sc_vector_subcore>, window_params = [{transform_indices = #map}, {transform_indices = #map}, {transform_indices = #map1}, {transform_indices = #map1}, {transform_indices = #map}]} {
    %mul3A = arith.constant 2 : i32
    %mul3A_0 = arith.muli %arg1, %mul3A : i32
    %add3A = arith.addi %mul3A_0, %arg0 : i32
    %mul3A_1 = arith.constant 3072 : i32
    %mul3A_2 = arith.muli %add3A, %mul3A_1 : i32
    "tpu.region"() ({
      %run_scoped3A = tpu.sem_alloc : memref<!tpu.dma_semaphore, #tpu.memory_space<semaphore_mem>>
      %dma_start3A_24 = tpu.memref_slice %arg2[%mul3A_2] : memref<98304xi32, #tpu.memory_space<hbm>> -> memref<3072xi32, #tpu.memory_space<hbm>>
      %dma_start3A_25 = tpu.memref_slice %arg2[%mul3A_2] : memref<98304xi32, #tpu.memory_space<hbm>> -> memref<3072xi32, #tpu.memory_space<hbm>>
      tpu.enqueue_dma source(%dma_start3A_25 : memref<3072xi32, #tpu.memory_space<hbm>>) target(%arg7 : memref<3072xi32, #tpu.memory_space<vmem>>) target_semaphore(%run_scoped3A : memref<!tpu.dma_semaphore, #tpu.memory_space<semaphore_mem>>)
      %dma_wait3A = tpu.memref_slice %arg2[%mul3A_2] : memref<98304xi32, #tpu.memory_space<hbm>> -> memref<3072xi32, #tpu.memory_space<hbm>>
      %dma_wait3A_26 = tpu.memref_slice %arg2[%mul3A_2] : memref<98304xi32, #tpu.memory_space<hbm>> -> memref<3072xi32, #tpu.memory_space<hbm>>
      tpu.wait_dma2 semaphore(%run_scoped3A : memref<!tpu.dma_semaphore, #tpu.memory_space<semaphore_mem>>) src(%dma_wait3A_26 : memref<3072xi32, #tpu.memory_space<hbm>>) dst(%arg7 : memref<3072xi32, #tpu.memory_space<vmem>>)
      tpu.yield
    }) : () -> ()
    "tpu.region"() ({
      %run_scoped3A = tpu.sem_alloc : memref<!tpu.dma_semaphore, #tpu.memory_space<semaphore_mem>>
      %dma_start3A_24 = tpu.memref_slice %arg3[%mul3A_2] : memref<98304xi32, #tpu.memory_space<hbm>> -> memref<3072xi32, #tpu.memory_space<hbm>>
      %dma_start3A_25 = tpu.memref_slice %arg3[%mul3A_2] : memref<98304xi32, #tpu.memory_space<hbm>> -> memref<3072xi32, #tpu.memory_space<hbm>>
      tpu.enqueue_dma source(%dma_start3A_25 : memref<3072xi32, #tpu.memory_space<hbm>>) target(%arg8 : memref<3072xi32, #tpu.memory_space<vmem>>) target_semaphore(%run_scoped3A : memref<!tpu.dma_semaphore, #tpu.memory_space<semaphore_mem>>)
      %dma_wait3A = tpu.memref_slice %arg3[%mul3A_2] : memref<98304xi32, #tpu.memory_space<hbm>> -> memref<3072xi32, #tpu.memory_space<hbm>>
      %dma_wait3A_26 = tpu.memref_slice %arg3[%mul3A_2] : memref<98304xi32, #tpu.memory_space<hbm>> -> memref<3072xi32, #tpu.memory_space<hbm>>
      tpu.wait_dma2 semaphore(%run_scoped3A : memref<!tpu.dma_semaphore, #tpu.memory_space<semaphore_mem>>) src(%dma_wait3A_26 : memref<3072xi32, #tpu.memory_space<hbm>>) dst(%arg8 : memref<3072xi32, #tpu.memory_space<vmem>>)
      tpu.yield
    }) : () -> ()
    %iota3A = tpu.iota {dimensions = array<i32: 0>} : vector<16xi32>
    %dma_start3A = arith.constant 0 : i32
    %dma_start3A_3 = arith.constant 0 : i32
    %dma_start3A_4 = tpu.memref_slice %arg9[%dma_start3A, %dma_start3A_3] : memref<512x64xf32, #tpu.memory_space<vmem>> -> memref<256x64xf32, #tpu.memory_space<vmem>>
    %dma_start3A_5 = arith.constant 0 : i32
    %dma_start3A_6 = tpu.memref_slice %arg7[%dma_start3A_5] : memref<3072xi32, #tpu.memory_space<vmem>> -> memref<256xi32, #tpu.memory_space<vmem>>
    %dma_start3A_7 = arith.constant 0 : i32
    %dma_start3A_8 = arith.constant 0 : i32
    %dma_start3A_9 = tpu.memref_slice %arg4[%dma_start3A_7, %dma_start3A_8] : memref<1000000x64xf32, #tpu.memory_space<hbm>> -> memref<1000000x64xf32, #tpu.memory_space<hbm>>
    tpu.enqueue_indirect_dma source(%dma_start3A_9 : memref<1000000x64xf32, #tpu.memory_space<hbm>>) target(%dma_start3A_4 : memref<256x64xf32, #tpu.memory_space<vmem>>) offsets(%dma_start3A_6 : memref<256xi32, #tpu.memory_space<vmem>>) semaphore(%arg12 : memref<!tpu.dma_semaphore, #tpu.memory_space<semaphore_mem>>)
    %dma_start3A_10 = arith.constant 0 : i32
    %dma_start3A_11 = arith.constant 0 : i32
    %dma_start3A_12 = tpu.memref_slice %arg10[%dma_start3A_10, %dma_start3A_11] : memref<512x64xf32, #tpu.memory_space<vmem>> -> memref<256x64xf32, #tpu.memory_space<vmem>>
    %dma_start3A_13 = arith.constant 0 : i32
    %dma_start3A_14 = tpu.memref_slice %arg8[%dma_start3A_13] : memref<3072xi32, #tpu.memory_space<vmem>> -> memref<256xi32, #tpu.memory_space<vmem>>
    %dma_start3A_15 = arith.constant 0 : i32
    %dma_start3A_16 = arith.constant 0 : i32
    %dma_start3A_17 = tpu.memref_slice %arg5[%dma_start3A_15, %dma_start3A_16] : memref<1000000x64xf32, #tpu.memory_space<hbm>> -> memref<1000000x64xf32, #tpu.memory_space<hbm>>
    tpu.enqueue_indirect_dma source(%dma_start3A_17 : memref<1000000x64xf32, #tpu.memory_space<hbm>>) target(%dma_start3A_12 : memref<256x64xf32, #tpu.memory_space<vmem>>) offsets(%dma_start3A_14 : memref<256xi32, #tpu.memory_space<vmem>>) semaphore(%arg14 : memref<!tpu.dma_semaphore, #tpu.memory_space<semaphore_mem>>)
    %scan3A = arith.constant 0 : i32
    %scan3A_18 = arith.constant 0 : i32
    %scan3A_19 = arith.constant 6 : i32
    %scan3A_20 = arith.addi %scan3A_18, %scan3A_19 : i32
    %scan3A_21 = arith.constant 1 : i32
    %scan3A_22 = scf.for %scan3A_24 = %scan3A_18 to %scan3A_20 step %scan3A_21 iter_args(%scan3A_25 = %scan3A) -> (i32)  : i32 {
      %mul3A_26 = arith.constant 2 : i32
      %mul3A_27 = arith.muli %scan3A_24, %mul3A_26 : i32
      %add3A_28 = arith.constant 1 : i32
      %add3A_29 = arith.addi %mul3A_27, %add3A_28 : i32
      %lt3A = arith.constant 12 : i32
      %lt3A_30 = arith.cmpi slt, %add3A_29, %lt3A : i32
      %convert_element_type3A = arith.extui %lt3A_30 : i1 to i32
      %cond3A = arith.constant 0 : i32
      %cond3A_31 = arith.cmpi ne, %convert_element_type3A, %cond3A : i32
      scf.if %cond3A_31 {
        %add3A_72 = arith.constant 1 : i32
        %add3A_73 = arith.addi %mul3A_27, %add3A_72 : i32
        %mul3A_74 = arith.constant 256 : i32
        %mul3A_75 = arith.muli %add3A_73, %mul3A_74 : i32
        %dma_start3A_76 = arith.constant 256 : i32
        %dma_start3A_77 = arith.constant 0 : i32
        %dma_start3A_78 = tpu.memref_slice %arg9[%dma_start3A_76, %dma_start3A_77] : memref<512x64xf32, #tpu.memory_space<vmem>> -> memref<256x64xf32, #tpu.memory_space<vmem>>
        %dma_start3A_79 = tpu.memref_slice %arg7[%mul3A_75] : memref<3072xi32, #tpu.memory_space<vmem>> -> memref<256xi32, #tpu.memory_space<vmem>>
        %dma_start3A_80 = arith.constant 0 : i32
        %dma_start3A_81 = arith.constant 0 : i32
        %dma_start3A_82 = tpu.memref_slice %arg4[%dma_start3A_80, %dma_start3A_81] : memref<1000000x64xf32, #tpu.memory_space<hbm>> -> memref<1000000x64xf32, #tpu.memory_space<hbm>>
        tpu.enqueue_indirect_dma source(%dma_start3A_82 : memref<1000000x64xf32, #tpu.memory_space<hbm>>) target(%dma_start3A_78 : memref<256x64xf32, #tpu.memory_space<vmem>>) offsets(%dma_start3A_79 : memref<256xi32, #tpu.memory_space<vmem>>) semaphore(%arg13 : memref<!tpu.dma_semaphore, #tpu.memory_space<semaphore_mem>>)
        %mul3A_83 = arith.constant 256 : i32
        %mul3A_84 = arith.muli %add3A_73, %mul3A_83 : i32
        %dma_start3A_85 = arith.constant 256 : i32
        %dma_start3A_86 = arith.constant 0 : i32
        %dma_start3A_87 = tpu.memref_slice %arg10[%dma_start3A_85, %dma_start3A_86] : memref<512x64xf32, #tpu.memory_space<vmem>> -> memref<256x64xf32, #tpu.memory_space<vmem>>
        %dma_start3A_88 = tpu.memref_slice %arg8[%mul3A_84] : memref<3072xi32, #tpu.memory_space<vmem>> -> memref<256xi32, #tpu.memory_space<vmem>>
        %dma_start3A_89 = arith.constant 0 : i32
        %dma_start3A_90 = arith.constant 0 : i32
        %dma_start3A_91 = tpu.memref_slice %arg5[%dma_start3A_89, %dma_start3A_90] : memref<1000000x64xf32, #tpu.memory_space<hbm>> -> memref<1000000x64xf32, #tpu.memory_space<hbm>>
        tpu.enqueue_indirect_dma source(%dma_start3A_91 : memref<1000000x64xf32, #tpu.memory_space<hbm>>) target(%dma_start3A_87 : memref<256x64xf32, #tpu.memory_space<vmem>>) offsets(%dma_start3A_88 : memref<256xi32, #tpu.memory_space<vmem>>) semaphore(%arg15 : memref<!tpu.dma_semaphore, #tpu.memory_space<semaphore_mem>>)
      } else {
      }
      %dma_wait3A = arith.constant 0 : i32
      %dma_wait3A_32 = arith.constant 0 : i32
      %dma_wait3A_33 = tpu.memref_slice %arg9[%dma_wait3A, %dma_wait3A_32] : memref<512x64xf32, #tpu.memory_space<vmem>> -> memref<256x64xf32, #tpu.memory_space<vmem>>
      %dma_wait3A_34 = arith.constant 0 : i32
      %dma_wait3A_35 = tpu.memref_slice %arg7[%dma_wait3A_34] : memref<3072xi32, #tpu.memory_space<vmem>> -> memref<256xi32, #tpu.memory_space<vmem>>
      %dma_wait3A_36 = arith.constant 0 : i32
      %dma_wait3A_37 = arith.constant 0 : i32
      %dma_wait3A_38 = tpu.memref_slice %arg4[%dma_wait3A_36, %dma_wait3A_37] : memref<1000000x64xf32, #tpu.memory_space<hbm>> -> memref<1000000x64xf32, #tpu.memory_space<hbm>>
      tpu.wait_indirect_dma semaphore(%arg12 : memref<!tpu.dma_semaphore, #tpu.memory_space<semaphore_mem>>) src(%dma_wait3A_38 : memref<1000000x64xf32, #tpu.memory_space<hbm>>) dst(%dma_wait3A_33 : memref<256x64xf32, #tpu.memory_space<vmem>>)
      %dma_wait3A_39 = arith.constant 0 : i32
      %dma_wait3A_40 = arith.constant 0 : i32
      %dma_wait3A_41 = tpu.memref_slice %arg10[%dma_wait3A_39, %dma_wait3A_40] : memref<512x64xf32, #tpu.memory_space<vmem>> -> memref<256x64xf32, #tpu.memory_space<vmem>>
      %dma_wait3A_42 = arith.constant 0 : i32
      %dma_wait3A_43 = tpu.memref_slice %arg8[%dma_wait3A_42] : memref<3072xi32, #tpu.memory_space<vmem>> -> memref<256xi32, #tpu.memory_space<vmem>>
      %dma_wait3A_44 = arith.constant 0 : i32
      %dma_wait3A_45 = arith.constant 0 : i32
      %dma_wait3A_46 = tpu.memref_slice %arg5[%dma_wait3A_44, %dma_wait3A_45] : memref<1000000x64xf32, #tpu.memory_space<hbm>> -> memref<1000000x64xf32, #tpu.memory_space<hbm>>
      tpu.wait_indirect_dma semaphore(%arg14 : memref<!tpu.dma_semaphore, #tpu.memory_space<semaphore_mem>>) src(%dma_wait3A_46 : memref<1000000x64xf32, #tpu.memory_space<hbm>>) dst(%dma_wait3A_41 : memref<256x64xf32, #tpu.memory_space<vmem>>)
      %scan3A_47 = arith.constant 0 : i32
      %scan3A_48 = arith.constant 0 : i32
      %scan3A_49 = arith.constant 16 : i32
      %scan3A_50 = arith.addi %scan3A_48, %scan3A_49 : i32
      %scan3A_51 = arith.constant 1 : i32
      %scan3A_52 = scf.for %scan3A_72 = %scan3A_48 to %scan3A_50 step %scan3A_51 iter_args(%scan3A_73 = %scan3A_47) -> (i32)  : i32 {
        %broadcast_in_dim3A = arith.constant 0.000000e+00 : f32
        %broadcast_in_dim3A_74 = vector.broadcast %broadcast_in_dim3A : f32 to vector<16xf32>
        %mul3A_75 = arith.constant 16 : i32
        %mul3A_76 = arith.muli %scan3A_72, %mul3A_75 : i32
        %add3A_77 = arith.constant 0 : i32
        %add3A_78 = arith.addi %add3A_77, %mul3A_76 : i32
        %add3A_79 = arith.constant 0 : i32
        %add3A_80 = arith.addi %add3A_78, %add3A_79 : i32
        %get3A = arith.index_cast %add3A_80 : i32 to index
        %get3A_81 = arith.constant 0 : index
        %get3A_82 = tpu.vector_load %arg9[%get3A, %get3A_81] {strides = array<i32>} : memref<512x64xf32, #tpu.memory_space<vmem>>, vector<16xf32>,
        %get3A_83 = arith.index_cast %add3A_80 : i32 to index
        %get3A_84 = arith.constant 0 : index
        %get3A_85 = tpu.vector_load %arg10[%get3A_83, %get3A_84] {strides = array<i32>} : memref<512x64xf32, #tpu.memory_space<vmem>>, vector<16xf32>,
        %mul3A_86 = arith.mulf %get3A_82, %get3A_85 : vector<16xf32>
        %get3A_87 = arith.index_cast %add3A_80 : i32 to index
        %get3A_88 = arith.constant 16 : index
        %get3A_89 = tpu.vector_load %arg9[%get3A_87, %get3A_88] {strides = array<i32>} : memref<512x64xf32, #tpu.memory_space<vmem>>, vector<16xf32>,
        %get3A_90 = arith.index_cast %add3A_80 : i32 to index
        %get3A_91 = arith.constant 16 : index
        %get3A_92 = tpu.vector_load %arg10[%get3A_90, %get3A_91] {strides = array<i32>} : memref<512x64xf32, #tpu.memory_space<vmem>>, vector<16xf32>,
        %mul3A_93 = arith.mulf %get3A_89, %get3A_92 : vector<16xf32>
        %add3A_94 = arith.addf %mul3A_86, %mul3A_93 : vector<16xf32>
        %get3A_95 = arith.index_cast %add3A_80 : i32 to index
        %get3A_96 = arith.constant 32 : index
        %get3A_97 = tpu.vector_load %arg9[%get3A_95, %get3A_96] {strides = array<i32>} : memref<512x64xf32, #tpu.memory_space<vmem>>, vector<16xf32>,
        %get3A_98 = arith.index_cast %add3A_80 : i32 to index
        %get3A_99 = arith.constant 32 : index
        %get3A_100 = tpu.vector_load %arg10[%get3A_98, %get3A_99] {strides = array<i32>} : memref<512x64xf32, #tpu.memory_space<vmem>>, vector<16xf32>,
        %mul3A_101 = arith.mulf %get3A_97, %get3A_100 : vector<16xf32>
        %get3A_102 = arith.index_cast %add3A_80 : i32 to index
        %get3A_103 = arith.constant 48 : index
        %get3A_104 = tpu.vector_load %arg9[%get3A_102, %get3A_103] {strides = array<i32>} : memref<512x64xf32, #tpu.memory_space<vmem>>, vector<16xf32>,
        %get3A_105 = arith.index_cast %add3A_80 : i32 to index
        %get3A_106 = arith.constant 48 : index
        %get3A_107 = tpu.vector_load %arg10[%get3A_105, %get3A_106] {strides = array<i32>} : memref<512x64xf32, #tpu.memory_space<vmem>>, vector<16xf32>,
        %mul3A_108 = arith.mulf %get3A_104, %get3A_107 : vector<16xf32>
        %add3A_109 = arith.addf %mul3A_101, %mul3A_108 : vector<16xf32>
        %add3A_110 = arith.addf %add3A_94, %add3A_109 : vector<16xf32>
        %eq3A = arith.constant 0 : i32
        %eq3A_111 = vector.broadcast %eq3A : i32 to vector<16xi32>
        %eq3A_112 = arith.cmpi eq, %iota3A, %eq3A_111 : vector<16xi32>
        %reduce_sum3A = arith.constant true
        %reduce_sum3A_113 = vector.broadcast %reduce_sum3A : i1 to vector<16xi1>
        %reduce_sum3A_114 = tpu.scan <sum>, %add3A_110 masked %reduce_sum3A_113 : vector<16xf32>, vector<16xi1> -> vector<16xf32>
        %reduce_sum3A_115 = vector.extract %reduce_sum3A_114[15] : f32 from vector<16xf32>
        %broadcast_in_dim3A_116 = vector.broadcast %reduce_sum3A_115 : f32 to vector<16xf32>
        %select_n3A = arith.select %eq3A_112, %broadcast_in_dim3A_116, %broadcast_in_dim3A_74 : vector<16xi1>, vector<16xf32>
        %mul3A_117 = arith.constant 16 : i32
        %mul3A_118 = arith.muli %scan3A_72, %mul3A_117 : i32
        %add3A_119 = arith.constant 0 : i32
        %add3A_120 = arith.addi %add3A_119, %mul3A_118 : i32
        %add3A_121 = arith.constant 1 : i32
        %add3A_122 = arith.addi %add3A_120, %add3A_121 : i32
        %get3A_123 = arith.index_cast %add3A_122 : i32 to index
        %get3A_124 = arith.constant 0 : index
        %get3A_125 = tpu.vector_load %arg9[%get3A_123, %get3A_124] {strides = array<i32>} : memref<512x64xf32, #tpu.memory_space<vmem>>, vector<16xf32>,
        %get3A_126 = arith.index_cast %add3A_122 : i32 to index
        %get3A_127 = arith.constant 0 : index
        %get3A_128 = tpu.vector_load %arg10[%get3A_126, %get3A_127] {strides = array<i32>} : memref<512x64xf32, #tpu.memory_space<vmem>>, vector<16xf32>,
        %mul3A_129 = arith.mulf %get3A_125, %get3A_128 : vector<16xf32>
        %get3A_130 = arith.index_cast %add3A_122 : i32 to index
        %get3A_131 = arith.constant 16 : index
        %get3A_132 = tpu.vector_load %arg9[%get3A_130, %get3A_131] {strides = array<i32>} : memref<512x64xf32, #tpu.memory_space<vmem>>, vector<16xf32>,
        %get3A_133 = arith.index_cast %add3A_122 : i32 to index
        %get3A_134 = arith.constant 16 : index
        %get3A_135 = tpu.vector_load %arg10[%get3A_133, %get3A_134] {strides = array<i32>} : memref<512x64xf32, #tpu.memory_space<vmem>>, vector<16xf32>,
        %mul3A_136 = arith.mulf %get3A_132, %get3A_135 : vector<16xf32>
        %add3A_137 = arith.addf %mul3A_129, %mul3A_136 : vector<16xf32>
        %get3A_138 = arith.index_cast %add3A_122 : i32 to index
        %get3A_139 = arith.constant 32 : index
        %get3A_140 = tpu.vector_load %arg9[%get3A_138, %get3A_139] {strides = array<i32>} : memref<512x64xf32, #tpu.memory_space<vmem>>, vector<16xf32>,
        %get3A_141 = arith.index_cast %add3A_122 : i32 to index
        %get3A_142 = arith.constant 32 : index
        %get3A_143 = tpu.vector_load %arg10[%get3A_141, %get3A_142] {strides = array<i32>} : memref<512x64xf32, #tpu.memory_space<vmem>>, vector<16xf32>,
        %mul3A_144 = arith.mulf %get3A_140, %get3A_143 : vector<16xf32>
        %get3A_145 = arith.index_cast %add3A_122 : i32 to index
        %get3A_146 = arith.constant 48 : index
        %get3A_147 = tpu.vector_load %arg9[%get3A_145, %get3A_146] {strides = array<i32>} : memref<512x64xf32, #tpu.memory_space<vmem>>, vector<16xf32>,
        %get3A_148 = arith.index_cast %add3A_122 : i32 to index
        %get3A_149 = arith.constant 48 : index
        %get3A_150 = tpu.vector_load %arg10[%get3A_148, %get3A_149] {strides = array<i32>} : memref<512x64xf32, #tpu.memory_space<vmem>>, vector<16xf32>,
        %mul3A_151 = arith.mulf %get3A_147, %get3A_150 : vector<16xf32>
        %add3A_152 = arith.addf %mul3A_144, %mul3A_151 : vector<16xf32>
        %add3A_153 = arith.addf %add3A_137, %add3A_152 : vector<16xf32>
        %eq3A_154 = arith.constant 1 : i32
        %eq3A_155 = vector.broadcast %eq3A_154 : i32 to vector<16xi32>
        %eq3A_156 = arith.cmpi eq, %iota3A, %eq3A_155 : vector<16xi32>
        %reduce_sum3A_157 = arith.constant true
        %reduce_sum3A_158 = vector.broadcast %reduce_sum3A_157 : i1 to vector<16xi1>
        %reduce_sum3A_159 = tpu.scan <sum>, %add3A_153 masked %reduce_sum3A_158 : vector<16xf32>, vector<16xi1> -> vector<16xf32>
        %reduce_sum3A_160 = vector.extract %reduce_sum3A_159[15] : f32 from vector<16xf32>
        %broadcast_in_dim3A_161 = vector.broadcast %reduce_sum3A_160 : f32 to vector<16xf32>
        %select_n3A_162 = arith.select %eq3A_156, %broadcast_in_dim3A_161, %select_n3A : vector<16xi1>, vector<16xf32>
        %mul3A_163 = arith.constant 16 : i32
        %mul3A_164 = arith.muli %scan3A_72, %mul3A_163 : i32
        %add3A_165 = arith.constant 0 : i32
        %add3A_166 = arith.addi %add3A_165, %mul3A_164 : i32
        %add3A_167 = arith.constant 2 : i32
        %add3A_168 = arith.addi %add3A_166, %add3A_167 : i32
        %get3A_169 = arith.index_cast %add3A_168 : i32 to index
        %get3A_170 = arith.constant 0 : index
        %get3A_171 = tpu.vector_load %arg9[%get3A_169, %get3A_170] {strides = array<i32>} : memref<512x64xf32, #tpu.memory_space<vmem>>, vector<16xf32>,
        %get3A_172 = arith.index_cast %add3A_168 : i32 to index
        %get3A_173 = arith.constant 0 : index
        %get3A_174 = tpu.vector_load %arg10[%get3A_172, %get3A_173] {strides = array<i32>} : memref<512x64xf32, #tpu.memory_space<vmem>>, vector<16xf32>,
        %mul3A_175 = arith.mulf %get3A_171, %get3A_174 : vector<16xf32>
        %get3A_176 = arith.index_cast %add3A_168 : i32 to index
        %get3A_177 = arith.constant 16 : index
        %get3A_178 = tpu.vector_load %arg9[%get3A_176, %get3A_177] {strides = array<i32>} : memref<512x64xf32, #tpu.memory_space<vmem>>, vector<16xf32>,
        %get3A_179 = arith.index_cast %add3A_168 : i32 to index
        %get3A_180 = arith.constant 16 : index
        %get3A_181 = tpu.vector_load %arg10[%get3A_179, %get3A_180] {strides = array<i32>} : memref<512x64xf32, #tpu.memory_space<vmem>>, vector<16xf32>,
        %mul3A_182 = arith.mulf %get3A_178, %get3A_181 : vector<16xf32>
        %add3A_183 = arith.addf %mul3A_175, %mul3A_182 : vector<16xf32>
        %get3A_184 = arith.index_cast %add3A_168 : i32 to index
        %get3A_185 = arith.constant 32 : index
        %get3A_186 = tpu.vector_load %arg9[%get3A_184, %get3A_185] {strides = array<i32>} : memref<512x64xf32, #tpu.memory_space<vmem>>, vector<16xf32>,
        %get3A_187 = arith.index_cast %add3A_168 : i32 to index
        %get3A_188 = arith.constant 32 : index
        %get3A_189 = tpu.vector_load %arg10[%get3A_187, %get3A_188] {strides = array<i32>} : memref<512x64xf32, #tpu.memory_space<vmem>>, vector<16xf32>,
        %mul3A_190 = arith.mulf %get3A_186, %get3A_189 : vector<16xf32>
        %get3A_191 = arith.index_cast %add3A_168 : i32 to index
        %get3A_192 = arith.constant 48 : index
        %get3A_193 = tpu.vector_load %arg9[%get3A_191, %get3A_192] {strides = array<i32>} : memref<512x64xf32, #tpu.memory_space<vmem>>, vector<16xf32>,
        %get3A_194 = arith.index_cast %add3A_168 : i32 to index
        %get3A_195 = arith.constant 48 : index
        %get3A_196 = tpu.vector_load %arg10[%get3A_194, %get3A_195] {strides = array<i32>} : memref<512x64xf32, #tpu.memory_space<vmem>>, vector<16xf32>,
        %mul3A_197 = arith.mulf %get3A_193, %get3A_196 : vector<16xf32>
        %add3A_198 = arith.addf %mul3A_190, %mul3A_197 : vector<16xf32>
        %add3A_199 = arith.addf %add3A_183, %add3A_198 : vector<16xf32>
        %eq3A_200 = arith.constant 2 : i32
        %eq3A_201 = vector.broadcast %eq3A_200 : i32 to vector<16xi32>
        %eq3A_202 = arith.cmpi eq, %iota3A, %eq3A_201 : vector<16xi32>
        %reduce_sum3A_203 = arith.constant true
        %reduce_sum3A_204 = vector.broadcast %reduce_sum3A_203 : i1 to vector<16xi1>
        %reduce_sum3A_205 = tpu.scan <sum>, %add3A_199 masked %reduce_sum3A_204 : vector<16xf32>, vector<16xi1> -> vector<16xf32>
        %reduce_sum3A_206 = vector.extract %reduce_sum3A_205[15] : f32 from vector<16xf32>
        %broadcast_in_dim3A_207 = vector.broadcast %reduce_sum3A_206 : f32 to vector<16xf32>
        %select_n3A_208 = arith.select %eq3A_202, %broadcast_in_dim3A_207, %select_n3A_162 : vector<16xi1>, vector<16xf32>
        %mul3A_209 = arith.constant 16 : i32
        %mul3A_210 = arith.muli %scan3A_72, %mul3A_209 : i32
        %add3A_211 = arith.constant 0 : i32
        %add3A_212 = arith.addi %add3A_211, %mul3A_210 : i32
        %add3A_213 = arith.constant 3 : i32
        %add3A_214 = arith.addi %add3A_212, %add3A_213 : i32
        %get3A_215 = arith.index_cast %add3A_214 : i32 to index
        %get3A_216 = arith.constant 0 : index
        %get3A_217 = tpu.vector_load %arg9[%get3A_215, %get3A_216] {strides = array<i32>} : memref<512x64xf32, #tpu.memory_space<vmem>>, vector<16xf32>,
        %get3A_218 = arith.index_cast %add3A_214 : i32 to index
        %get3A_219 = arith.constant 0 : index
        %get3A_220 = tpu.vector_load %arg10[%get3A_218, %get3A_219] {strides = array<i32>} : memref<512x64xf32, #tpu.memory_space<vmem>>, vector<16xf32>,
        %mul3A_221 = arith.mulf %get3A_217, %get3A_220 : vector<16xf32>
        %get3A_222 = arith.index_cast %add3A_214 : i32 to index
        %get3A_223 = arith.constant 16 : index
        %get3A_224 = tpu.vector_load %arg9[%get3A_222, %get3A_223] {strides = array<i32>} : memref<512x64xf32, #tpu.memory_space<vmem>>, vector<16xf32>,
        %get3A_225 = arith.index_cast %add3A_214 : i32 to index
        %get3A_226 = arith.constant 16 : index
        %get3A_227 = tpu.vector_load %arg10[%get3A_225, %get3A_226] {strides = array<i32>} : memref<512x64xf32, #tpu.memory_space<vmem>>, vector<16xf32>,
        %mul3A_228 = arith.mulf %get3A_224, %get3A_227 : vector<16xf32>
        %add3A_229 = arith.addf %mul3A_221, %mul3A_228 : vector<16xf32>
        %get3A_230 = arith.index_cast %add3A_214 : i32 to index
        %get3A_231 = arith.constant 32 : index
        %get3A_232 = tpu.vector_load %arg9[%get3A_230, %get3A_231] {strides = array<i32>} : memref<512x64xf32, #tpu.memory_space<vmem>>, vector<16xf32>,
        %get3A_233 = arith.index_cast %add3A_214 : i32 to index
        %get3A_234 = arith.constant 32 : index
        %get3A_235 = tpu.vector_load %arg10[%get3A_233, %get3A_234] {strides = array<i32>} : memref<512x64xf32, #tpu.memory_space<vmem>>, vector<16xf32>,
        %mul3A_236 = arith.mulf %get3A_232, %get3A_235 : vector<16xf32>
        %get3A_237 = arith.index_cast %add3A_214 : i32 to index
        %get3A_238 = arith.constant 48 : index
        %get3A_239 = tpu.vector_load %arg9[%get3A_237, %get3A_238] {strides = array<i32>} : memref<512x64xf32, #tpu.memory_space<vmem>>, vector<16xf32>,
        %get3A_240 = arith.index_cast %add3A_214 : i32 to index
        %get3A_241 = arith.constant 48 : index
        %get3A_242 = tpu.vector_load %arg10[%get3A_240, %get3A_241] {strides = array<i32>} : memref<512x64xf32, #tpu.memory_space<vmem>>, vector<16xf32>,
        %mul3A_243 = arith.mulf %get3A_239, %get3A_242 : vector<16xf32>
        %add3A_244 = arith.addf %mul3A_236, %mul3A_243 : vector<16xf32>
        %add3A_245 = arith.addf %add3A_229, %add3A_244 : vector<16xf32>
        %eq3A_246 = arith.constant 3 : i32
        %eq3A_247 = vector.broadcast %eq3A_246 : i32 to vector<16xi32>
        %eq3A_248 = arith.cmpi eq, %iota3A, %eq3A_247 : vector<16xi32>
        %reduce_sum3A_249 = arith.constant true
        %reduce_sum3A_250 = vector.broadcast %reduce_sum3A_249 : i1 to vector<16xi1>
        %reduce_sum3A_251 = tpu.scan <sum>, %add3A_245 masked %reduce_sum3A_250 : vector<16xf32>, vector<16xi1> -> vector<16xf32>
        %reduce_sum3A_252 = vector.extract %reduce_sum3A_251[15] : f32 from vector<16xf32>
        %broadcast_in_dim3A_253 = vector.broadcast %reduce_sum3A_252 : f32 to vector<16xf32>
        %select_n3A_254 = arith.select %eq3A_248, %broadcast_in_dim3A_253, %select_n3A_208 : vector<16xi1>, vector<16xf32>
        %mul3A_255 = arith.constant 16 : i32
        %mul3A_256 = arith.muli %scan3A_72, %mul3A_255 : i32
        %add3A_257 = arith.constant 0 : i32
        %add3A_258 = arith.addi %add3A_257, %mul3A_256 : i32
        %add3A_259 = arith.constant 4 : i32
        %add3A_260 = arith.addi %add3A_258, %add3A_259 : i32
        %get3A_261 = arith.index_cast %add3A_260 : i32 to index
        %get3A_262 = arith.constant 0 : index
        %get3A_263 = tpu.vector_load %arg9[%get3A_261, %get3A_262] {strides = array<i32>} : memref<512x64xf32, #tpu.memory_space<vmem>>, vector<16xf32>,
        %get3A_264 = arith.index_cast %add3A_260 : i32 to index
        %get3A_265 = arith.constant 0 : index
        %get3A_266 = tpu.vector_load %arg10[%get3A_264, %get3A_265] {strides = array<i32>} : memref<512x64xf32, #tpu.memory_space<vmem>>, vector<16xf32>,
        %mul3A_267 = arith.mulf %get3A_263, %get3A_266 : vector<16xf32>
        %get3A_268 = arith.index_cast %add3A_260 : i32 to index
        %get3A_269 = arith.constant 16 : index
        %get3A_270 = tpu.vector_load %arg9[%get3A_268, %get3A_269] {strides = array<i32>} : memref<512x64xf32, #tpu.memory_space<vmem>>, vector<16xf32>,
        %get3A_271 = arith.index_cast %add3A_260 : i32 to index
        %get3A_272 = arith.constant 16 : index
        %get3A_273 = tpu.vector_load %arg10[%get3A_271, %get3A_272] {strides = array<i32>} : memref<512x64xf32, #tpu.memory_space<vmem>>, vector<16xf32>,
        %mul3A_274 = arith.mulf %get3A_270, %get3A_273 : vector<16xf32>
        %add3A_275 = arith.addf %mul3A_267, %mul3A_274 : vector<16xf32>
        %get3A_276 = arith.index_cast %add3A_260 : i32 to index
        %get3A_277 = arith.constant 32 : index
        %get3A_278 = tpu.vector_load %arg9[%get3A_276, %get3A_277] {strides = array<i32>} : memref<512x64xf32, #tpu.memory_space<vmem>>, vector<16xf32>,
        %get3A_279 = arith.index_cast %add3A_260 : i32 to index
        %get3A_280 = arith.constant 32 : index
        %get3A_281 = tpu.vector_load %arg10[%get3A_279, %get3A_280] {strides = array<i32>} : memref<512x64xf32, #tpu.memory_space<vmem>>, vector<16xf32>,
        %mul3A_282 = arith.mulf %get3A_278, %get3A_281 : vector<16xf32>
        %get3A_283 = arith.index_cast %add3A_260 : i32 to index
        %get3A_284 = arith.constant 48 : index
        %get3A_285 = tpu.vector_load %arg9[%get3A_283, %get3A_284] {strides = array<i32>} : memref<512x64xf32, #tpu.memory_space<vmem>>, vector<16xf32>,
        %get3A_286 = arith.index_cast %add3A_260 : i32 to index
        %get3A_287 = arith.constant 48 : index
        %get3A_288 = tpu.vector_load %arg10[%get3A_286, %get3A_287] {strides = array<i32>} : memref<512x64xf32, #tpu.memory_space<vmem>>, vector<16xf32>,
        %mul3A_289 = arith.mulf %get3A_285, %get3A_288 : vector<16xf32>
        %add3A_290 = arith.addf %mul3A_282, %mul3A_289 : vector<16xf32>
        %add3A_291 = arith.addf %add3A_275, %add3A_290 : vector<16xf32>
        %eq3A_292 = arith.constant 4 : i32
        %eq3A_293 = vector.broadcast %eq3A_292 : i32 to vector<16xi32>
        %eq3A_294 = arith.cmpi eq, %iota3A, %eq3A_293 : vector<16xi32>
        %reduce_sum3A_295 = arith.constant true
        %reduce_sum3A_296 = vector.broadcast %reduce_sum3A_295 : i1 to vector<16xi1>
        %reduce_sum3A_297 = tpu.scan <sum>, %add3A_291 masked %reduce_sum3A_296 : vector<16xf32>, vector<16xi1> -> vector<16xf32>
        %reduce_sum3A_298 = vector.extract %reduce_sum3A_297[15] : f32 from vector<16xf32>
        %broadcast_in_dim3A_299 = vector.broadcast %reduce_sum3A_298 : f32 to vector<16xf32>
        %select_n3A_300 = arith.select %eq3A_294, %broadcast_in_dim3A_299, %select_n3A_254 : vector<16xi1>, vector<16xf32>
        %mul3A_301 = arith.constant 16 : i32
        %mul3A_302 = arith.muli %scan3A_72, %mul3A_301 : i32
        %add3A_303 = arith.constant 0 : i32
        %add3A_304 = arith.addi %add3A_303, %mul3A_302 : i32
        %add3A_305 = arith.constant 5 : i32
        %add3A_306 = arith.addi %add3A_304, %add3A_305 : i32
        %get3A_307 = arith.index_cast %add3A_306 : i32 to index
        %get3A_308 = arith.constant 0 : index
        %get3A_309 = tpu.vector_load %arg9[%get3A_307, %get3A_308] {strides = array<i32>} : memref<512x64xf32, #tpu.memory_space<vmem>>, vector<16xf32>,
        %get3A_310 = arith.index_cast %add3A_306 : i32 to index
        %get3A_311 = arith.constant 0 : index
        %get3A_312 = tpu.vector_load %arg10[%get3A_310, %get3A_311] {strides = array<i32>} : memref<512x64xf32, #tpu.memory_space<vmem>>, vector<16xf32>,
        %mul3A_313 = arith.mulf %get3A_309, %get3A_312 : vector<16xf32>
        %get3A_314 = arith.index_cast %add3A_306 : i32 to index
        %get3A_315 = arith.constant 16 : index
        %get3A_316 = tpu.vector_load %arg9[%get3A_314, %get3A_315] {strides = array<i32>} : memref<512x64xf32, #tpu.memory_space<vmem>>, vector<16xf32>,
        %get3A_317 = arith.index_cast %add3A_306 : i32 to index
        %get3A_318 = arith.constant 16 : index
        %get3A_319 = tpu.vector_load %arg10[%get3A_317, %get3A_318] {strides = array<i32>} : memref<512x64xf32, #tpu.memory_space<vmem>>, vector<16xf32>,
        %mul3A_320 = arith.mulf %get3A_316, %get3A_319 : vector<16xf32>
        %add3A_321 = arith.addf %mul3A_313, %mul3A_320 : vector<16xf32>
        %get3A_322 = arith.index_cast %add3A_306 : i32 to index
        %get3A_323 = arith.constant 32 : index
        %get3A_324 = tpu.vector_load %arg9[%get3A_322, %get3A_323] {strides = array<i32>} : memref<512x64xf32, #tpu.memory_space<vmem>>, vector<16xf32>,
        %get3A_325 = arith.index_cast %add3A_306 : i32 to index
        %get3A_326 = arith.constant 32 : index
        %get3A_327 = tpu.vector_load %arg10[%get3A_325, %get3A_326] {strides = array<i32>} : memref<512x64xf32, #tpu.memory_space<vmem>>, vector<16xf32>,
        %mul3A_328 = arith.mulf %get3A_324, %get3A_327 : vector<16xf32>
        %get3A_329 = arith.index_cast %add3A_306 : i32 to index
        %get3A_330 = arith.constant 48 : index
        %get3A_331 = tpu.vector_load %arg9[%get3A_329, %get3A_330] {strides = array<i32>} : memref<512x64xf32, #tpu.memory_space<vmem>>, vector<16xf32>,
        %get3A_332 = arith.index_cast %add3A_306 : i32 to index
        %get3A_333 = arith.constant 48 : index
        %get3A_334 = tpu.vector_load %arg10[%get3A_332, %get3A_333] {strides = array<i32>} : memref<512x64xf32, #tpu.memory_space<vmem>>, vector<16xf32>,
        %mul3A_335 = arith.mulf %get3A_331, %get3A_334 : vector<16xf32>
        %add3A_336 = arith.addf %mul3A_328, %mul3A_335 : vector<16xf32>
        %add3A_337 = arith.addf %add3A_321, %add3A_336 : vector<16xf32>
        %eq3A_338 = arith.constant 5 : i32
        %eq3A_339 = vector.broadcast %eq3A_338 : i32 to vector<16xi32>
        %eq3A_340 = arith.cmpi eq, %iota3A, %eq3A_339 : vector<16xi32>
        %reduce_sum3A_341 = arith.constant true
        %reduce_sum3A_342 = vector.broadcast %reduce_sum3A_341 : i1 to vector<16xi1>
        %reduce_sum3A_343 = tpu.scan <sum>, %add3A_337 masked %reduce_sum3A_342 : vector<16xf32>, vector<16xi1> -> vector<16xf32>
        %reduce_sum3A_344 = vector.extract %reduce_sum3A_343[15] : f32 from vector<16xf32>
        %broadcast_in_dim3A_345 = vector.broadcast %reduce_sum3A_344 : f32 to vector<16xf32>
        %select_n3A_346 = arith.select %eq3A_340, %broadcast_in_dim3A_345, %select_n3A_300 : vector<16xi1>, vector<16xf32>
        %mul3A_347 = arith.constant 16 : i32
        %mul3A_348 = arith.muli %scan3A_72, %mul3A_347 : i32
        %add3A_349 = arith.constant 0 : i32
        %add3A_350 = arith.addi %add3A_349, %mul3A_348 : i32
        %add3A_351 = arith.constant 6 : i32
        %add3A_352 = arith.addi %add3A_350, %add3A_351 : i32
        %get3A_353 = arith.index_cast %add3A_352 : i32 to index
        %get3A_354 = arith.constant 0 : index
        %get3A_355 = tpu.vector_load %arg9[%get3A_353, %get3A_354] {strides = array<i32>} : memref<512x64xf32, #tpu.memory_space<vmem>>, vector<16xf32>,
        %get3A_356 = arith.index_cast %add3A_352 : i32 to index
        %get3A_357 = arith.constant 0 : index
        %get3A_358 = tpu.vector_load %arg10[%get3A_356, %get3A_357] {strides = array<i32>} : memref<512x64xf32, #tpu.memory_space<vmem>>, vector<16xf32>,
        %mul3A_359 = arith.mulf %get3A_355, %get3A_358 : vector<16xf32>
        %get3A_360 = arith.index_cast %add3A_352 : i32 to index
        %get3A_361 = arith.constant 16 : index
        %get3A_362 = tpu.vector_load %arg9[%get3A_360, %get3A_361] {strides = array<i32>} : memref<512x64xf32, #tpu.memory_space<vmem>>, vector<16xf32>,
        %get3A_363 = arith.index_cast %add3A_352 : i32 to index
        %get3A_364 = arith.constant 16 : index
        %get3A_365 = tpu.vector_load %arg10[%get3A_363, %get3A_364] {strides = array<i32>} : memref<512x64xf32, #tpu.memory_space<vmem>>, vector<16xf32>,
        %mul3A_366 = arith.mulf %get3A_362, %get3A_365 : vector<16xf32>
        %add3A_367 = arith.addf %mul3A_359, %mul3A_366 : vector<16xf32>
        %get3A_368 = arith.index_cast %add3A_352 : i32 to index
        %get3A_369 = arith.constant 32 : index
        %get3A_370 = tpu.vector_load %arg9[%get3A_368, %get3A_369] {strides = array<i32>} : memref<512x64xf32, #tpu.memory_space<vmem>>, vector<16xf32>,
        %get3A_371 = arith.index_cast %add3A_352 : i32 to index
        %get3A_372 = arith.constant 32 : index
        %get3A_373 = tpu.vector_load %arg10[%get3A_371, %get3A_372] {strides = array<i32>} : memref<512x64xf32, #tpu.memory_space<vmem>>, vector<16xf32>,
        %mul3A_374 = arith.mulf %get3A_370, %get3A_373 : vector<16xf32>
        %get3A_375 = arith.index_cast %add3A_352 : i32 to index
        %get3A_376 = arith.constant 48 : index
        %get3A_377 = tpu.vector_load %arg9[%get3A_375, %get3A_376] {strides = array<i32>} : memref<512x64xf32, #tpu.memory_space<vmem>>, vector<16xf32>,
        %get3A_378 = arith.index_cast %add3A_352 : i32 to index
        %get3A_379 = arith.constant 48 : index
        %get3A_380 = tpu.vector_load %arg10[%get3A_378, %get3A_379] {strides = array<i32>} : memref<512x64xf32, #tpu.memory_space<vmem>>, vector<16xf32>,
        %mul3A_381 = arith.mulf %get3A_377, %get3A_380 : vector<16xf32>
        %add3A_382 = arith.addf %mul3A_374, %mul3A_381 : vector<16xf32>
        %add3A_383 = arith.addf %add3A_367, %add3A_382 : vector<16xf32>
        %eq3A_384 = arith.constant 6 : i32
        %eq3A_385 = vector.broadcast %eq3A_384 : i32 to vector<16xi32>
        %eq3A_386 = arith.cmpi eq, %iota3A, %eq3A_385 : vector<16xi32>
        %reduce_sum3A_387 = arith.constant true
        %reduce_sum3A_388 = vector.broadcast %reduce_sum3A_387 : i1 to vector<16xi1>
        %reduce_sum3A_389 = tpu.scan <sum>, %add3A_383 masked %reduce_sum3A_388 : vector<16xf32>, vector<16xi1> -> vector<16xf32>
        %reduce_sum3A_390 = vector.extract %reduce_sum3A_389[15] : f32 from vector<16xf32>
        %broadcast_in_dim3A_391 = vector.broadcast %reduce_sum3A_390 : f32 to vector<16xf32>
        %select_n3A_392 = arith.select %eq3A_386, %broadcast_in_dim3A_391, %select_n3A_346 : vector<16xi1>, vector<16xf32>
        %mul3A_393 = arith.constant 16 : i32
        %mul3A_394 = arith.muli %scan3A_72, %mul3A_393 : i32
        %add3A_395 = arith.constant 0 : i32
        %add3A_396 = arith.addi %add3A_395, %mul3A_394 : i32
        %add3A_397 = arith.constant 7 : i32
        %add3A_398 = arith.addi %add3A_396, %add3A_397 : i32
        %get3A_399 = arith.index_cast %add3A_398 : i32 to index
        %get3A_400 = arith.constant 0 : index
        %get3A_401 = tpu.vector_load %arg9[%get3A_399, %get3A_400] {strides = array<i32>} : memref<512x64xf32, #tpu.memory_space<vmem>>, vector<16xf32>,
        %get3A_402 = arith.index_cast %add3A_398 : i32 to index
        %get3A_403 = arith.constant 0 : index
        %get3A_404 = tpu.vector_load %arg10[%get3A_402, %get3A_403] {strides = array<i32>} : memref<512x64xf32, #tpu.memory_space<vmem>>, vector<16xf32>,
        %mul3A_405 = arith.mulf %get3A_401, %get3A_404 : vector<16xf32>
        %get3A_406 = arith.index_cast %add3A_398 : i32 to index
        %get3A_407 = arith.constant 16 : index
        %get3A_408 = tpu.vector_load %arg9[%get3A_406, %get3A_407] {strides = array<i32>} : memref<512x64xf32, #tpu.memory_space<vmem>>, vector<16xf32>,
        %get3A_409 = arith.index_cast %add3A_398 : i32 to index
        %get3A_410 = arith.constant 16 : index
        %get3A_411 = tpu.vector_load %arg10[%get3A_409, %get3A_410] {strides = array<i32>} : memref<512x64xf32, #tpu.memory_space<vmem>>, vector<16xf32>,
        %mul3A_412 = arith.mulf %get3A_408, %get3A_411 : vector<16xf32>
        %add3A_413 = arith.addf %mul3A_405, %mul3A_412 : vector<16xf32>
        %get3A_414 = arith.index_cast %add3A_398 : i32 to index
        %get3A_415 = arith.constant 32 : index
        %get3A_416 = tpu.vector_load %arg9[%get3A_414, %get3A_415] {strides = array<i32>} : memref<512x64xf32, #tpu.memory_space<vmem>>, vector<16xf32>,
        %get3A_417 = arith.index_cast %add3A_398 : i32 to index
        %get3A_418 = arith.constant 32 : index
        %get3A_419 = tpu.vector_load %arg10[%get3A_417, %get3A_418] {strides = array<i32>} : memref<512x64xf32, #tpu.memory_space<vmem>>, vector<16xf32>,
        %mul3A_420 = arith.mulf %get3A_416, %get3A_419 : vector<16xf32>
        %get3A_421 = arith.index_cast %add3A_398 : i32 to index
        %get3A_422 = arith.constant 48 : index
        %get3A_423 = tpu.vector_load %arg9[%get3A_421, %get3A_422] {strides = array<i32>} : memref<512x64xf32, #tpu.memory_space<vmem>>, vector<16xf32>,
        %get3A_424 = arith.index_cast %add3A_398 : i32 to index
        %get3A_425 = arith.constant 48 : index
        %get3A_426 = tpu.vector_load %arg10[%get3A_424, %get3A_425] {strides = array<i32>} : memref<512x64xf32, #tpu.memory_space<vmem>>, vector<16xf32>,
        %mul3A_427 = arith.mulf %get3A_423, %get3A_426 : vector<16xf32>
        %add3A_428 = arith.addf %mul3A_420, %mul3A_427 : vector<16xf32>
        %add3A_429 = arith.addf %add3A_413, %add3A_428 : vector<16xf32>
        %eq3A_430 = arith.constant 7 : i32
        %eq3A_431 = vector.broadcast %eq3A_430 : i32 to vector<16xi32>
        %eq3A_432 = arith.cmpi eq, %iota3A, %eq3A_431 : vector<16xi32>
        %reduce_sum3A_433 = arith.constant true
        %reduce_sum3A_434 = vector.broadcast %reduce_sum3A_433 : i1 to vector<16xi1>
        %reduce_sum3A_435 = tpu.scan <sum>, %add3A_429 masked %reduce_sum3A_434 : vector<16xf32>, vector<16xi1> -> vector<16xf32>
        %reduce_sum3A_436 = vector.extract %reduce_sum3A_435[15] : f32 from vector<16xf32>
        %broadcast_in_dim3A_437 = vector.broadcast %reduce_sum3A_436 : f32 to vector<16xf32>
        %select_n3A_438 = arith.select %eq3A_432, %broadcast_in_dim3A_437, %select_n3A_392 : vector<16xi1>, vector<16xf32>
        %mul3A_439 = arith.constant 16 : i32
        %mul3A_440 = arith.muli %scan3A_72, %mul3A_439 : i32
        %add3A_441 = arith.constant 0 : i32
        %add3A_442 = arith.addi %add3A_441, %mul3A_440 : i32
        %add3A_443 = arith.constant 8 : i32
        %add3A_444 = arith.addi %add3A_442, %add3A_443 : i32
        %get3A_445 = arith.index_cast %add3A_444 : i32 to index
        %get3A_446 = arith.constant 0 : index
        %get3A_447 = tpu.vector_load %arg9[%get3A_445, %get3A_446] {strides = array<i32>} : memref<512x64xf32, #tpu.memory_space<vmem>>, vector<16xf32>,
        %get3A_448 = arith.index_cast %add3A_444 : i32 to index
        %get3A_449 = arith.constant 0 : index
        %get3A_450 = tpu.vector_load %arg10[%get3A_448, %get3A_449] {strides = array<i32>} : memref<512x64xf32, #tpu.memory_space<vmem>>, vector<16xf32>,
        %mul3A_451 = arith.mulf %get3A_447, %get3A_450 : vector<16xf32>
        %get3A_452 = arith.index_cast %add3A_444 : i32 to index
        %get3A_453 = arith.constant 16 : index
        %get3A_454 = tpu.vector_load %arg9[%get3A_452, %get3A_453] {strides = array<i32>} : memref<512x64xf32, #tpu.memory_space<vmem>>, vector<16xf32>,
        %get3A_455 = arith.index_cast %add3A_444 : i32 to index
        %get3A_456 = arith.constant 16 : index
        %get3A_457 = tpu.vector_load %arg10[%get3A_455, %get3A_456] {strides = array<i32>} : memref<512x64xf32, #tpu.memory_space<vmem>>, vector<16xf32>,
        %mul3A_458 = arith.mulf %get3A_454, %get3A_457 : vector<16xf32>
        %add3A_459 = arith.addf %mul3A_451, %mul3A_458 : vector<16xf32>
        %get3A_460 = arith.index_cast %add3A_444 : i32 to index
        %get3A_461 = arith.constant 32 : index
        %get3A_462 = tpu.vector_load %arg9[%get3A_460, %get3A_461] {strides = array<i32>} : memref<512x64xf32, #tpu.memory_space<vmem>>, vector<16xf32>,
        %get3A_463 = arith.index_cast %add3A_444 : i32 to index
        %get3A_464 = arith.constant 32 : index
        %get3A_465 = tpu.vector_load %arg10[%get3A_463, %get3A_464] {strides = array<i32>} : memref<512x64xf32, #tpu.memory_space<vmem>>, vector<16xf32>,
        %mul3A_466 = arith.mulf %get3A_462, %get3A_465 : vector<16xf32>
        %get3A_467 = arith.index_cast %add3A_444 : i32 to index
        %get3A_468 = arith.constant 48 : index
        %get3A_469 = tpu.vector_load %arg9[%get3A_467, %get3A_468] {strides = array<i32>} : memref<512x64xf32, #tpu.memory_space<vmem>>, vector<16xf32>,
        %get3A_470 = arith.index_cast %add3A_444 : i32 to index
        %get3A_471 = arith.constant 48 : index
        %get3A_472 = tpu.vector_load %arg10[%get3A_470, %get3A_471] {strides = array<i32>} : memref<512x64xf32, #tpu.memory_space<vmem>>, vector<16xf32>,
        %mul3A_473 = arith.mulf %get3A_469, %get3A_472 : vector<16xf32>
        %add3A_474 = arith.addf %mul3A_466, %mul3A_473 : vector<16xf32>
        %add3A_475 = arith.addf %add3A_459, %add3A_474 : vector<16xf32>
        %eq3A_476 = arith.constant 8 : i32
        %eq3A_477 = vector.broadcast %eq3A_476 : i32 to vector<16xi32>
        %eq3A_478 = arith.cmpi eq, %iota3A, %eq3A_477 : vector<16xi32>
        %reduce_sum3A_479 = arith.constant true
        %reduce_sum3A_480 = vector.broadcast %reduce_sum3A_479 : i1 to vector<16xi1>
        %reduce_sum3A_481 = tpu.scan <sum>, %add3A_475 masked %reduce_sum3A_480 : vector<16xf32>, vector<16xi1> -> vector<16xf32>
        %reduce_sum3A_482 = vector.extract %reduce_sum3A_481[15] : f32 from vector<16xf32>
        %broadcast_in_dim3A_483 = vector.broadcast %reduce_sum3A_482 : f32 to vector<16xf32>
        %select_n3A_484 = arith.select %eq3A_478, %broadcast_in_dim3A_483, %select_n3A_438 : vector<16xi1>, vector<16xf32>
        %mul3A_485 = arith.constant 16 : i32
        %mul3A_486 = arith.muli %scan3A_72, %mul3A_485 : i32
        %add3A_487 = arith.constant 0 : i32
        %add3A_488 = arith.addi %add3A_487, %mul3A_486 : i32
        %add3A_489 = arith.constant 9 : i32
        %add3A_490 = arith.addi %add3A_488, %add3A_489 : i32
        %get3A_491 = arith.index_cast %add3A_490 : i32 to index
        %get3A_492 = arith.constant 0 : index
        %get3A_493 = tpu.vector_load %arg9[%get3A_491, %get3A_492] {strides = array<i32>} : memref<512x64xf32, #tpu.memory_space<vmem>>, vector<16xf32>,
        %get3A_494 = arith.index_cast %add3A_490 : i32 to index
        %get3A_495 = arith.constant 0 : index
        %get3A_496 = tpu.vector_load %arg10[%get3A_494, %get3A_495] {strides = array<i32>} : memref<512x64xf32, #tpu.memory_space<vmem>>, vector<16xf32>,
        %mul3A_497 = arith.mulf %get3A_493, %get3A_496 : vector<16xf32>
        %get3A_498 = arith.index_cast %add3A_490 : i32 to index
        %get3A_499 = arith.constant 16 : index
        %get3A_500 = tpu.vector_load %arg9[%get3A_498, %get3A_499] {strides = array<i32>} : memref<512x64xf32, #tpu.memory_space<vmem>>, vector<16xf32>,
        %get3A_501 = arith.index_cast %add3A_490 : i32 to index
        %get3A_502 = arith.constant 16 : index
        %get3A_503 = tpu.vector_load %arg10[%get3A_501, %get3A_502] {strides = array<i32>} : memref<512x64xf32, #tpu.memory_space<vmem>>, vector<16xf32>,
        %mul3A_504 = arith.mulf %get3A_500, %get3A_503 : vector<16xf32>
        %add3A_505 = arith.addf %mul3A_497, %mul3A_504 : vector<16xf32>
        %get3A_506 = arith.index_cast %add3A_490 : i32 to index
        %get3A_507 = arith.constant 32 : index
        %get3A_508 = tpu.vector_load %arg9[%get3A_506, %get3A_507] {strides = array<i32>} : memref<512x64xf32, #tpu.memory_space<vmem>>, vector<16xf32>,
        %get3A_509 = arith.index_cast %add3A_490 : i32 to index
        %get3A_510 = arith.constant 32 : index
        %get3A_511 = tpu.vector_load %arg10[%get3A_509, %get3A_510] {strides = array<i32>} : memref<512x64xf32, #tpu.memory_space<vmem>>, vector<16xf32>,
        %mul3A_512 = arith.mulf %get3A_508, %get3A_511 : vector<16xf32>
        %get3A_513 = arith.index_cast %add3A_490 : i32 to index
        %get3A_514 = arith.constant 48 : index
        %get3A_515 = tpu.vector_load %arg9[%get3A_513, %get3A_514] {strides = array<i32>} : memref<512x64xf32, #tpu.memory_space<vmem>>, vector<16xf32>,
        %get3A_516 = arith.index_cast %add3A_490 : i32 to index
        %get3A_517 = arith.constant 48 : index
        %get3A_518 = tpu.vector_load %arg10[%get3A_516, %get3A_517] {strides = array<i32>} : memref<512x64xf32, #tpu.memory_space<vmem>>, vector<16xf32>,
        %mul3A_519 = arith.mulf %get3A_515, %get3A_518 : vector<16xf32>
        %add3A_520 = arith.addf %mul3A_512, %mul3A_519 : vector<16xf32>
        %add3A_521 = arith.addf %add3A_505, %add3A_520 : vector<16xf32>
        %eq3A_522 = arith.constant 9 : i32
        %eq3A_523 = vector.broadcast %eq3A_522 : i32 to vector<16xi32>
        %eq3A_524 = arith.cmpi eq, %iota3A, %eq3A_523 : vector<16xi32>
        %reduce_sum3A_525 = arith.constant true
        %reduce_sum3A_526 = vector.broadcast %reduce_sum3A_525 : i1 to vector<16xi1>
        %reduce_sum3A_527 = tpu.scan <sum>, %add3A_521 masked %reduce_sum3A_526 : vector<16xf32>, vector<16xi1> -> vector<16xf32>
        %reduce_sum3A_528 = vector.extract %reduce_sum3A_527[15] : f32 from vector<16xf32>
        %broadcast_in_dim3A_529 = vector.broadcast %reduce_sum3A_528 : f32 to vector<16xf32>
        %select_n3A_530 = arith.select %eq3A_524, %broadcast_in_dim3A_529, %select_n3A_484 : vector<16xi1>, vector<16xf32>
        %mul3A_531 = arith.constant 16 : i32
        %mul3A_532 = arith.muli %scan3A_72, %mul3A_531 : i32
        %add3A_533 = arith.constant 0 : i32
        %add3A_534 = arith.addi %add3A_533, %mul3A_532 : i32
        %add3A_535 = arith.constant 10 : i32
        %add3A_536 = arith.addi %add3A_534, %add3A_535 : i32
        %get3A_537 = arith.index_cast %add3A_536 : i32 to index
        %get3A_538 = arith.constant 0 : index
        %get3A_539 = tpu.vector_load %arg9[%get3A_537, %get3A_538] {strides = array<i32>} : memref<512x64xf32, #tpu.memory_space<vmem>>, vector<16xf32>,
        %get3A_540 = arith.index_cast %add3A_536 : i32 to index
        %get3A_541 = arith.constant 0 : index
        %get3A_542 = tpu.vector_load %arg10[%get3A_540, %get3A_541] {strides = array<i32>} : memref<512x64xf32, #tpu.memory_space<vmem>>, vector<16xf32>,
        %mul3A_543 = arith.mulf %get3A_539, %get3A_542 : vector<16xf32>
        %get3A_544 = arith.index_cast %add3A_536 : i32 to index
        %get3A_545 = arith.constant 16 : index
        %get3A_546 = tpu.vector_load %arg9[%get3A_544, %get3A_545] {strides = array<i32>} : memref<512x64xf32, #tpu.memory_space<vmem>>, vector<16xf32>,
        %get3A_547 = arith.index_cast %add3A_536 : i32 to index
        %get3A_548 = arith.constant 16 : index
        %get3A_549 = tpu.vector_load %arg10[%get3A_547, %get3A_548] {strides = array<i32>} : memref<512x64xf32, #tpu.memory_space<vmem>>, vector<16xf32>,
        %mul3A_550 = arith.mulf %get3A_546, %get3A_549 : vector<16xf32>
        %add3A_551 = arith.addf %mul3A_543, %mul3A_550 : vector<16xf32>
        %get3A_552 = arith.index_cast %add3A_536 : i32 to index
        %get3A_553 = arith.constant 32 : index
        %get3A_554 = tpu.vector_load %arg9[%get3A_552, %get3A_553] {strides = array<i32>} : memref<512x64xf32, #tpu.memory_space<vmem>>, vector<16xf32>,
        %get3A_555 = arith.index_cast %add3A_536 : i32 to index
        %get3A_556 = arith.constant 32 : index
        %get3A_557 = tpu.vector_load %arg10[%get3A_555, %get3A_556] {strides = array<i32>} : memref<512x64xf32, #tpu.memory_space<vmem>>, vector<16xf32>,
        %mul3A_558 = arith.mulf %get3A_554, %get3A_557 : vector<16xf32>
        %get3A_559 = arith.index_cast %add3A_536 : i32 to index
        %get3A_560 = arith.constant 48 : index
        %get3A_561 = tpu.vector_load %arg9[%get3A_559, %get3A_560] {strides = array<i32>} : memref<512x64xf32, #tpu.memory_space<vmem>>, vector<16xf32>,
        %get3A_562 = arith.index_cast %add3A_536 : i32 to index
        %get3A_563 = arith.constant 48 : index
        %get3A_564 = tpu.vector_load %arg10[%get3A_562, %get3A_563] {strides = array<i32>} : memref<512x64xf32, #tpu.memory_space<vmem>>, vector<16xf32>,
        %mul3A_565 = arith.mulf %get3A_561, %get3A_564 : vector<16xf32>
        %add3A_566 = arith.addf %mul3A_558, %mul3A_565 : vector<16xf32>
        %add3A_567 = arith.addf %add3A_551, %add3A_566 : vector<16xf32>
        %eq3A_568 = arith.constant 10 : i32
        %eq3A_569 = vector.broadcast %eq3A_568 : i32 to vector<16xi32>
        %eq3A_570 = arith.cmpi eq, %iota3A, %eq3A_569 : vector<16xi32>
        %reduce_sum3A_571 = arith.constant true
        %reduce_sum3A_572 = vector.broadcast %reduce_sum3A_571 : i1 to vector<16xi1>
        %reduce_sum3A_573 = tpu.scan <sum>, %add3A_567 masked %reduce_sum3A_572 : vector<16xf32>, vector<16xi1> -> vector<16xf32>
        %reduce_sum3A_574 = vector.extract %reduce_sum3A_573[15] : f32 from vector<16xf32>
        %broadcast_in_dim3A_575 = vector.broadcast %reduce_sum3A_574 : f32 to vector<16xf32>
        %select_n3A_576 = arith.select %eq3A_570, %broadcast_in_dim3A_575, %select_n3A_530 : vector<16xi1>, vector<16xf32>
        %mul3A_577 = arith.constant 16 : i32
        %mul3A_578 = arith.muli %scan3A_72, %mul3A_577 : i32
        %add3A_579 = arith.constant 0 : i32
        %add3A_580 = arith.addi %add3A_579, %mul3A_578 : i32
        %add3A_581 = arith.constant 11 : i32
        %add3A_582 = arith.addi %add3A_580, %add3A_581 : i32
        %get3A_583 = arith.index_cast %add3A_582 : i32 to index
        %get3A_584 = arith.constant 0 : index
        %get3A_585 = tpu.vector_load %arg9[%get3A_583, %get3A_584] {strides = array<i32>} : memref<512x64xf32, #tpu.memory_space<vmem>>, vector<16xf32>,
        %get3A_586 = arith.index_cast %add3A_582 : i32 to index
        %get3A_587 = arith.constant 0 : index
        %get3A_588 = tpu.vector_load %arg10[%get3A_586, %get3A_587] {strides = array<i32>} : memref<512x64xf32, #tpu.memory_space<vmem>>, vector<16xf32>,
        %mul3A_589 = arith.mulf %get3A_585, %get3A_588 : vector<16xf32>
        %get3A_590 = arith.index_cast %add3A_582 : i32 to index
        %get3A_591 = arith.constant 16 : index
        %get3A_592 = tpu.vector_load %arg9[%get3A_590, %get3A_591] {strides = array<i32>} : memref<512x64xf32, #tpu.memory_space<vmem>>, vector<16xf32>,
        %get3A_593 = arith.index_cast %add3A_582 : i32 to index
        %get3A_594 = arith.constant 16 : index
        %get3A_595 = tpu.vector_load %arg10[%get3A_593, %get3A_594] {strides = array<i32>} : memref<512x64xf32, #tpu.memory_space<vmem>>, vector<16xf32>,
        %mul3A_596 = arith.mulf %get3A_592, %get3A_595 : vector<16xf32>
        %add3A_597 = arith.addf %mul3A_589, %mul3A_596 : vector<16xf32>
        %get3A_598 = arith.index_cast %add3A_582 : i32 to index
        %get3A_599 = arith.constant 32 : index
        %get3A_600 = tpu.vector_load %arg9[%get3A_598, %get3A_599] {strides = array<i32>} : memref<512x64xf32, #tpu.memory_space<vmem>>, vector<16xf32>,
        %get3A_601 = arith.index_cast %add3A_582 : i32 to index
        %get3A_602 = arith.constant 32 : index
        %get3A_603 = tpu.vector_load %arg10[%get3A_601, %get3A_602] {strides = array<i32>} : memref<512x64xf32, #tpu.memory_space<vmem>>, vector<16xf32>,
        %mul3A_604 = arith.mulf %get3A_600, %get3A_603 : vector<16xf32>
        %get3A_605 = arith.index_cast %add3A_582 : i32 to index
        %get3A_606 = arith.constant 48 : index
        %get3A_607 = tpu.vector_load %arg9[%get3A_605, %get3A_606] {strides = array<i32>} : memref<512x64xf32, #tpu.memory_space<vmem>>, vector<16xf32>,
        %get3A_608 = arith.index_cast %add3A_582 : i32 to index
        %get3A_609 = arith.constant 48 : index
        %get3A_610 = tpu.vector_load %arg10[%get3A_608, %get3A_609] {strides = array<i32>} : memref<512x64xf32, #tpu.memory_space<vmem>>, vector<16xf32>,
        %mul3A_611 = arith.mulf %get3A_607, %get3A_610 : vector<16xf32>
        %add3A_612 = arith.addf %mul3A_604, %mul3A_611 : vector<16xf32>
        %add3A_613 = arith.addf %add3A_597, %add3A_612 : vector<16xf32>
        %eq3A_614 = arith.constant 11 : i32
        %eq3A_615 = vector.broadcast %eq3A_614 : i32 to vector<16xi32>
        %eq3A_616 = arith.cmpi eq, %iota3A, %eq3A_615 : vector<16xi32>
        %reduce_sum3A_617 = arith.constant true
        %reduce_sum3A_618 = vector.broadcast %reduce_sum3A_617 : i1 to vector<16xi1>
        %reduce_sum3A_619 = tpu.scan <sum>, %add3A_613 masked %reduce_sum3A_618 : vector<16xf32>, vector<16xi1> -> vector<16xf32>
        %reduce_sum3A_620 = vector.extract %reduce_sum3A_619[15] : f32 from vector<16xf32>
        %broadcast_in_dim3A_621 = vector.broadcast %reduce_sum3A_620 : f32 to vector<16xf32>
        %select_n3A_622 = arith.select %eq3A_616, %broadcast_in_dim3A_621, %select_n3A_576 : vector<16xi1>, vector<16xf32>
        %mul3A_623 = arith.constant 16 : i32
        %mul3A_624 = arith.muli %scan3A_72, %mul3A_623 : i32
        %add3A_625 = arith.constant 0 : i32
        %add3A_626 = arith.addi %add3A_625, %mul3A_624 : i32
        %add3A_627 = arith.constant 12 : i32
        %add3A_628 = arith.addi %add3A_626, %add3A_627 : i32
        %get3A_629 = arith.index_cast %add3A_628 : i32 to index
        %get3A_630 = arith.constant 0 : index
        %get3A_631 = tpu.vector_load %arg9[%get3A_629, %get3A_630] {strides = array<i32>} : memref<512x64xf32, #tpu.memory_space<vmem>>, vector<16xf32>,
        %get3A_632 = arith.index_cast %add3A_628 : i32 to index
        %get3A_633 = arith.constant 0 : index
        %get3A_634 = tpu.vector_load %arg10[%get3A_632, %get3A_633] {strides = array<i32>} : memref<512x64xf32, #tpu.memory_space<vmem>>, vector<16xf32>,
        %mul3A_635 = arith.mulf %get3A_631, %get3A_634 : vector<16xf32>
        %get3A_636 = arith.index_cast %add3A_628 : i32 to index
        %get3A_637 = arith.constant 16 : index
        %get3A_638 = tpu.vector_load %arg9[%get3A_636, %get3A_637] {strides = array<i32>} : memref<512x64xf32, #tpu.memory_space<vmem>>, vector<16xf32>,
        %get3A_639 = arith.index_cast %add3A_628 : i32 to index
        %get3A_640 = arith.constant 16 : index
        %get3A_641 = tpu.vector_load %arg10[%get3A_639, %get3A_640] {strides = array<i32>} : memref<512x64xf32, #tpu.memory_space<vmem>>, vector<16xf32>,
        %mul3A_642 = arith.mulf %get3A_638, %get3A_641 : vector<16xf32>
        %add3A_643 = arith.addf %mul3A_635, %mul3A_642 : vector<16xf32>
        %get3A_644 = arith.index_cast %add3A_628 : i32 to index
        %get3A_645 = arith.constant 32 : index
        %get3A_646 = tpu.vector_load %arg9[%get3A_644, %get3A_645] {strides = array<i32>} : memref<512x64xf32, #tpu.memory_space<vmem>>, vector<16xf32>,
        %get3A_647 = arith.index_cast %add3A_628 : i32 to index
        %get3A_648 = arith.constant 32 : index
        %get3A_649 = tpu.vector_load %arg10[%get3A_647, %get3A_648] {strides = array<i32>} : memref<512x64xf32, #tpu.memory_space<vmem>>, vector<16xf32>,
        %mul3A_650 = arith.mulf %get3A_646, %get3A_649 : vector<16xf32>
        %get3A_651 = arith.index_cast %add3A_628 : i32 to index
        %get3A_652 = arith.constant 48 : index
        %get3A_653 = tpu.vector_load %arg9[%get3A_651, %get3A_652] {strides = array<i32>} : memref<512x64xf32, #tpu.memory_space<vmem>>, vector<16xf32>,
        %get3A_654 = arith.index_cast %add3A_628 : i32 to index
        %get3A_655 = arith.constant 48 : index
        %get3A_656 = tpu.vector_load %arg10[%get3A_654, %get3A_655] {strides = array<i32>} : memref<512x64xf32, #tpu.memory_space<vmem>>, vector<16xf32>,
        %mul3A_657 = arith.mulf %get3A_653, %get3A_656 : vector<16xf32>
        %add3A_658 = arith.addf %mul3A_650, %mul3A_657 : vector<16xf32>
        %add3A_659 = arith.addf %add3A_643, %add3A_658 : vector<16xf32>
        %eq3A_660 = arith.constant 12 : i32
        %eq3A_661 = vector.broadcast %eq3A_660 : i32 to vector<16xi32>
        %eq3A_662 = arith.cmpi eq, %iota3A, %eq3A_661 : vector<16xi32>
        %reduce_sum3A_663 = arith.constant true
        %reduce_sum3A_664 = vector.broadcast %reduce_sum3A_663 : i1 to vector<16xi1>
        %reduce_sum3A_665 = tpu.scan <sum>, %add3A_659 masked %reduce_sum3A_664 : vector<16xf32>, vector<16xi1> -> vector<16xf32>
        %reduce_sum3A_666 = vector.extract %reduce_sum3A_665[15] : f32 from vector<16xf32>
        %broadcast_in_dim3A_667 = vector.broadcast %reduce_sum3A_666 : f32 to vector<16xf32>
        %select_n3A_668 = arith.select %eq3A_662, %broadcast_in_dim3A_667, %select_n3A_622 : vector<16xi1>, vector<16xf32>
        %mul3A_669 = arith.constant 16 : i32
        %mul3A_670 = arith.muli %scan3A_72, %mul3A_669 : i32
        %add3A_671 = arith.constant 0 : i32
        %add3A_672 = arith.addi %add3A_671, %mul3A_670 : i32
        %add3A_673 = arith.constant 13 : i32
        %add3A_674 = arith.addi %add3A_672, %add3A_673 : i32
        %get3A_675 = arith.index_cast %add3A_674 : i32 to index
        %get3A_676 = arith.constant 0 : index
        %get3A_677 = tpu.vector_load %arg9[%get3A_675, %get3A_676] {strides = array<i32>} : memref<512x64xf32, #tpu.memory_space<vmem>>, vector<16xf32>,
        %get3A_678 = arith.index_cast %add3A_674 : i32 to index
        %get3A_679 = arith.constant 0 : index
        %get3A_680 = tpu.vector_load %arg10[%get3A_678, %get3A_679] {strides = array<i32>} : memref<512x64xf32, #tpu.memory_space<vmem>>, vector<16xf32>,
        %mul3A_681 = arith.mulf %get3A_677, %get3A_680 : vector<16xf32>
        %get3A_682 = arith.index_cast %add3A_674 : i32 to index
        %get3A_683 = arith.constant 16 : index
        %get3A_684 = tpu.vector_load %arg9[%get3A_682, %get3A_683] {strides = array<i32>} : memref<512x64xf32, #tpu.memory_space<vmem>>, vector<16xf32>,
        %get3A_685 = arith.index_cast %add3A_674 : i32 to index
        %get3A_686 = arith.constant 16 : index
        %get3A_687 = tpu.vector_load %arg10[%get3A_685, %get3A_686] {strides = array<i32>} : memref<512x64xf32, #tpu.memory_space<vmem>>, vector<16xf32>,
        %mul3A_688 = arith.mulf %get3A_684, %get3A_687 : vector<16xf32>
        %add3A_689 = arith.addf %mul3A_681, %mul3A_688 : vector<16xf32>
        %get3A_690 = arith.index_cast %add3A_674 : i32 to index
        %get3A_691 = arith.constant 32 : index
        %get3A_692 = tpu.vector_load %arg9[%get3A_690, %get3A_691] {strides = array<i32>} : memref<512x64xf32, #tpu.memory_space<vmem>>, vector<16xf32>,
        %get3A_693 = arith.index_cast %add3A_674 : i32 to index
        %get3A_694 = arith.constant 32 : index
        %get3A_695 = tpu.vector_load %arg10[%get3A_693, %get3A_694] {strides = array<i32>} : memref<512x64xf32, #tpu.memory_space<vmem>>, vector<16xf32>,
        %mul3A_696 = arith.mulf %get3A_692, %get3A_695 : vector<16xf32>
        %get3A_697 = arith.index_cast %add3A_674 : i32 to index
        %get3A_698 = arith.constant 48 : index
        %get3A_699 = tpu.vector_load %arg9[%get3A_697, %get3A_698] {strides = array<i32>} : memref<512x64xf32, #tpu.memory_space<vmem>>, vector<16xf32>,
        %get3A_700 = arith.index_cast %add3A_674 : i32 to index
        %get3A_701 = arith.constant 48 : index
        %get3A_702 = tpu.vector_load %arg10[%get3A_700, %get3A_701] {strides = array<i32>} : memref<512x64xf32, #tpu.memory_space<vmem>>, vector<16xf32>,
        %mul3A_703 = arith.mulf %get3A_699, %get3A_702 : vector<16xf32>
        %add3A_704 = arith.addf %mul3A_696, %mul3A_703 : vector<16xf32>
        %add3A_705 = arith.addf %add3A_689, %add3A_704 : vector<16xf32>
        %eq3A_706 = arith.constant 13 : i32
        %eq3A_707 = vector.broadcast %eq3A_706 : i32 to vector<16xi32>
        %eq3A_708 = arith.cmpi eq, %iota3A, %eq3A_707 : vector<16xi32>
        %reduce_sum3A_709 = arith.constant true
        %reduce_sum3A_710 = vector.broadcast %reduce_sum3A_709 : i1 to vector<16xi1>
        %reduce_sum3A_711 = tpu.scan <sum>, %add3A_705 masked %reduce_sum3A_710 : vector<16xf32>, vector<16xi1> -> vector<16xf32>
        %reduce_sum3A_712 = vector.extract %reduce_sum3A_711[15] : f32 from vector<16xf32>
        %broadcast_in_dim3A_713 = vector.broadcast %reduce_sum3A_712 : f32 to vector<16xf32>
        %select_n3A_714 = arith.select %eq3A_708, %broadcast_in_dim3A_713, %select_n3A_668 : vector<16xi1>, vector<16xf32>
        %mul3A_715 = arith.constant 16 : i32
        %mul3A_716 = arith.muli %scan3A_72, %mul3A_715 : i32
        %add3A_717 = arith.constant 0 : i32
        %add3A_718 = arith.addi %add3A_717, %mul3A_716 : i32
        %add3A_719 = arith.constant 14 : i32
        %add3A_720 = arith.addi %add3A_718, %add3A_719 : i32
        %get3A_721 = arith.index_cast %add3A_720 : i32 to index
        %get3A_722 = arith.constant 0 : index
        %get3A_723 = tpu.vector_load %arg9[%get3A_721, %get3A_722] {strides = array<i32>} : memref<512x64xf32, #tpu.memory_space<vmem>>, vector<16xf32>,
        %get3A_724 = arith.index_cast %add3A_720 : i32 to index
        %get3A_725 = arith.constant 0 : index
        %get3A_726 = tpu.vector_load %arg10[%get3A_724, %get3A_725] {strides = array<i32>} : memref<512x64xf32, #tpu.memory_space<vmem>>, vector<16xf32>,
        %mul3A_727 = arith.mulf %get3A_723, %get3A_726 : vector<16xf32>
        %get3A_728 = arith.index_cast %add3A_720 : i32 to index
        %get3A_729 = arith.constant 16 : index
        %get3A_730 = tpu.vector_load %arg9[%get3A_728, %get3A_729] {strides = array<i32>} : memref<512x64xf32, #tpu.memory_space<vmem>>, vector<16xf32>,
        %get3A_731 = arith.index_cast %add3A_720 : i32 to index
        %get3A_732 = arith.constant 16 : index
        %get3A_733 = tpu.vector_load %arg10[%get3A_731, %get3A_732] {strides = array<i32>} : memref<512x64xf32, #tpu.memory_space<vmem>>, vector<16xf32>,
        %mul3A_734 = arith.mulf %get3A_730, %get3A_733 : vector<16xf32>
        %add3A_735 = arith.addf %mul3A_727, %mul3A_734 : vector<16xf32>
        %get3A_736 = arith.index_cast %add3A_720 : i32 to index
        %get3A_737 = arith.constant 32 : index
        %get3A_738 = tpu.vector_load %arg9[%get3A_736, %get3A_737] {strides = array<i32>} : memref<512x64xf32, #tpu.memory_space<vmem>>, vector<16xf32>,
        %get3A_739 = arith.index_cast %add3A_720 : i32 to index
        %get3A_740 = arith.constant 32 : index
        %get3A_741 = tpu.vector_load %arg10[%get3A_739, %get3A_740] {strides = array<i32>} : memref<512x64xf32, #tpu.memory_space<vmem>>, vector<16xf32>,
        %mul3A_742 = arith.mulf %get3A_738, %get3A_741 : vector<16xf32>
        %get3A_743 = arith.index_cast %add3A_720 : i32 to index
        %get3A_744 = arith.constant 48 : index
        %get3A_745 = tpu.vector_load %arg9[%get3A_743, %get3A_744] {strides = array<i32>} : memref<512x64xf32, #tpu.memory_space<vmem>>, vector<16xf32>,
        %get3A_746 = arith.index_cast %add3A_720 : i32 to index
        %get3A_747 = arith.constant 48 : index
        %get3A_748 = tpu.vector_load %arg10[%get3A_746, %get3A_747] {strides = array<i32>} : memref<512x64xf32, #tpu.memory_space<vmem>>, vector<16xf32>,
        %mul3A_749 = arith.mulf %get3A_745, %get3A_748 : vector<16xf32>
        %add3A_750 = arith.addf %mul3A_742, %mul3A_749 : vector<16xf32>
        %add3A_751 = arith.addf %add3A_735, %add3A_750 : vector<16xf32>
        %eq3A_752 = arith.constant 14 : i32
        %eq3A_753 = vector.broadcast %eq3A_752 : i32 to vector<16xi32>
        %eq3A_754 = arith.cmpi eq, %iota3A, %eq3A_753 : vector<16xi32>
        %reduce_sum3A_755 = arith.constant true
        %reduce_sum3A_756 = vector.broadcast %reduce_sum3A_755 : i1 to vector<16xi1>
        %reduce_sum3A_757 = tpu.scan <sum>, %add3A_751 masked %reduce_sum3A_756 : vector<16xf32>, vector<16xi1> -> vector<16xf32>
        %reduce_sum3A_758 = vector.extract %reduce_sum3A_757[15] : f32 from vector<16xf32>
        %broadcast_in_dim3A_759 = vector.broadcast %reduce_sum3A_758 : f32 to vector<16xf32>
        %select_n3A_760 = arith.select %eq3A_754, %broadcast_in_dim3A_759, %select_n3A_714 : vector<16xi1>, vector<16xf32>
        %mul3A_761 = arith.constant 16 : i32
        %mul3A_762 = arith.muli %scan3A_72, %mul3A_761 : i32
        %add3A_763 = arith.constant 0 : i32
        %add3A_764 = arith.addi %add3A_763, %mul3A_762 : i32
        %add3A_765 = arith.constant 15 : i32
        %add3A_766 = arith.addi %add3A_764, %add3A_765 : i32
        %get3A_767 = arith.index_cast %add3A_766 : i32 to index
        %get3A_768 = arith.constant 0 : index
        %get3A_769 = tpu.vector_load %arg9[%get3A_767, %get3A_768] {strides = array<i32>} : memref<512x64xf32, #tpu.memory_space<vmem>>, vector<16xf32>,
        %get3A_770 = arith.index_cast %add3A_766 : i32 to index
        %get3A_771 = arith.constant 0 : index
        %get3A_772 = tpu.vector_load %arg10[%get3A_770, %get3A_771] {strides = array<i32>} : memref<512x64xf32, #tpu.memory_space<vmem>>, vector<16xf32>,
        %mul3A_773 = arith.mulf %get3A_769, %get3A_772 : vector<16xf32>
        %get3A_774 = arith.index_cast %add3A_766 : i32 to index
        %get3A_775 = arith.constant 16 : index
        %get3A_776 = tpu.vector_load %arg9[%get3A_774, %get3A_775] {strides = array<i32>} : memref<512x64xf32, #tpu.memory_space<vmem>>, vector<16xf32>,
        %get3A_777 = arith.index_cast %add3A_766 : i32 to index
        %get3A_778 = arith.constant 16 : index
        %get3A_779 = tpu.vector_load %arg10[%get3A_777, %get3A_778] {strides = array<i32>} : memref<512x64xf32, #tpu.memory_space<vmem>>, vector<16xf32>,
        %mul3A_780 = arith.mulf %get3A_776, %get3A_779 : vector<16xf32>
        %add3A_781 = arith.addf %mul3A_773, %mul3A_780 : vector<16xf32>
        %get3A_782 = arith.index_cast %add3A_766 : i32 to index
        %get3A_783 = arith.constant 32 : index
        %get3A_784 = tpu.vector_load %arg9[%get3A_782, %get3A_783] {strides = array<i32>} : memref<512x64xf32, #tpu.memory_space<vmem>>, vector<16xf32>,
        %get3A_785 = arith.index_cast %add3A_766 : i32 to index
        %get3A_786 = arith.constant 32 : index
        %get3A_787 = tpu.vector_load %arg10[%get3A_785, %get3A_786] {strides = array<i32>} : memref<512x64xf32, #tpu.memory_space<vmem>>, vector<16xf32>,
        %mul3A_788 = arith.mulf %get3A_784, %get3A_787 : vector<16xf32>
        %get3A_789 = arith.index_cast %add3A_766 : i32 to index
        %get3A_790 = arith.constant 48 : index
        %get3A_791 = tpu.vector_load %arg9[%get3A_789, %get3A_790] {strides = array<i32>} : memref<512x64xf32, #tpu.memory_space<vmem>>, vector<16xf32>,
        %get3A_792 = arith.index_cast %add3A_766 : i32 to index
        %get3A_793 = arith.constant 48 : index
        %get3A_794 = tpu.vector_load %arg10[%get3A_792, %get3A_793] {strides = array<i32>} : memref<512x64xf32, #tpu.memory_space<vmem>>, vector<16xf32>,
        %mul3A_795 = arith.mulf %get3A_791, %get3A_794 : vector<16xf32>
        %add3A_796 = arith.addf %mul3A_788, %mul3A_795 : vector<16xf32>
        %add3A_797 = arith.addf %add3A_781, %add3A_796 : vector<16xf32>
        %eq3A_798 = arith.constant 15 : i32
        %eq3A_799 = vector.broadcast %eq3A_798 : i32 to vector<16xi32>
        %eq3A_800 = arith.cmpi eq, %iota3A, %eq3A_799 : vector<16xi32>
        %reduce_sum3A_801 = arith.constant true
        %reduce_sum3A_802 = vector.broadcast %reduce_sum3A_801 : i1 to vector<16xi1>
        %reduce_sum3A_803 = tpu.scan <sum>, %add3A_797 masked %reduce_sum3A_802 : vector<16xf32>, vector<16xi1> -> vector<16xf32>
        %reduce_sum3A_804 = vector.extract %reduce_sum3A_803[15] : f32 from vector<16xf32>
        %broadcast_in_dim3A_805 = vector.broadcast %reduce_sum3A_804 : f32 to vector<16xf32>
        %select_n3A_806 = arith.select %eq3A_800, %broadcast_in_dim3A_805, %select_n3A_760 : vector<16xi1>, vector<16xf32>
        %mul3A_807 = arith.constant 16 : i32
        %mul3A_808 = arith.muli %scan3A_72, %mul3A_807 : i32
        %swap3A = arith.index_cast %mul3A_808 : i32 to index
        %swap3A_809 = tpu.vector_load %arg11[%swap3A] {strides = array<i32>} : memref<256xf32, #tpu.memory_space<vmem>>, vector<16xf32>,
        tpu.vector_store %arg11[%swap3A], %select_n3A_806 {strides = array<i32>} : memref<256xf32, #tpu.memory_space<vmem>>, vector<16xf32>,
        %scan3A_810 = arith.constant 0 : i32
        scf.yield %scan3A_810 : i32
      }
      %scan3A_53 = arith.constant 16 : i32
      %mul3A_54 = arith.constant 256 : i32
      %mul3A_55 = arith.muli %mul3A_27, %mul3A_54 : i32
      %add3A_56 = arith.addi %mul3A_2, %mul3A_55 : i32
      "tpu.region"() ({
        %run_scoped3A = tpu.sem_alloc : memref<!tpu.dma_semaphore, #tpu.memory_space<semaphore_mem>>
        %dma_start3A_72 = tpu.memref_slice %arg6[%add3A_56] : memref<98304xf32, #tpu.memory_space<hbm>> -> memref<256xf32, #tpu.memory_space<hbm>>
        %dma_start3A_73 = tpu.memref_slice %arg6[%add3A_56] : memref<98304xf32, #tpu.memory_space<hbm>> -> memref<256xf32, #tpu.memory_space<hbm>>
        tpu.enqueue_dma source(%arg11 : memref<256xf32, #tpu.memory_space<vmem>>) target(%dma_start3A_73 : memref<256xf32, #tpu.memory_space<hbm>>) target_semaphore(%run_scoped3A : memref<!tpu.dma_semaphore, #tpu.memory_space<semaphore_mem>>)
        %dma_wait3A_74 = tpu.memref_slice %arg6[%add3A_56] : memref<98304xf32, #tpu.memory_space<hbm>> -> memref<256xf32, #tpu.memory_space<hbm>>
        %dma_wait3A_75 = tpu.memref_slice %arg6[%add3A_56] : memref<98304xf32, #tpu.memory_space<hbm>> -> memref<256xf32, #tpu.memory_space<hbm>>
        tpu.wait_dma2 semaphore(%run_scoped3A : memref<!tpu.dma_semaphore, #tpu.memory_space<semaphore_mem>>) src(%arg11 : memref<256xf32, #tpu.memory_space<vmem>>) dst(%dma_wait3A_75 : memref<256xf32, #tpu.memory_space<hbm>>)
        tpu.yield
      }) : () -> ()
      %add3A_57 = arith.constant 2 : i32
      %add3A_58 = arith.addi %mul3A_27, %add3A_57 : i32
      %lt3A_59 = arith.constant 12 : i32
      %lt3A_60 = arith.cmpi slt, %add3A_58, %lt3A_59 : i32
      %convert_element_type3A_61 = arith.extui %lt3A_60 : i1 to i32
      %cond3A_62 = arith.constant 0 : i32
      %cond3A_63 = arith.cmpi ne, %convert_element_type3A_61, %cond3A_62 : i32
      scf.if %cond3A_63 {
        %add3A_72 = arith.constant 2 : i32
        %add3A_73 = arith.addi %mul3A_27, %add3A_72 : i32
        %mul3A_74 = arith.constant 256 : i32
        %mul3A_75 = arith.muli %add3A_73, %mul3A_74 : i32
        %dma_start3A_76 = arith.constant 0 : i32
        %dma_start3A_77 = arith.constant 0 : i32
        %dma_start3A_78 = tpu.memref_slice %arg9[%dma_start3A_76, %dma_start3A_77] : memref<512x64xf32, #tpu.memory_space<vmem>> -> memref<256x64xf32, #tpu.memory_space<vmem>>
        %dma_start3A_79 = tpu.memref_slice %arg7[%mul3A_75] : memref<3072xi32, #tpu.memory_space<vmem>> -> memref<256xi32, #tpu.memory_space<vmem>>
        %dma_start3A_80 = arith.constant 0 : i32
        %dma_start3A_81 = arith.constant 0 : i32
        %dma_start3A_82 = tpu.memref_slice %arg4[%dma_start3A_80, %dma_start3A_81] : memref<1000000x64xf32, #tpu.memory_space<hbm>> -> memref<1000000x64xf32, #tpu.memory_space<hbm>>
        tpu.enqueue_indirect_dma source(%dma_start3A_82 : memref<1000000x64xf32, #tpu.memory_space<hbm>>) target(%dma_start3A_78 : memref<256x64xf32, #tpu.memory_space<vmem>>) offsets(%dma_start3A_79 : memref<256xi32, #tpu.memory_space<vmem>>) semaphore(%arg12 : memref<!tpu.dma_semaphore, #tpu.memory_space<semaphore_mem>>)
        %mul3A_83 = arith.constant 256 : i32
        %mul3A_84 = arith.muli %add3A_73, %mul3A_83 : i32
        %dma_start3A_85 = arith.constant 0 : i32
        %dma_start3A_86 = arith.constant 0 : i32
        %dma_start3A_87 = tpu.memref_slice %arg10[%dma_start3A_85, %dma_start3A_86] : memref<512x64xf32, #tpu.memory_space<vmem>> -> memref<256x64xf32, #tpu.memory_space<vmem>>
        %dma_start3A_88 = tpu.memref_slice %arg8[%mul3A_84] : memref<3072xi32, #tpu.memory_space<vmem>> -> memref<256xi32, #tpu.memory_space<vmem>>
        %dma_start3A_89 = arith.constant 0 : i32
        %dma_start3A_90 = arith.constant 0 : i32
        %dma_start3A_91 = tpu.memref_slice %arg5[%dma_start3A_89, %dma_start3A_90] : memref<1000000x64xf32, #tpu.memory_space<hbm>> -> memref<1000000x64xf32, #tpu.memory_space<hbm>>
        tpu.enqueue_indirect_dma source(%dma_start3A_91 : memref<1000000x64xf32, #tpu.memory_space<hbm>>) target(%dma_start3A_87 : memref<256x64xf32, #tpu.memory_space<vmem>>) offsets(%dma_start3A_88 : memref<256xi32, #tpu.memory_space<vmem>>) semaphore(%arg14 : memref<!tpu.dma_semaphore, #tpu.memory_space<semaphore_mem>>)
      } else {
      }
      %add3A_64 = arith.constant 1 : i32
      %add3A_65 = arith.addi %mul3A_27, %add3A_64 : i32
      %lt3A_66 = arith.constant 12 : i32
      %lt3A_67 = arith.cmpi slt, %add3A_65, %lt3A_66 : i32
      %convert_element_type3A_68 = arith.extui %lt3A_67 : i1 to i32
      %cond3A_69 = arith.constant 0 : i32
      %cond3A_70 = arith.cmpi ne, %convert_element_type3A_68, %cond3A_69 : i32
      scf.if %cond3A_70 {
        %dma_wait3A_72 = arith.constant 256 : i32
        %dma_wait3A_73 = arith.constant 0 : i32
        %dma_wait3A_74 = tpu.memref_slice %arg9[%dma_wait3A_72, %dma_wait3A_73] : memref<512x64xf32, #tpu.memory_space<vmem>> -> memref<256x64xf32, #tpu.memory_space<vmem>>
        %dma_wait3A_75 = arith.constant 0 : i32
        %dma_wait3A_76 = tpu.memref_slice %arg7[%dma_wait3A_75] : memref<3072xi32, #tpu.memory_space<vmem>> -> memref<256xi32, #tpu.memory_space<vmem>>
        %dma_wait3A_77 = arith.constant 0 : i32
        %dma_wait3A_78 = arith.constant 0 : i32
        %dma_wait3A_79 = tpu.memref_slice %arg4[%dma_wait3A_77, %dma_wait3A_78] : memref<1000000x64xf32, #tpu.memory_space<hbm>> -> memref<1000000x64xf32, #tpu.memory_space<hbm>>
        tpu.wait_indirect_dma semaphore(%arg13 : memref<!tpu.dma_semaphore, #tpu.memory_space<semaphore_mem>>) src(%dma_wait3A_79 : memref<1000000x64xf32, #tpu.memory_space<hbm>>) dst(%dma_wait3A_74 : memref<256x64xf32, #tpu.memory_space<vmem>>)
        %dma_wait3A_80 = arith.constant 256 : i32
        %dma_wait3A_81 = arith.constant 0 : i32
        %dma_wait3A_82 = tpu.memref_slice %arg10[%dma_wait3A_80, %dma_wait3A_81] : memref<512x64xf32, #tpu.memory_space<vmem>> -> memref<256x64xf32, #tpu.memory_space<vmem>>
        %dma_wait3A_83 = arith.constant 0 : i32
        %dma_wait3A_84 = tpu.memref_slice %arg8[%dma_wait3A_83] : memref<3072xi32, #tpu.memory_space<vmem>> -> memref<256xi32, #tpu.memory_space<vmem>>
        %dma_wait3A_85 = arith.constant 0 : i32
        %dma_wait3A_86 = arith.constant 0 : i32
        %dma_wait3A_87 = tpu.memref_slice %arg5[%dma_wait3A_85, %dma_wait3A_86] : memref<1000000x64xf32, #tpu.memory_space<hbm>> -> memref<1000000x64xf32, #tpu.memory_space<hbm>>
        tpu.wait_indirect_dma semaphore(%arg15 : memref<!tpu.dma_semaphore, #tpu.memory_space<semaphore_mem>>) src(%dma_wait3A_87 : memref<1000000x64xf32, #tpu.memory_space<hbm>>) dst(%dma_wait3A_82 : memref<256x64xf32, #tpu.memory_space<vmem>>)
        %add3A_88 = arith.constant 1 : i32
        %add3A_89 = arith.addi %mul3A_27, %add3A_88 : i32
        %scan3A_90 = arith.constant 0 : i32
        %scan3A_91 = arith.constant 0 : i32
        %scan3A_92 = arith.constant 16 : i32
        %scan3A_93 = arith.addi %scan3A_91, %scan3A_92 : i32
        %scan3A_94 = arith.constant 1 : i32
        %scan3A_95 = scf.for %scan3A_100 = %scan3A_91 to %scan3A_93 step %scan3A_94 iter_args(%scan3A_101 = %scan3A_90) -> (i32)  : i32 {
          %broadcast_in_dim3A = arith.constant 0.000000e+00 : f32
          %broadcast_in_dim3A_102 = vector.broadcast %broadcast_in_dim3A : f32 to vector<16xf32>
          %mul3A_103 = arith.constant 16 : i32
          %mul3A_104 = arith.muli %scan3A_100, %mul3A_103 : i32
          %add3A_105 = arith.constant 256 : i32
          %add3A_106 = arith.addi %add3A_105, %mul3A_104 : i32
          %add3A_107 = arith.constant 0 : i32
          %add3A_108 = arith.addi %add3A_106, %add3A_107 : i32
          %get3A = arith.index_cast %add3A_108 : i32 to index
          %get3A_109 = arith.constant 0 : index
          %get3A_110 = tpu.vector_load %arg9[%get3A, %get3A_109] {strides = array<i32>} : memref<512x64xf32, #tpu.memory_space<vmem>>, vector<16xf32>,
          %get3A_111 = arith.index_cast %add3A_108 : i32 to index
          %get3A_112 = arith.constant 0 : index
          %get3A_113 = tpu.vector_load %arg10[%get3A_111, %get3A_112] {strides = array<i32>} : memref<512x64xf32, #tpu.memory_space<vmem>>, vector<16xf32>,
          %mul3A_114 = arith.mulf %get3A_110, %get3A_113 : vector<16xf32>
          %get3A_115 = arith.index_cast %add3A_108 : i32 to index
          %get3A_116 = arith.constant 16 : index
          %get3A_117 = tpu.vector_load %arg9[%get3A_115, %get3A_116] {strides = array<i32>} : memref<512x64xf32, #tpu.memory_space<vmem>>, vector<16xf32>,
          %get3A_118 = arith.index_cast %add3A_108 : i32 to index
          %get3A_119 = arith.constant 16 : index
          %get3A_120 = tpu.vector_load %arg10[%get3A_118, %get3A_119] {strides = array<i32>} : memref<512x64xf32, #tpu.memory_space<vmem>>, vector<16xf32>,
          %mul3A_121 = arith.mulf %get3A_117, %get3A_120 : vector<16xf32>
          %add3A_122 = arith.addf %mul3A_114, %mul3A_121 : vector<16xf32>
          %get3A_123 = arith.index_cast %add3A_108 : i32 to index
          %get3A_124 = arith.constant 32 : index
          %get3A_125 = tpu.vector_load %arg9[%get3A_123, %get3A_124] {strides = array<i32>} : memref<512x64xf32, #tpu.memory_space<vmem>>, vector<16xf32>,
          %get3A_126 = arith.index_cast %add3A_108 : i32 to index
          %get3A_127 = arith.constant 32 : index
          %get3A_128 = tpu.vector_load %arg10[%get3A_126, %get3A_127] {strides = array<i32>} : memref<512x64xf32, #tpu.memory_space<vmem>>, vector<16xf32>,
          %mul3A_129 = arith.mulf %get3A_125, %get3A_128 : vector<16xf32>
          %get3A_130 = arith.index_cast %add3A_108 : i32 to index
          %get3A_131 = arith.constant 48 : index
          %get3A_132 = tpu.vector_load %arg9[%get3A_130, %get3A_131] {strides = array<i32>} : memref<512x64xf32, #tpu.memory_space<vmem>>, vector<16xf32>,
          %get3A_133 = arith.index_cast %add3A_108 : i32 to index
          %get3A_134 = arith.constant 48 : index
          %get3A_135 = tpu.vector_load %arg10[%get3A_133, %get3A_134] {strides = array<i32>} : memref<512x64xf32, #tpu.memory_space<vmem>>, vector<16xf32>,
          %mul3A_136 = arith.mulf %get3A_132, %get3A_135 : vector<16xf32>
          %add3A_137 = arith.addf %mul3A_129, %mul3A_136 : vector<16xf32>
          %add3A_138 = arith.addf %add3A_122, %add3A_137 : vector<16xf32>
          %eq3A = arith.constant 0 : i32
          %eq3A_139 = vector.broadcast %eq3A : i32 to vector<16xi32>
          %eq3A_140 = arith.cmpi eq, %iota3A, %eq3A_139 : vector<16xi32>
          %reduce_sum3A = arith.constant true
          %reduce_sum3A_141 = vector.broadcast %reduce_sum3A : i1 to vector<16xi1>
          %reduce_sum3A_142 = tpu.scan <sum>, %add3A_138 masked %reduce_sum3A_141 : vector<16xf32>, vector<16xi1> -> vector<16xf32>
          %reduce_sum3A_143 = vector.extract %reduce_sum3A_142[15] : f32 from vector<16xf32>
          %broadcast_in_dim3A_144 = vector.broadcast %reduce_sum3A_143 : f32 to vector<16xf32>
          %select_n3A = arith.select %eq3A_140, %broadcast_in_dim3A_144, %broadcast_in_dim3A_102 : vector<16xi1>, vector<16xf32>
          %mul3A_145 = arith.constant 16 : i32
          %mul3A_146 = arith.muli %scan3A_100, %mul3A_145 : i32
          %add3A_147 = arith.constant 256 : i32
          %add3A_148 = arith.addi %add3A_147, %mul3A_146 : i32
          %add3A_149 = arith.constant 1 : i32
          %add3A_150 = arith.addi %add3A_148, %add3A_149 : i32
          %get3A_151 = arith.index_cast %add3A_150 : i32 to index
          %get3A_152 = arith.constant 0 : index
          %get3A_153 = tpu.vector_load %arg9[%get3A_151, %get3A_152] {strides = array<i32>} : memref<512x64xf32, #tpu.memory_space<vmem>>, vector<16xf32>,
          %get3A_154 = arith.index_cast %add3A_150 : i32 to index
          %get3A_155 = arith.constant 0 : index
          %get3A_156 = tpu.vector_load %arg10[%get3A_154, %get3A_155] {strides = array<i32>} : memref<512x64xf32, #tpu.memory_space<vmem>>, vector<16xf32>,
          %mul3A_157 = arith.mulf %get3A_153, %get3A_156 : vector<16xf32>
          %get3A_158 = arith.index_cast %add3A_150 : i32 to index
          %get3A_159 = arith.constant 16 : index
          %get3A_160 = tpu.vector_load %arg9[%get3A_158, %get3A_159] {strides = array<i32>} : memref<512x64xf32, #tpu.memory_space<vmem>>, vector<16xf32>,
          %get3A_161 = arith.index_cast %add3A_150 : i32 to index
          %get3A_162 = arith.constant 16 : index
          %get3A_163 = tpu.vector_load %arg10[%get3A_161, %get3A_162] {strides = array<i32>} : memref<512x64xf32, #tpu.memory_space<vmem>>, vector<16xf32>,
          %mul3A_164 = arith.mulf %get3A_160, %get3A_163 : vector<16xf32>
          %add3A_165 = arith.addf %mul3A_157, %mul3A_164 : vector<16xf32>
          %get3A_166 = arith.index_cast %add3A_150 : i32 to index
          %get3A_167 = arith.constant 32 : index
          %get3A_168 = tpu.vector_load %arg9[%get3A_166, %get3A_167] {strides = array<i32>} : memref<512x64xf32, #tpu.memory_space<vmem>>, vector<16xf32>,
          %get3A_169 = arith.index_cast %add3A_150 : i32 to index
          %get3A_170 = arith.constant 32 : index
          %get3A_171 = tpu.vector_load %arg10[%get3A_169, %get3A_170] {strides = array<i32>} : memref<512x64xf32, #tpu.memory_space<vmem>>, vector<16xf32>,
          %mul3A_172 = arith.mulf %get3A_168, %get3A_171 : vector<16xf32>
          %get3A_173 = arith.index_cast %add3A_150 : i32 to index
          %get3A_174 = arith.constant 48 : index
          %get3A_175 = tpu.vector_load %arg9[%get3A_173, %get3A_174] {strides = array<i32>} : memref<512x64xf32, #tpu.memory_space<vmem>>, vector<16xf32>,
          %get3A_176 = arith.index_cast %add3A_150 : i32 to index
          %get3A_177 = arith.constant 48 : index
          %get3A_178 = tpu.vector_load %arg10[%get3A_176, %get3A_177] {strides = array<i32>} : memref<512x64xf32, #tpu.memory_space<vmem>>, vector<16xf32>,
          %mul3A_179 = arith.mulf %get3A_175, %get3A_178 : vector<16xf32>
          %add3A_180 = arith.addf %mul3A_172, %mul3A_179 : vector<16xf32>
          %add3A_181 = arith.addf %add3A_165, %add3A_180 : vector<16xf32>
          %eq3A_182 = arith.constant 1 : i32
          %eq3A_183 = vector.broadcast %eq3A_182 : i32 to vector<16xi32>
          %eq3A_184 = arith.cmpi eq, %iota3A, %eq3A_183 : vector<16xi32>
          %reduce_sum3A_185 = arith.constant true
          %reduce_sum3A_186 = vector.broadcast %reduce_sum3A_185 : i1 to vector<16xi1>
          %reduce_sum3A_187 = tpu.scan <sum>, %add3A_181 masked %reduce_sum3A_186 : vector<16xf32>, vector<16xi1> -> vector<16xf32>
          %reduce_sum3A_188 = vector.extract %reduce_sum3A_187[15] : f32 from vector<16xf32>
          %broadcast_in_dim3A_189 = vector.broadcast %reduce_sum3A_188 : f32 to vector<16xf32>
          %select_n3A_190 = arith.select %eq3A_184, %broadcast_in_dim3A_189, %select_n3A : vector<16xi1>, vector<16xf32>
          %mul3A_191 = arith.constant 16 : i32
          %mul3A_192 = arith.muli %scan3A_100, %mul3A_191 : i32
          %add3A_193 = arith.constant 256 : i32
          %add3A_194 = arith.addi %add3A_193, %mul3A_192 : i32
          %add3A_195 = arith.constant 2 : i32
          %add3A_196 = arith.addi %add3A_194, %add3A_195 : i32
          %get3A_197 = arith.index_cast %add3A_196 : i32 to index
          %get3A_198 = arith.constant 0 : index
          %get3A_199 = tpu.vector_load %arg9[%get3A_197, %get3A_198] {strides = array<i32>} : memref<512x64xf32, #tpu.memory_space<vmem>>, vector<16xf32>,
          %get3A_200 = arith.index_cast %add3A_196 : i32 to index
          %get3A_201 = arith.constant 0 : index
          %get3A_202 = tpu.vector_load %arg10[%get3A_200, %get3A_201] {strides = array<i32>} : memref<512x64xf32, #tpu.memory_space<vmem>>, vector<16xf32>,
          %mul3A_203 = arith.mulf %get3A_199, %get3A_202 : vector<16xf32>
          %get3A_204 = arith.index_cast %add3A_196 : i32 to index
          %get3A_205 = arith.constant 16 : index
          %get3A_206 = tpu.vector_load %arg9[%get3A_204, %get3A_205] {strides = array<i32>} : memref<512x64xf32, #tpu.memory_space<vmem>>, vector<16xf32>,
          %get3A_207 = arith.index_cast %add3A_196 : i32 to index
          %get3A_208 = arith.constant 16 : index
          %get3A_209 = tpu.vector_load %arg10[%get3A_207, %get3A_208] {strides = array<i32>} : memref<512x64xf32, #tpu.memory_space<vmem>>, vector<16xf32>,
          %mul3A_210 = arith.mulf %get3A_206, %get3A_209 : vector<16xf32>
          %add3A_211 = arith.addf %mul3A_203, %mul3A_210 : vector<16xf32>
          %get3A_212 = arith.index_cast %add3A_196 : i32 to index
          %get3A_213 = arith.constant 32 : index
          %get3A_214 = tpu.vector_load %arg9[%get3A_212, %get3A_213] {strides = array<i32>} : memref<512x64xf32, #tpu.memory_space<vmem>>, vector<16xf32>,
          %get3A_215 = arith.index_cast %add3A_196 : i32 to index
          %get3A_216 = arith.constant 32 : index
          %get3A_217 = tpu.vector_load %arg10[%get3A_215, %get3A_216] {strides = array<i32>} : memref<512x64xf32, #tpu.memory_space<vmem>>, vector<16xf32>,
          %mul3A_218 = arith.mulf %get3A_214, %get3A_217 : vector<16xf32>
          %get3A_219 = arith.index_cast %add3A_196 : i32 to index
          %get3A_220 = arith.constant 48 : index
          %get3A_221 = tpu.vector_load %arg9[%get3A_219, %get3A_220] {strides = array<i32>} : memref<512x64xf32, #tpu.memory_space<vmem>>, vector<16xf32>,
          %get3A_222 = arith.index_cast %add3A_196 : i32 to index
          %get3A_223 = arith.constant 48 : index
          %get3A_224 = tpu.vector_load %arg10[%get3A_222, %get3A_223] {strides = array<i32>} : memref<512x64xf32, #tpu.memory_space<vmem>>, vector<16xf32>,
          %mul3A_225 = arith.mulf %get3A_221, %get3A_224 : vector<16xf32>
          %add3A_226 = arith.addf %mul3A_218, %mul3A_225 : vector<16xf32>
          %add3A_227 = arith.addf %add3A_211, %add3A_226 : vector<16xf32>
          %eq3A_228 = arith.constant 2 : i32
          %eq3A_229 = vector.broadcast %eq3A_228 : i32 to vector<16xi32>
          %eq3A_230 = arith.cmpi eq, %iota3A, %eq3A_229 : vector<16xi32>
          %reduce_sum3A_231 = arith.constant true
          %reduce_sum3A_232 = vector.broadcast %reduce_sum3A_231 : i1 to vector<16xi1>
          %reduce_sum3A_233 = tpu.scan <sum>, %add3A_227 masked %reduce_sum3A_232 : vector<16xf32>, vector<16xi1> -> vector<16xf32>
          %reduce_sum3A_234 = vector.extract %reduce_sum3A_233[15] : f32 from vector<16xf32>
          %broadcast_in_dim3A_235 = vector.broadcast %reduce_sum3A_234 : f32 to vector<16xf32>
          %select_n3A_236 = arith.select %eq3A_230, %broadcast_in_dim3A_235, %select_n3A_190 : vector<16xi1>, vector<16xf32>
          %mul3A_237 = arith.constant 16 : i32
          %mul3A_238 = arith.muli %scan3A_100, %mul3A_237 : i32
          %add3A_239 = arith.constant 256 : i32
          %add3A_240 = arith.addi %add3A_239, %mul3A_238 : i32
          %add3A_241 = arith.constant 3 : i32
          %add3A_242 = arith.addi %add3A_240, %add3A_241 : i32
          %get3A_243 = arith.index_cast %add3A_242 : i32 to index
          %get3A_244 = arith.constant 0 : index
          %get3A_245 = tpu.vector_load %arg9[%get3A_243, %get3A_244] {strides = array<i32>} : memref<512x64xf32, #tpu.memory_space<vmem>>, vector<16xf32>,
          %get3A_246 = arith.index_cast %add3A_242 : i32 to index
          %get3A_247 = arith.constant 0 : index
          %get3A_248 = tpu.vector_load %arg10[%get3A_246, %get3A_247] {strides = array<i32>} : memref<512x64xf32, #tpu.memory_space<vmem>>, vector<16xf32>,
          %mul3A_249 = arith.mulf %get3A_245, %get3A_248 : vector<16xf32>
          %get3A_250 = arith.index_cast %add3A_242 : i32 to index
          %get3A_251 = arith.constant 16 : index
          %get3A_252 = tpu.vector_load %arg9[%get3A_250, %get3A_251] {strides = array<i32>} : memref<512x64xf32, #tpu.memory_space<vmem>>, vector<16xf32>,
          %get3A_253 = arith.index_cast %add3A_242 : i32 to index
          %get3A_254 = arith.constant 16 : index
          %get3A_255 = tpu.vector_load %arg10[%get3A_253, %get3A_254] {strides = array<i32>} : memref<512x64xf32, #tpu.memory_space<vmem>>, vector<16xf32>,
          %mul3A_256 = arith.mulf %get3A_252, %get3A_255 : vector<16xf32>
          %add3A_257 = arith.addf %mul3A_249, %mul3A_256 : vector<16xf32>
          %get3A_258 = arith.index_cast %add3A_242 : i32 to index
          %get3A_259 = arith.constant 32 : index
          %get3A_260 = tpu.vector_load %arg9[%get3A_258, %get3A_259] {strides = array<i32>} : memref<512x64xf32, #tpu.memory_space<vmem>>, vector<16xf32>,
          %get3A_261 = arith.index_cast %add3A_242 : i32 to index
          %get3A_262 = arith.constant 32 : index
          %get3A_263 = tpu.vector_load %arg10[%get3A_261, %get3A_262] {strides = array<i32>} : memref<512x64xf32, #tpu.memory_space<vmem>>, vector<16xf32>,
          %mul3A_264 = arith.mulf %get3A_260, %get3A_263 : vector<16xf32>
          %get3A_265 = arith.index_cast %add3A_242 : i32 to index
          %get3A_266 = arith.constant 48 : index
          %get3A_267 = tpu.vector_load %arg9[%get3A_265, %get3A_266] {strides = array<i32>} : memref<512x64xf32, #tpu.memory_space<vmem>>, vector<16xf32>,
          %get3A_268 = arith.index_cast %add3A_242 : i32 to index
          %get3A_269 = arith.constant 48 : index
          %get3A_270 = tpu.vector_load %arg10[%get3A_268, %get3A_269] {strides = array<i32>} : memref<512x64xf32, #tpu.memory_space<vmem>>, vector<16xf32>,
          %mul3A_271 = arith.mulf %get3A_267, %get3A_270 : vector<16xf32>
          %add3A_272 = arith.addf %mul3A_264, %mul3A_271 : vector<16xf32>
          %add3A_273 = arith.addf %add3A_257, %add3A_272 : vector<16xf32>
          %eq3A_274 = arith.constant 3 : i32
          %eq3A_275 = vector.broadcast %eq3A_274 : i32 to vector<16xi32>
          %eq3A_276 = arith.cmpi eq, %iota3A, %eq3A_275 : vector<16xi32>
          %reduce_sum3A_277 = arith.constant true
          %reduce_sum3A_278 = vector.broadcast %reduce_sum3A_277 : i1 to vector<16xi1>
          %reduce_sum3A_279 = tpu.scan <sum>, %add3A_273 masked %reduce_sum3A_278 : vector<16xf32>, vector<16xi1> -> vector<16xf32>
          %reduce_sum3A_280 = vector.extract %reduce_sum3A_279[15] : f32 from vector<16xf32>
          %broadcast_in_dim3A_281 = vector.broadcast %reduce_sum3A_280 : f32 to vector<16xf32>
          %select_n3A_282 = arith.select %eq3A_276, %broadcast_in_dim3A_281, %select_n3A_236 : vector<16xi1>, vector<16xf32>
          %mul3A_283 = arith.constant 16 : i32
          %mul3A_284 = arith.muli %scan3A_100, %mul3A_283 : i32
          %add3A_285 = arith.constant 256 : i32
          %add3A_286 = arith.addi %add3A_285, %mul3A_284 : i32
          %add3A_287 = arith.constant 4 : i32
          %add3A_288 = arith.addi %add3A_286, %add3A_287 : i32
          %get3A_289 = arith.index_cast %add3A_288 : i32 to index
          %get3A_290 = arith.constant 0 : index
          %get3A_291 = tpu.vector_load %arg9[%get3A_289, %get3A_290] {strides = array<i32>} : memref<512x64xf32, #tpu.memory_space<vmem>>, vector<16xf32>,
          %get3A_292 = arith.index_cast %add3A_288 : i32 to index
          %get3A_293 = arith.constant 0 : index
          %get3A_294 = tpu.vector_load %arg10[%get3A_292, %get3A_293] {strides = array<i32>} : memref<512x64xf32, #tpu.memory_space<vmem>>, vector<16xf32>,
          %mul3A_295 = arith.mulf %get3A_291, %get3A_294 : vector<16xf32>
          %get3A_296 = arith.index_cast %add3A_288 : i32 to index
          %get3A_297 = arith.constant 16 : index
          %get3A_298 = tpu.vector_load %arg9[%get3A_296, %get3A_297] {strides = array<i32>} : memref<512x64xf32, #tpu.memory_space<vmem>>, vector<16xf32>,
          %get3A_299 = arith.index_cast %add3A_288 : i32 to index
          %get3A_300 = arith.constant 16 : index
          %get3A_301 = tpu.vector_load %arg10[%get3A_299, %get3A_300] {strides = array<i32>} : memref<512x64xf32, #tpu.memory_space<vmem>>, vector<16xf32>,
          %mul3A_302 = arith.mulf %get3A_298, %get3A_301 : vector<16xf32>
          %add3A_303 = arith.addf %mul3A_295, %mul3A_302 : vector<16xf32>
          %get3A_304 = arith.index_cast %add3A_288 : i32 to index
          %get3A_305 = arith.constant 32 : index
          %get3A_306 = tpu.vector_load %arg9[%get3A_304, %get3A_305] {strides = array<i32>} : memref<512x64xf32, #tpu.memory_space<vmem>>, vector<16xf32>,
          %get3A_307 = arith.index_cast %add3A_288 : i32 to index
          %get3A_308 = arith.constant 32 : index
          %get3A_309 = tpu.vector_load %arg10[%get3A_307, %get3A_308] {strides = array<i32>} : memref<512x64xf32, #tpu.memory_space<vmem>>, vector<16xf32>,
          %mul3A_310 = arith.mulf %get3A_306, %get3A_309 : vector<16xf32>
          %get3A_311 = arith.index_cast %add3A_288 : i32 to index
          %get3A_312 = arith.constant 48 : index
          %get3A_313 = tpu.vector_load %arg9[%get3A_311, %get3A_312] {strides = array<i32>} : memref<512x64xf32, #tpu.memory_space<vmem>>, vector<16xf32>,
          %get3A_314 = arith.index_cast %add3A_288 : i32 to index
          %get3A_315 = arith.constant 48 : index
          %get3A_316 = tpu.vector_load %arg10[%get3A_314, %get3A_315] {strides = array<i32>} : memref<512x64xf32, #tpu.memory_space<vmem>>, vector<16xf32>,
          %mul3A_317 = arith.mulf %get3A_313, %get3A_316 : vector<16xf32>
          %add3A_318 = arith.addf %mul3A_310, %mul3A_317 : vector<16xf32>
          %add3A_319 = arith.addf %add3A_303, %add3A_318 : vector<16xf32>
          %eq3A_320 = arith.constant 4 : i32
          %eq3A_321 = vector.broadcast %eq3A_320 : i32 to vector<16xi32>
          %eq3A_322 = arith.cmpi eq, %iota3A, %eq3A_321 : vector<16xi32>
          %reduce_sum3A_323 = arith.constant true
          %reduce_sum3A_324 = vector.broadcast %reduce_sum3A_323 : i1 to vector<16xi1>
          %reduce_sum3A_325 = tpu.scan <sum>, %add3A_319 masked %reduce_sum3A_324 : vector<16xf32>, vector<16xi1> -> vector<16xf32>
          %reduce_sum3A_326 = vector.extract %reduce_sum3A_325[15] : f32 from vector<16xf32>
          %broadcast_in_dim3A_327 = vector.broadcast %reduce_sum3A_326 : f32 to vector<16xf32>
          %select_n3A_328 = arith.select %eq3A_322, %broadcast_in_dim3A_327, %select_n3A_282 : vector<16xi1>, vector<16xf32>
          %mul3A_329 = arith.constant 16 : i32
          %mul3A_330 = arith.muli %scan3A_100, %mul3A_329 : i32
          %add3A_331 = arith.constant 256 : i32
          %add3A_332 = arith.addi %add3A_331, %mul3A_330 : i32
          %add3A_333 = arith.constant 5 : i32
          %add3A_334 = arith.addi %add3A_332, %add3A_333 : i32
          %get3A_335 = arith.index_cast %add3A_334 : i32 to index
          %get3A_336 = arith.constant 0 : index
          %get3A_337 = tpu.vector_load %arg9[%get3A_335, %get3A_336] {strides = array<i32>} : memref<512x64xf32, #tpu.memory_space<vmem>>, vector<16xf32>,
          %get3A_338 = arith.index_cast %add3A_334 : i32 to index
          %get3A_339 = arith.constant 0 : index
          %get3A_340 = tpu.vector_load %arg10[%get3A_338, %get3A_339] {strides = array<i32>} : memref<512x64xf32, #tpu.memory_space<vmem>>, vector<16xf32>,
          %mul3A_341 = arith.mulf %get3A_337, %get3A_340 : vector<16xf32>
          %get3A_342 = arith.index_cast %add3A_334 : i32 to index
          %get3A_343 = arith.constant 16 : index
          %get3A_344 = tpu.vector_load %arg9[%get3A_342, %get3A_343] {strides = array<i32>} : memref<512x64xf32, #tpu.memory_space<vmem>>, vector<16xf32>,
          %get3A_345 = arith.index_cast %add3A_334 : i32 to index
          %get3A_346 = arith.constant 16 : index
          %get3A_347 = tpu.vector_load %arg10[%get3A_345, %get3A_346] {strides = array<i32>} : memref<512x64xf32, #tpu.memory_space<vmem>>, vector<16xf32>,
          %mul3A_348 = arith.mulf %get3A_344, %get3A_347 : vector<16xf32>
          %add3A_349 = arith.addf %mul3A_341, %mul3A_348 : vector<16xf32>
          %get3A_350 = arith.index_cast %add3A_334 : i32 to index
          %get3A_351 = arith.constant 32 : index
          %get3A_352 = tpu.vector_load %arg9[%get3A_350, %get3A_351] {strides = array<i32>} : memref<512x64xf32, #tpu.memory_space<vmem>>, vector<16xf32>,
          %get3A_353 = arith.index_cast %add3A_334 : i32 to index
          %get3A_354 = arith.constant 32 : index
          %get3A_355 = tpu.vector_load %arg10[%get3A_353, %get3A_354] {strides = array<i32>} : memref<512x64xf32, #tpu.memory_space<vmem>>, vector<16xf32>,
          %mul3A_356 = arith.mulf %get3A_352, %get3A_355 : vector<16xf32>
          %get3A_357 = arith.index_cast %add3A_334 : i32 to index
          %get3A_358 = arith.constant 48 : index
          %get3A_359 = tpu.vector_load %arg9[%get3A_357, %get3A_358] {strides = array<i32>} : memref<512x64xf32, #tpu.memory_space<vmem>>, vector<16xf32>,
          %get3A_360 = arith.index_cast %add3A_334 : i32 to index
          %get3A_361 = arith.constant 48 : index
          %get3A_362 = tpu.vector_load %arg10[%get3A_360, %get3A_361] {strides = array<i32>} : memref<512x64xf32, #tpu.memory_space<vmem>>, vector<16xf32>,
          %mul3A_363 = arith.mulf %get3A_359, %get3A_362 : vector<16xf32>
          %add3A_364 = arith.addf %mul3A_356, %mul3A_363 : vector<16xf32>
          %add3A_365 = arith.addf %add3A_349, %add3A_364 : vector<16xf32>
          %eq3A_366 = arith.constant 5 : i32
          %eq3A_367 = vector.broadcast %eq3A_366 : i32 to vector<16xi32>
          %eq3A_368 = arith.cmpi eq, %iota3A, %eq3A_367 : vector<16xi32>
          %reduce_sum3A_369 = arith.constant true
          %reduce_sum3A_370 = vector.broadcast %reduce_sum3A_369 : i1 to vector<16xi1>
          %reduce_sum3A_371 = tpu.scan <sum>, %add3A_365 masked %reduce_sum3A_370 : vector<16xf32>, vector<16xi1> -> vector<16xf32>
          %reduce_sum3A_372 = vector.extract %reduce_sum3A_371[15] : f32 from vector<16xf32>
          %broadcast_in_dim3A_373 = vector.broadcast %reduce_sum3A_372 : f32 to vector<16xf32>
          %select_n3A_374 = arith.select %eq3A_368, %broadcast_in_dim3A_373, %select_n3A_328 : vector<16xi1>, vector<16xf32>
          %mul3A_375 = arith.constant 16 : i32
          %mul3A_376 = arith.muli %scan3A_100, %mul3A_375 : i32
          %add3A_377 = arith.constant 256 : i32
          %add3A_378 = arith.addi %add3A_377, %mul3A_376 : i32
          %add3A_379 = arith.constant 6 : i32
          %add3A_380 = arith.addi %add3A_378, %add3A_379 : i32
          %get3A_381 = arith.index_cast %add3A_380 : i32 to index
          %get3A_382 = arith.constant 0 : index
          %get3A_383 = tpu.vector_load %arg9[%get3A_381, %get3A_382] {strides = array<i32>} : memref<512x64xf32, #tpu.memory_space<vmem>>, vector<16xf32>,
          %get3A_384 = arith.index_cast %add3A_380 : i32 to index
          %get3A_385 = arith.constant 0 : index
          %get3A_386 = tpu.vector_load %arg10[%get3A_384, %get3A_385] {strides = array<i32>} : memref<512x64xf32, #tpu.memory_space<vmem>>, vector<16xf32>,
          %mul3A_387 = arith.mulf %get3A_383, %get3A_386 : vector<16xf32>
          %get3A_388 = arith.index_cast %add3A_380 : i32 to index
          %get3A_389 = arith.constant 16 : index
          %get3A_390 = tpu.vector_load %arg9[%get3A_388, %get3A_389] {strides = array<i32>} : memref<512x64xf32, #tpu.memory_space<vmem>>, vector<16xf32>,
          %get3A_391 = arith.index_cast %add3A_380 : i32 to index
          %get3A_392 = arith.constant 16 : index
          %get3A_393 = tpu.vector_load %arg10[%get3A_391, %get3A_392] {strides = array<i32>} : memref<512x64xf32, #tpu.memory_space<vmem>>, vector<16xf32>,
          %mul3A_394 = arith.mulf %get3A_390, %get3A_393 : vector<16xf32>
          %add3A_395 = arith.addf %mul3A_387, %mul3A_394 : vector<16xf32>
          %get3A_396 = arith.index_cast %add3A_380 : i32 to index
          %get3A_397 = arith.constant 32 : index
          %get3A_398 = tpu.vector_load %arg9[%get3A_396, %get3A_397] {strides = array<i32>} : memref<512x64xf32, #tpu.memory_space<vmem>>, vector<16xf32>,
          %get3A_399 = arith.index_cast %add3A_380 : i32 to index
          %get3A_400 = arith.constant 32 : index
          %get3A_401 = tpu.vector_load %arg10[%get3A_399, %get3A_400] {strides = array<i32>} : memref<512x64xf32, #tpu.memory_space<vmem>>, vector<16xf32>,
          %mul3A_402 = arith.mulf %get3A_398, %get3A_401 : vector<16xf32>
          %get3A_403 = arith.index_cast %add3A_380 : i32 to index
          %get3A_404 = arith.constant 48 : index
          %get3A_405 = tpu.vector_load %arg9[%get3A_403, %get3A_404] {strides = array<i32>} : memref<512x64xf32, #tpu.memory_space<vmem>>, vector<16xf32>,
          %get3A_406 = arith.index_cast %add3A_380 : i32 to index
          %get3A_407 = arith.constant 48 : index
          %get3A_408 = tpu.vector_load %arg10[%get3A_406, %get3A_407] {strides = array<i32>} : memref<512x64xf32, #tpu.memory_space<vmem>>, vector<16xf32>,
          %mul3A_409 = arith.mulf %get3A_405, %get3A_408 : vector<16xf32>
          %add3A_410 = arith.addf %mul3A_402, %mul3A_409 : vector<16xf32>
          %add3A_411 = arith.addf %add3A_395, %add3A_410 : vector<16xf32>
          %eq3A_412 = arith.constant 6 : i32
          %eq3A_413 = vector.broadcast %eq3A_412 : i32 to vector<16xi32>
          %eq3A_414 = arith.cmpi eq, %iota3A, %eq3A_413 : vector<16xi32>
          %reduce_sum3A_415 = arith.constant true
          %reduce_sum3A_416 = vector.broadcast %reduce_sum3A_415 : i1 to vector<16xi1>
          %reduce_sum3A_417 = tpu.scan <sum>, %add3A_411 masked %reduce_sum3A_416 : vector<16xf32>, vector<16xi1> -> vector<16xf32>
          %reduce_sum3A_418 = vector.extract %reduce_sum3A_417[15] : f32 from vector<16xf32>
          %broadcast_in_dim3A_419 = vector.broadcast %reduce_sum3A_418 : f32 to vector<16xf32>
          %select_n3A_420 = arith.select %eq3A_414, %broadcast_in_dim3A_419, %select_n3A_374 : vector<16xi1>, vector<16xf32>
          %mul3A_421 = arith.constant 16 : i32
          %mul3A_422 = arith.muli %scan3A_100, %mul3A_421 : i32
          %add3A_423 = arith.constant 256 : i32
          %add3A_424 = arith.addi %add3A_423, %mul3A_422 : i32
          %add3A_425 = arith.constant 7 : i32
          %add3A_426 = arith.addi %add3A_424, %add3A_425 : i32
          %get3A_427 = arith.index_cast %add3A_426 : i32 to index
          %get3A_428 = arith.constant 0 : index
          %get3A_429 = tpu.vector_load %arg9[%get3A_427, %get3A_428] {strides = array<i32>} : memref<512x64xf32, #tpu.memory_space<vmem>>, vector<16xf32>,
          %get3A_430 = arith.index_cast %add3A_426 : i32 to index
          %get3A_431 = arith.constant 0 : index
          %get3A_432 = tpu.vector_load %arg10[%get3A_430, %get3A_431] {strides = array<i32>} : memref<512x64xf32, #tpu.memory_space<vmem>>, vector<16xf32>,
          %mul3A_433 = arith.mulf %get3A_429, %get3A_432 : vector<16xf32>
          %get3A_434 = arith.index_cast %add3A_426 : i32 to index
          %get3A_435 = arith.constant 16 : index
          %get3A_436 = tpu.vector_load %arg9[%get3A_434, %get3A_435] {strides = array<i32>} : memref<512x64xf32, #tpu.memory_space<vmem>>, vector<16xf32>,
          %get3A_437 = arith.index_cast %add3A_426 : i32 to index
          %get3A_438 = arith.constant 16 : index
          %get3A_439 = tpu.vector_load %arg10[%get3A_437, %get3A_438] {strides = array<i32>} : memref<512x64xf32, #tpu.memory_space<vmem>>, vector<16xf32>,
          %mul3A_440 = arith.mulf %get3A_436, %get3A_439 : vector<16xf32>
          %add3A_441 = arith.addf %mul3A_433, %mul3A_440 : vector<16xf32>
          %get3A_442 = arith.index_cast %add3A_426 : i32 to index
          %get3A_443 = arith.constant 32 : index
          %get3A_444 = tpu.vector_load %arg9[%get3A_442, %get3A_443] {strides = array<i32>} : memref<512x64xf32, #tpu.memory_space<vmem>>, vector<16xf32>,
          %get3A_445 = arith.index_cast %add3A_426 : i32 to index
          %get3A_446 = arith.constant 32 : index
          %get3A_447 = tpu.vector_load %arg10[%get3A_445, %get3A_446] {strides = array<i32>} : memref<512x64xf32, #tpu.memory_space<vmem>>, vector<16xf32>,
          %mul3A_448 = arith.mulf %get3A_444, %get3A_447 : vector<16xf32>
          %get3A_449 = arith.index_cast %add3A_426 : i32 to index
          %get3A_450 = arith.constant 48 : index
          %get3A_451 = tpu.vector_load %arg9[%get3A_449, %get3A_450] {strides = array<i32>} : memref<512x64xf32, #tpu.memory_space<vmem>>, vector<16xf32>,
          %get3A_452 = arith.index_cast %add3A_426 : i32 to index
          %get3A_453 = arith.constant 48 : index
          %get3A_454 = tpu.vector_load %arg10[%get3A_452, %get3A_453] {strides = array<i32>} : memref<512x64xf32, #tpu.memory_space<vmem>>, vector<16xf32>,
          %mul3A_455 = arith.mulf %get3A_451, %get3A_454 : vector<16xf32>
          %add3A_456 = arith.addf %mul3A_448, %mul3A_455 : vector<16xf32>
          %add3A_457 = arith.addf %add3A_441, %add3A_456 : vector<16xf32>
          %eq3A_458 = arith.constant 7 : i32
          %eq3A_459 = vector.broadcast %eq3A_458 : i32 to vector<16xi32>
          %eq3A_460 = arith.cmpi eq, %iota3A, %eq3A_459 : vector<16xi32>
          %reduce_sum3A_461 = arith.constant true
          %reduce_sum3A_462 = vector.broadcast %reduce_sum3A_461 : i1 to vector<16xi1>
          %reduce_sum3A_463 = tpu.scan <sum>, %add3A_457 masked %reduce_sum3A_462 : vector<16xf32>, vector<16xi1> -> vector<16xf32>
          %reduce_sum3A_464 = vector.extract %reduce_sum3A_463[15] : f32 from vector<16xf32>
          %broadcast_in_dim3A_465 = vector.broadcast %reduce_sum3A_464 : f32 to vector<16xf32>
          %select_n3A_466 = arith.select %eq3A_460, %broadcast_in_dim3A_465, %select_n3A_420 : vector<16xi1>, vector<16xf32>
          %mul3A_467 = arith.constant 16 : i32
          %mul3A_468 = arith.muli %scan3A_100, %mul3A_467 : i32
          %add3A_469 = arith.constant 256 : i32
          %add3A_470 = arith.addi %add3A_469, %mul3A_468 : i32
          %add3A_471 = arith.constant 8 : i32
          %add3A_472 = arith.addi %add3A_470, %add3A_471 : i32
          %get3A_473 = arith.index_cast %add3A_472 : i32 to index
          %get3A_474 = arith.constant 0 : index
          %get3A_475 = tpu.vector_load %arg9[%get3A_473, %get3A_474] {strides = array<i32>} : memref<512x64xf32, #tpu.memory_space<vmem>>, vector<16xf32>,
          %get3A_476 = arith.index_cast %add3A_472 : i32 to index
          %get3A_477 = arith.constant 0 : index
          %get3A_478 = tpu.vector_load %arg10[%get3A_476, %get3A_477] {strides = array<i32>} : memref<512x64xf32, #tpu.memory_space<vmem>>, vector<16xf32>,
          %mul3A_479 = arith.mulf %get3A_475, %get3A_478 : vector<16xf32>
          %get3A_480 = arith.index_cast %add3A_472 : i32 to index
          %get3A_481 = arith.constant 16 : index
          %get3A_482 = tpu.vector_load %arg9[%get3A_480, %get3A_481] {strides = array<i32>} : memref<512x64xf32, #tpu.memory_space<vmem>>, vector<16xf32>,
          %get3A_483 = arith.index_cast %add3A_472 : i32 to index
          %get3A_484 = arith.constant 16 : index
          %get3A_485 = tpu.vector_load %arg10[%get3A_483, %get3A_484] {strides = array<i32>} : memref<512x64xf32, #tpu.memory_space<vmem>>, vector<16xf32>,
          %mul3A_486 = arith.mulf %get3A_482, %get3A_485 : vector<16xf32>
          %add3A_487 = arith.addf %mul3A_479, %mul3A_486 : vector<16xf32>
          %get3A_488 = arith.index_cast %add3A_472 : i32 to index
          %get3A_489 = arith.constant 32 : index
          %get3A_490 = tpu.vector_load %arg9[%get3A_488, %get3A_489] {strides = array<i32>} : memref<512x64xf32, #tpu.memory_space<vmem>>, vector<16xf32>,
          %get3A_491 = arith.index_cast %add3A_472 : i32 to index
          %get3A_492 = arith.constant 32 : index
          %get3A_493 = tpu.vector_load %arg10[%get3A_491, %get3A_492] {strides = array<i32>} : memref<512x64xf32, #tpu.memory_space<vmem>>, vector<16xf32>,
          %mul3A_494 = arith.mulf %get3A_490, %get3A_493 : vector<16xf32>
          %get3A_495 = arith.index_cast %add3A_472 : i32 to index
          %get3A_496 = arith.constant 48 : index
          %get3A_497 = tpu.vector_load %arg9[%get3A_495, %get3A_496] {strides = array<i32>} : memref<512x64xf32, #tpu.memory_space<vmem>>, vector<16xf32>,
          %get3A_498 = arith.index_cast %add3A_472 : i32 to index
          %get3A_499 = arith.constant 48 : index
          %get3A_500 = tpu.vector_load %arg10[%get3A_498, %get3A_499] {strides = array<i32>} : memref<512x64xf32, #tpu.memory_space<vmem>>, vector<16xf32>,
          %mul3A_501 = arith.mulf %get3A_497, %get3A_500 : vector<16xf32>
          %add3A_502 = arith.addf %mul3A_494, %mul3A_501 : vector<16xf32>
          %add3A_503 = arith.addf %add3A_487, %add3A_502 : vector<16xf32>
          %eq3A_504 = arith.constant 8 : i32
          %eq3A_505 = vector.broadcast %eq3A_504 : i32 to vector<16xi32>
          %eq3A_506 = arith.cmpi eq, %iota3A, %eq3A_505 : vector<16xi32>
          %reduce_sum3A_507 = arith.constant true
          %reduce_sum3A_508 = vector.broadcast %reduce_sum3A_507 : i1 to vector<16xi1>
          %reduce_sum3A_509 = tpu.scan <sum>, %add3A_503 masked %reduce_sum3A_508 : vector<16xf32>, vector<16xi1> -> vector<16xf32>
          %reduce_sum3A_510 = vector.extract %reduce_sum3A_509[15] : f32 from vector<16xf32>
          %broadcast_in_dim3A_511 = vector.broadcast %reduce_sum3A_510 : f32 to vector<16xf32>
          %select_n3A_512 = arith.select %eq3A_506, %broadcast_in_dim3A_511, %select_n3A_466 : vector<16xi1>, vector<16xf32>
          %mul3A_513 = arith.constant 16 : i32
          %mul3A_514 = arith.muli %scan3A_100, %mul3A_513 : i32
          %add3A_515 = arith.constant 256 : i32
          %add3A_516 = arith.addi %add3A_515, %mul3A_514 : i32
          %add3A_517 = arith.constant 9 : i32
          %add3A_518 = arith.addi %add3A_516, %add3A_517 : i32
          %get3A_519 = arith.index_cast %add3A_518 : i32 to index
          %get3A_520 = arith.constant 0 : index
          %get3A_521 = tpu.vector_load %arg9[%get3A_519, %get3A_520] {strides = array<i32>} : memref<512x64xf32, #tpu.memory_space<vmem>>, vector<16xf32>,
          %get3A_522 = arith.index_cast %add3A_518 : i32 to index
          %get3A_523 = arith.constant 0 : index
          %get3A_524 = tpu.vector_load %arg10[%get3A_522, %get3A_523] {strides = array<i32>} : memref<512x64xf32, #tpu.memory_space<vmem>>, vector<16xf32>,
          %mul3A_525 = arith.mulf %get3A_521, %get3A_524 : vector<16xf32>
          %get3A_526 = arith.index_cast %add3A_518 : i32 to index
          %get3A_527 = arith.constant 16 : index
          %get3A_528 = tpu.vector_load %arg9[%get3A_526, %get3A_527] {strides = array<i32>} : memref<512x64xf32, #tpu.memory_space<vmem>>, vector<16xf32>,
          %get3A_529 = arith.index_cast %add3A_518 : i32 to index
          %get3A_530 = arith.constant 16 : index
          %get3A_531 = tpu.vector_load %arg10[%get3A_529, %get3A_530] {strides = array<i32>} : memref<512x64xf32, #tpu.memory_space<vmem>>, vector<16xf32>,
          %mul3A_532 = arith.mulf %get3A_528, %get3A_531 : vector<16xf32>
          %add3A_533 = arith.addf %mul3A_525, %mul3A_532 : vector<16xf32>
          %get3A_534 = arith.index_cast %add3A_518 : i32 to index
          %get3A_535 = arith.constant 32 : index
          %get3A_536 = tpu.vector_load %arg9[%get3A_534, %get3A_535] {strides = array<i32>} : memref<512x64xf32, #tpu.memory_space<vmem>>, vector<16xf32>,
          %get3A_537 = arith.index_cast %add3A_518 : i32 to index
          %get3A_538 = arith.constant 32 : index
          %get3A_539 = tpu.vector_load %arg10[%get3A_537, %get3A_538] {strides = array<i32>} : memref<512x64xf32, #tpu.memory_space<vmem>>, vector<16xf32>,
          %mul3A_540 = arith.mulf %get3A_536, %get3A_539 : vector<16xf32>
          %get3A_541 = arith.index_cast %add3A_518 : i32 to index
          %get3A_542 = arith.constant 48 : index
          %get3A_543 = tpu.vector_load %arg9[%get3A_541, %get3A_542] {strides = array<i32>} : memref<512x64xf32, #tpu.memory_space<vmem>>, vector<16xf32>,
          %get3A_544 = arith.index_cast %add3A_518 : i32 to index
          %get3A_545 = arith.constant 48 : index
          %get3A_546 = tpu.vector_load %arg10[%get3A_544, %get3A_545] {strides = array<i32>} : memref<512x64xf32, #tpu.memory_space<vmem>>, vector<16xf32>,
          %mul3A_547 = arith.mulf %get3A_543, %get3A_546 : vector<16xf32>
          %add3A_548 = arith.addf %mul3A_540, %mul3A_547 : vector<16xf32>
          %add3A_549 = arith.addf %add3A_533, %add3A_548 : vector<16xf32>
          %eq3A_550 = arith.constant 9 : i32
          %eq3A_551 = vector.broadcast %eq3A_550 : i32 to vector<16xi32>
          %eq3A_552 = arith.cmpi eq, %iota3A, %eq3A_551 : vector<16xi32>
          %reduce_sum3A_553 = arith.constant true
          %reduce_sum3A_554 = vector.broadcast %reduce_sum3A_553 : i1 to vector<16xi1>
          %reduce_sum3A_555 = tpu.scan <sum>, %add3A_549 masked %reduce_sum3A_554 : vector<16xf32>, vector<16xi1> -> vector<16xf32>
          %reduce_sum3A_556 = vector.extract %reduce_sum3A_555[15] : f32 from vector<16xf32>
          %broadcast_in_dim3A_557 = vector.broadcast %reduce_sum3A_556 : f32 to vector<16xf32>
          %select_n3A_558 = arith.select %eq3A_552, %broadcast_in_dim3A_557, %select_n3A_512 : vector<16xi1>, vector<16xf32>
          %mul3A_559 = arith.constant 16 : i32
          %mul3A_560 = arith.muli %scan3A_100, %mul3A_559 : i32
          %add3A_561 = arith.constant 256 : i32
          %add3A_562 = arith.addi %add3A_561, %mul3A_560 : i32
          %add3A_563 = arith.constant 10 : i32
          %add3A_564 = arith.addi %add3A_562, %add3A_563 : i32
          %get3A_565 = arith.index_cast %add3A_564 : i32 to index
          %get3A_566 = arith.constant 0 : index
          %get3A_567 = tpu.vector_load %arg9[%get3A_565, %get3A_566] {strides = array<i32>} : memref<512x64xf32, #tpu.memory_space<vmem>>, vector<16xf32>,
          %get3A_568 = arith.index_cast %add3A_564 : i32 to index
          %get3A_569 = arith.constant 0 : index
          %get3A_570 = tpu.vector_load %arg10[%get3A_568, %get3A_569] {strides = array<i32>} : memref<512x64xf32, #tpu.memory_space<vmem>>, vector<16xf32>,
          %mul3A_571 = arith.mulf %get3A_567, %get3A_570 : vector<16xf32>
          %get3A_572 = arith.index_cast %add3A_564 : i32 to index
          %get3A_573 = arith.constant 16 : index
          %get3A_574 = tpu.vector_load %arg9[%get3A_572, %get3A_573] {strides = array<i32>} : memref<512x64xf32, #tpu.memory_space<vmem>>, vector<16xf32>,
          %get3A_575 = arith.index_cast %add3A_564 : i32 to index
          %get3A_576 = arith.constant 16 : index
          %get3A_577 = tpu.vector_load %arg10[%get3A_575, %get3A_576] {strides = array<i32>} : memref<512x64xf32, #tpu.memory_space<vmem>>, vector<16xf32>,
          %mul3A_578 = arith.mulf %get3A_574, %get3A_577 : vector<16xf32>
          %add3A_579 = arith.addf %mul3A_571, %mul3A_578 : vector<16xf32>
          %get3A_580 = arith.index_cast %add3A_564 : i32 to index
          %get3A_581 = arith.constant 32 : index
          %get3A_582 = tpu.vector_load %arg9[%get3A_580, %get3A_581] {strides = array<i32>} : memref<512x64xf32, #tpu.memory_space<vmem>>, vector<16xf32>,
          %get3A_583 = arith.index_cast %add3A_564 : i32 to index
          %get3A_584 = arith.constant 32 : index
          %get3A_585 = tpu.vector_load %arg10[%get3A_583, %get3A_584] {strides = array<i32>} : memref<512x64xf32, #tpu.memory_space<vmem>>, vector<16xf32>,
          %mul3A_586 = arith.mulf %get3A_582, %get3A_585 : vector<16xf32>
          %get3A_587 = arith.index_cast %add3A_564 : i32 to index
          %get3A_588 = arith.constant 48 : index
          %get3A_589 = tpu.vector_load %arg9[%get3A_587, %get3A_588] {strides = array<i32>} : memref<512x64xf32, #tpu.memory_space<vmem>>, vector<16xf32>,
          %get3A_590 = arith.index_cast %add3A_564 : i32 to index
          %get3A_591 = arith.constant 48 : index
          %get3A_592 = tpu.vector_load %arg10[%get3A_590, %get3A_591] {strides = array<i32>} : memref<512x64xf32, #tpu.memory_space<vmem>>, vector<16xf32>,
          %mul3A_593 = arith.mulf %get3A_589, %get3A_592 : vector<16xf32>
          %add3A_594 = arith.addf %mul3A_586, %mul3A_593 : vector<16xf32>
          %add3A_595 = arith.addf %add3A_579, %add3A_594 : vector<16xf32>
          %eq3A_596 = arith.constant 10 : i32
          %eq3A_597 = vector.broadcast %eq3A_596 : i32 to vector<16xi32>
          %eq3A_598 = arith.cmpi eq, %iota3A, %eq3A_597 : vector<16xi32>
          %reduce_sum3A_599 = arith.constant true
          %reduce_sum3A_600 = vector.broadcast %reduce_sum3A_599 : i1 to vector<16xi1>
          %reduce_sum3A_601 = tpu.scan <sum>, %add3A_595 masked %reduce_sum3A_600 : vector<16xf32>, vector<16xi1> -> vector<16xf32>
          %reduce_sum3A_602 = vector.extract %reduce_sum3A_601[15] : f32 from vector<16xf32>
          %broadcast_in_dim3A_603 = vector.broadcast %reduce_sum3A_602 : f32 to vector<16xf32>
          %select_n3A_604 = arith.select %eq3A_598, %broadcast_in_dim3A_603, %select_n3A_558 : vector<16xi1>, vector<16xf32>
          %mul3A_605 = arith.constant 16 : i32
          %mul3A_606 = arith.muli %scan3A_100, %mul3A_605 : i32
          %add3A_607 = arith.constant 256 : i32
          %add3A_608 = arith.addi %add3A_607, %mul3A_606 : i32
          %add3A_609 = arith.constant 11 : i32
          %add3A_610 = arith.addi %add3A_608, %add3A_609 : i32
          %get3A_611 = arith.index_cast %add3A_610 : i32 to index
          %get3A_612 = arith.constant 0 : index
          %get3A_613 = tpu.vector_load %arg9[%get3A_611, %get3A_612] {strides = array<i32>} : memref<512x64xf32, #tpu.memory_space<vmem>>, vector<16xf32>,
          %get3A_614 = arith.index_cast %add3A_610 : i32 to index
          %get3A_615 = arith.constant 0 : index
          %get3A_616 = tpu.vector_load %arg10[%get3A_614, %get3A_615] {strides = array<i32>} : memref<512x64xf32, #tpu.memory_space<vmem>>, vector<16xf32>,
          %mul3A_617 = arith.mulf %get3A_613, %get3A_616 : vector<16xf32>
          %get3A_618 = arith.index_cast %add3A_610 : i32 to index
          %get3A_619 = arith.constant 16 : index
          %get3A_620 = tpu.vector_load %arg9[%get3A_618, %get3A_619] {strides = array<i32>} : memref<512x64xf32, #tpu.memory_space<vmem>>, vector<16xf32>,
          %get3A_621 = arith.index_cast %add3A_610 : i32 to index
          %get3A_622 = arith.constant 16 : index
          %get3A_623 = tpu.vector_load %arg10[%get3A_621, %get3A_622] {strides = array<i32>} : memref<512x64xf32, #tpu.memory_space<vmem>>, vector<16xf32>,
          %mul3A_624 = arith.mulf %get3A_620, %get3A_623 : vector<16xf32>
          %add3A_625 = arith.addf %mul3A_617, %mul3A_624 : vector<16xf32>
          %get3A_626 = arith.index_cast %add3A_610 : i32 to index
          %get3A_627 = arith.constant 32 : index
          %get3A_628 = tpu.vector_load %arg9[%get3A_626, %get3A_627] {strides = array<i32>} : memref<512x64xf32, #tpu.memory_space<vmem>>, vector<16xf32>,
          %get3A_629 = arith.index_cast %add3A_610 : i32 to index
          %get3A_630 = arith.constant 32 : index
          %get3A_631 = tpu.vector_load %arg10[%get3A_629, %get3A_630] {strides = array<i32>} : memref<512x64xf32, #tpu.memory_space<vmem>>, vector<16xf32>,
          %mul3A_632 = arith.mulf %get3A_628, %get3A_631 : vector<16xf32>
          %get3A_633 = arith.index_cast %add3A_610 : i32 to index
          %get3A_634 = arith.constant 48 : index
          %get3A_635 = tpu.vector_load %arg9[%get3A_633, %get3A_634] {strides = array<i32>} : memref<512x64xf32, #tpu.memory_space<vmem>>, vector<16xf32>,
          %get3A_636 = arith.index_cast %add3A_610 : i32 to index
          %get3A_637 = arith.constant 48 : index
          %get3A_638 = tpu.vector_load %arg10[%get3A_636, %get3A_637] {strides = array<i32>} : memref<512x64xf32, #tpu.memory_space<vmem>>, vector<16xf32>,
          %mul3A_639 = arith.mulf %get3A_635, %get3A_638 : vector<16xf32>
          %add3A_640 = arith.addf %mul3A_632, %mul3A_639 : vector<16xf32>
          %add3A_641 = arith.addf %add3A_625, %add3A_640 : vector<16xf32>
          %eq3A_642 = arith.constant 11 : i32
          %eq3A_643 = vector.broadcast %eq3A_642 : i32 to vector<16xi32>
          %eq3A_644 = arith.cmpi eq, %iota3A, %eq3A_643 : vector<16xi32>
          %reduce_sum3A_645 = arith.constant true
          %reduce_sum3A_646 = vector.broadcast %reduce_sum3A_645 : i1 to vector<16xi1>
          %reduce_sum3A_647 = tpu.scan <sum>, %add3A_641 masked %reduce_sum3A_646 : vector<16xf32>, vector<16xi1> -> vector<16xf32>
          %reduce_sum3A_648 = vector.extract %reduce_sum3A_647[15] : f32 from vector<16xf32>
          %broadcast_in_dim3A_649 = vector.broadcast %reduce_sum3A_648 : f32 to vector<16xf32>
          %select_n3A_650 = arith.select %eq3A_644, %broadcast_in_dim3A_649, %select_n3A_604 : vector<16xi1>, vector<16xf32>
          %mul3A_651 = arith.constant 16 : i32
          %mul3A_652 = arith.muli %scan3A_100, %mul3A_651 : i32
          %add3A_653 = arith.constant 256 : i32
          %add3A_654 = arith.addi %add3A_653, %mul3A_652 : i32
          %add3A_655 = arith.constant 12 : i32
          %add3A_656 = arith.addi %add3A_654, %add3A_655 : i32
          %get3A_657 = arith.index_cast %add3A_656 : i32 to index
          %get3A_658 = arith.constant 0 : index
          %get3A_659 = tpu.vector_load %arg9[%get3A_657, %get3A_658] {strides = array<i32>} : memref<512x64xf32, #tpu.memory_space<vmem>>, vector<16xf32>,
          %get3A_660 = arith.index_cast %add3A_656 : i32 to index
          %get3A_661 = arith.constant 0 : index
          %get3A_662 = tpu.vector_load %arg10[%get3A_660, %get3A_661] {strides = array<i32>} : memref<512x64xf32, #tpu.memory_space<vmem>>, vector<16xf32>,
          %mul3A_663 = arith.mulf %get3A_659, %get3A_662 : vector<16xf32>
          %get3A_664 = arith.index_cast %add3A_656 : i32 to index
          %get3A_665 = arith.constant 16 : index
          %get3A_666 = tpu.vector_load %arg9[%get3A_664, %get3A_665] {strides = array<i32>} : memref<512x64xf32, #tpu.memory_space<vmem>>, vector<16xf32>,
          %get3A_667 = arith.index_cast %add3A_656 : i32 to index
          %get3A_668 = arith.constant 16 : index
          %get3A_669 = tpu.vector_load %arg10[%get3A_667, %get3A_668] {strides = array<i32>} : memref<512x64xf32, #tpu.memory_space<vmem>>, vector<16xf32>,
          %mul3A_670 = arith.mulf %get3A_666, %get3A_669 : vector<16xf32>
          %add3A_671 = arith.addf %mul3A_663, %mul3A_670 : vector<16xf32>
          %get3A_672 = arith.index_cast %add3A_656 : i32 to index
          %get3A_673 = arith.constant 32 : index
          %get3A_674 = tpu.vector_load %arg9[%get3A_672, %get3A_673] {strides = array<i32>} : memref<512x64xf32, #tpu.memory_space<vmem>>, vector<16xf32>,
          %get3A_675 = arith.index_cast %add3A_656 : i32 to index
          %get3A_676 = arith.constant 32 : index
          %get3A_677 = tpu.vector_load %arg10[%get3A_675, %get3A_676] {strides = array<i32>} : memref<512x64xf32, #tpu.memory_space<vmem>>, vector<16xf32>,
          %mul3A_678 = arith.mulf %get3A_674, %get3A_677 : vector<16xf32>
          %get3A_679 = arith.index_cast %add3A_656 : i32 to index
          %get3A_680 = arith.constant 48 : index
          %get3A_681 = tpu.vector_load %arg9[%get3A_679, %get3A_680] {strides = array<i32>} : memref<512x64xf32, #tpu.memory_space<vmem>>, vector<16xf32>,
          %get3A_682 = arith.index_cast %add3A_656 : i32 to index
          %get3A_683 = arith.constant 48 : index
          %get3A_684 = tpu.vector_load %arg10[%get3A_682, %get3A_683] {strides = array<i32>} : memref<512x64xf32, #tpu.memory_space<vmem>>, vector<16xf32>,
          %mul3A_685 = arith.mulf %get3A_681, %get3A_684 : vector<16xf32>
          %add3A_686 = arith.addf %mul3A_678, %mul3A_685 : vector<16xf32>
          %add3A_687 = arith.addf %add3A_671, %add3A_686 : vector<16xf32>
          %eq3A_688 = arith.constant 12 : i32
          %eq3A_689 = vector.broadcast %eq3A_688 : i32 to vector<16xi32>
          %eq3A_690 = arith.cmpi eq, %iota3A, %eq3A_689 : vector<16xi32>
          %reduce_sum3A_691 = arith.constant true
          %reduce_sum3A_692 = vector.broadcast %reduce_sum3A_691 : i1 to vector<16xi1>
          %reduce_sum3A_693 = tpu.scan <sum>, %add3A_687 masked %reduce_sum3A_692 : vector<16xf32>, vector<16xi1> -> vector<16xf32>
          %reduce_sum3A_694 = vector.extract %reduce_sum3A_693[15] : f32 from vector<16xf32>
          %broadcast_in_dim3A_695 = vector.broadcast %reduce_sum3A_694 : f32 to vector<16xf32>
          %select_n3A_696 = arith.select %eq3A_690, %broadcast_in_dim3A_695, %select_n3A_650 : vector<16xi1>, vector<16xf32>
          %mul3A_697 = arith.constant 16 : i32
          %mul3A_698 = arith.muli %scan3A_100, %mul3A_697 : i32
          %add3A_699 = arith.constant 256 : i32
          %add3A_700 = arith.addi %add3A_699, %mul3A_698 : i32
          %add3A_701 = arith.constant 13 : i32
          %add3A_702 = arith.addi %add3A_700, %add3A_701 : i32
          %get3A_703 = arith.index_cast %add3A_702 : i32 to index
          %get3A_704 = arith.constant 0 : index
          %get3A_705 = tpu.vector_load %arg9[%get3A_703, %get3A_704] {strides = array<i32>} : memref<512x64xf32, #tpu.memory_space<vmem>>, vector<16xf32>,
          %get3A_706 = arith.index_cast %add3A_702 : i32 to index
          %get3A_707 = arith.constant 0 : index
          %get3A_708 = tpu.vector_load %arg10[%get3A_706, %get3A_707] {strides = array<i32>} : memref<512x64xf32, #tpu.memory_space<vmem>>, vector<16xf32>,
          %mul3A_709 = arith.mulf %get3A_705, %get3A_708 : vector<16xf32>
          %get3A_710 = arith.index_cast %add3A_702 : i32 to index
          %get3A_711 = arith.constant 16 : index
          %get3A_712 = tpu.vector_load %arg9[%get3A_710, %get3A_711] {strides = array<i32>} : memref<512x64xf32, #tpu.memory_space<vmem>>, vector<16xf32>,
          %get3A_713 = arith.index_cast %add3A_702 : i32 to index
          %get3A_714 = arith.constant 16 : index
          %get3A_715 = tpu.vector_load %arg10[%get3A_713, %get3A_714] {strides = array<i32>} : memref<512x64xf32, #tpu.memory_space<vmem>>, vector<16xf32>,
          %mul3A_716 = arith.mulf %get3A_712, %get3A_715 : vector<16xf32>
          %add3A_717 = arith.addf %mul3A_709, %mul3A_716 : vector<16xf32>
          %get3A_718 = arith.index_cast %add3A_702 : i32 to index
          %get3A_719 = arith.constant 32 : index
          %get3A_720 = tpu.vector_load %arg9[%get3A_718, %get3A_719] {strides = array<i32>} : memref<512x64xf32, #tpu.memory_space<vmem>>, vector<16xf32>,
          %get3A_721 = arith.index_cast %add3A_702 : i32 to index
          %get3A_722 = arith.constant 32 : index
          %get3A_723 = tpu.vector_load %arg10[%get3A_721, %get3A_722] {strides = array<i32>} : memref<512x64xf32, #tpu.memory_space<vmem>>, vector<16xf32>,
          %mul3A_724 = arith.mulf %get3A_720, %get3A_723 : vector<16xf32>
          %get3A_725 = arith.index_cast %add3A_702 : i32 to index
          %get3A_726 = arith.constant 48 : index
          %get3A_727 = tpu.vector_load %arg9[%get3A_725, %get3A_726] {strides = array<i32>} : memref<512x64xf32, #tpu.memory_space<vmem>>, vector<16xf32>,
          %get3A_728 = arith.index_cast %add3A_702 : i32 to index
          %get3A_729 = arith.constant 48 : index
          %get3A_730 = tpu.vector_load %arg10[%get3A_728, %get3A_729] {strides = array<i32>} : memref<512x64xf32, #tpu.memory_space<vmem>>, vector<16xf32>,
          %mul3A_731 = arith.mulf %get3A_727, %get3A_730 : vector<16xf32>
          %add3A_732 = arith.addf %mul3A_724, %mul3A_731 : vector<16xf32>
          %add3A_733 = arith.addf %add3A_717, %add3A_732 : vector<16xf32>
          %eq3A_734 = arith.constant 13 : i32
          %eq3A_735 = vector.broadcast %eq3A_734 : i32 to vector<16xi32>
          %eq3A_736 = arith.cmpi eq, %iota3A, %eq3A_735 : vector<16xi32>
          %reduce_sum3A_737 = arith.constant true
          %reduce_sum3A_738 = vector.broadcast %reduce_sum3A_737 : i1 to vector<16xi1>
          %reduce_sum3A_739 = tpu.scan <sum>, %add3A_733 masked %reduce_sum3A_738 : vector<16xf32>, vector<16xi1> -> vector<16xf32>
          %reduce_sum3A_740 = vector.extract %reduce_sum3A_739[15] : f32 from vector<16xf32>
          %broadcast_in_dim3A_741 = vector.broadcast %reduce_sum3A_740 : f32 to vector<16xf32>
          %select_n3A_742 = arith.select %eq3A_736, %broadcast_in_dim3A_741, %select_n3A_696 : vector<16xi1>, vector<16xf32>
          %mul3A_743 = arith.constant 16 : i32
          %mul3A_744 = arith.muli %scan3A_100, %mul3A_743 : i32
          %add3A_745 = arith.constant 256 : i32
          %add3A_746 = arith.addi %add3A_745, %mul3A_744 : i32
          %add3A_747 = arith.constant 14 : i32
          %add3A_748 = arith.addi %add3A_746, %add3A_747 : i32
          %get3A_749 = arith.index_cast %add3A_748 : i32 to index
          %get3A_750 = arith.constant 0 : index
          %get3A_751 = tpu.vector_load %arg9[%get3A_749, %get3A_750] {strides = array<i32>} : memref<512x64xf32, #tpu.memory_space<vmem>>, vector<16xf32>,
          %get3A_752 = arith.index_cast %add3A_748 : i32 to index
          %get3A_753 = arith.constant 0 : index
          %get3A_754 = tpu.vector_load %arg10[%get3A_752, %get3A_753] {strides = array<i32>} : memref<512x64xf32, #tpu.memory_space<vmem>>, vector<16xf32>,
          %mul3A_755 = arith.mulf %get3A_751, %get3A_754 : vector<16xf32>
          %get3A_756 = arith.index_cast %add3A_748 : i32 to index
          %get3A_757 = arith.constant 16 : index
          %get3A_758 = tpu.vector_load %arg9[%get3A_756, %get3A_757] {strides = array<i32>} : memref<512x64xf32, #tpu.memory_space<vmem>>, vector<16xf32>,
          %get3A_759 = arith.index_cast %add3A_748 : i32 to index
          %get3A_760 = arith.constant 16 : index
          %get3A_761 = tpu.vector_load %arg10[%get3A_759, %get3A_760] {strides = array<i32>} : memref<512x64xf32, #tpu.memory_space<vmem>>, vector<16xf32>,
          %mul3A_762 = arith.mulf %get3A_758, %get3A_761 : vector<16xf32>
          %add3A_763 = arith.addf %mul3A_755, %mul3A_762 : vector<16xf32>
          %get3A_764 = arith.index_cast %add3A_748 : i32 to index
          %get3A_765 = arith.constant 32 : index
          %get3A_766 = tpu.vector_load %arg9[%get3A_764, %get3A_765] {strides = array<i32>} : memref<512x64xf32, #tpu.memory_space<vmem>>, vector<16xf32>,
          %get3A_767 = arith.index_cast %add3A_748 : i32 to index
          %get3A_768 = arith.constant 32 : index
          %get3A_769 = tpu.vector_load %arg10[%get3A_767, %get3A_768] {strides = array<i32>} : memref<512x64xf32, #tpu.memory_space<vmem>>, vector<16xf32>,
          %mul3A_770 = arith.mulf %get3A_766, %get3A_769 : vector<16xf32>
          %get3A_771 = arith.index_cast %add3A_748 : i32 to index
          %get3A_772 = arith.constant 48 : index
          %get3A_773 = tpu.vector_load %arg9[%get3A_771, %get3A_772] {strides = array<i32>} : memref<512x64xf32, #tpu.memory_space<vmem>>, vector<16xf32>,
          %get3A_774 = arith.index_cast %add3A_748 : i32 to index
          %get3A_775 = arith.constant 48 : index
          %get3A_776 = tpu.vector_load %arg10[%get3A_774, %get3A_775] {strides = array<i32>} : memref<512x64xf32, #tpu.memory_space<vmem>>, vector<16xf32>,
          %mul3A_777 = arith.mulf %get3A_773, %get3A_776 : vector<16xf32>
          %add3A_778 = arith.addf %mul3A_770, %mul3A_777 : vector<16xf32>
          %add3A_779 = arith.addf %add3A_763, %add3A_778 : vector<16xf32>
          %eq3A_780 = arith.constant 14 : i32
          %eq3A_781 = vector.broadcast %eq3A_780 : i32 to vector<16xi32>
          %eq3A_782 = arith.cmpi eq, %iota3A, %eq3A_781 : vector<16xi32>
          %reduce_sum3A_783 = arith.constant true
          %reduce_sum3A_784 = vector.broadcast %reduce_sum3A_783 : i1 to vector<16xi1>
          %reduce_sum3A_785 = tpu.scan <sum>, %add3A_779 masked %reduce_sum3A_784 : vector<16xf32>, vector<16xi1> -> vector<16xf32>
          %reduce_sum3A_786 = vector.extract %reduce_sum3A_785[15] : f32 from vector<16xf32>
          %broadcast_in_dim3A_787 = vector.broadcast %reduce_sum3A_786 : f32 to vector<16xf32>
          %select_n3A_788 = arith.select %eq3A_782, %broadcast_in_dim3A_787, %select_n3A_742 : vector<16xi1>, vector<16xf32>
          %mul3A_789 = arith.constant 16 : i32
          %mul3A_790 = arith.muli %scan3A_100, %mul3A_789 : i32
          %add3A_791 = arith.constant 256 : i32
          %add3A_792 = arith.addi %add3A_791, %mul3A_790 : i32
          %add3A_793 = arith.constant 15 : i32
          %add3A_794 = arith.addi %add3A_792, %add3A_793 : i32
          %get3A_795 = arith.index_cast %add3A_794 : i32 to index
          %get3A_796 = arith.constant 0 : index
          %get3A_797 = tpu.vector_load %arg9[%get3A_795, %get3A_796] {strides = array<i32>} : memref<512x64xf32, #tpu.memory_space<vmem>>, vector<16xf32>,
          %get3A_798 = arith.index_cast %add3A_794 : i32 to index
          %get3A_799 = arith.constant 0 : index
          %get3A_800 = tpu.vector_load %arg10[%get3A_798, %get3A_799] {strides = array<i32>} : memref<512x64xf32, #tpu.memory_space<vmem>>, vector<16xf32>,
          %mul3A_801 = arith.mulf %get3A_797, %get3A_800 : vector<16xf32>
          %get3A_802 = arith.index_cast %add3A_794 : i32 to index
          %get3A_803 = arith.constant 16 : index
          %get3A_804 = tpu.vector_load %arg9[%get3A_802, %get3A_803] {strides = array<i32>} : memref<512x64xf32, #tpu.memory_space<vmem>>, vector<16xf32>,
          %get3A_805 = arith.index_cast %add3A_794 : i32 to index
          %get3A_806 = arith.constant 16 : index
          %get3A_807 = tpu.vector_load %arg10[%get3A_805, %get3A_806] {strides = array<i32>} : memref<512x64xf32, #tpu.memory_space<vmem>>, vector<16xf32>,
          %mul3A_808 = arith.mulf %get3A_804, %get3A_807 : vector<16xf32>
          %add3A_809 = arith.addf %mul3A_801, %mul3A_808 : vector<16xf32>
          %get3A_810 = arith.index_cast %add3A_794 : i32 to index
          %get3A_811 = arith.constant 32 : index
          %get3A_812 = tpu.vector_load %arg9[%get3A_810, %get3A_811] {strides = array<i32>} : memref<512x64xf32, #tpu.memory_space<vmem>>, vector<16xf32>,
          %get3A_813 = arith.index_cast %add3A_794 : i32 to index
          %get3A_814 = arith.constant 32 : index
          %get3A_815 = tpu.vector_load %arg10[%get3A_813, %get3A_814] {strides = array<i32>} : memref<512x64xf32, #tpu.memory_space<vmem>>, vector<16xf32>,
          %mul3A_816 = arith.mulf %get3A_812, %get3A_815 : vector<16xf32>
          %get3A_817 = arith.index_cast %add3A_794 : i32 to index
          %get3A_818 = arith.constant 48 : index
          %get3A_819 = tpu.vector_load %arg9[%get3A_817, %get3A_818] {strides = array<i32>} : memref<512x64xf32, #tpu.memory_space<vmem>>, vector<16xf32>,
          %get3A_820 = arith.index_cast %add3A_794 : i32 to index
          %get3A_821 = arith.constant 48 : index
          %get3A_822 = tpu.vector_load %arg10[%get3A_820, %get3A_821] {strides = array<i32>} : memref<512x64xf32, #tpu.memory_space<vmem>>, vector<16xf32>,
          %mul3A_823 = arith.mulf %get3A_819, %get3A_822 : vector<16xf32>
          %add3A_824 = arith.addf %mul3A_816, %mul3A_823 : vector<16xf32>
          %add3A_825 = arith.addf %add3A_809, %add3A_824 : vector<16xf32>
          %eq3A_826 = arith.constant 15 : i32
          %eq3A_827 = vector.broadcast %eq3A_826 : i32 to vector<16xi32>
          %eq3A_828 = arith.cmpi eq, %iota3A, %eq3A_827 : vector<16xi32>
          %reduce_sum3A_829 = arith.constant true
          %reduce_sum3A_830 = vector.broadcast %reduce_sum3A_829 : i1 to vector<16xi1>
          %reduce_sum3A_831 = tpu.scan <sum>, %add3A_825 masked %reduce_sum3A_830 : vector<16xf32>, vector<16xi1> -> vector<16xf32>
          %reduce_sum3A_832 = vector.extract %reduce_sum3A_831[15] : f32 from vector<16xf32>
          %broadcast_in_dim3A_833 = vector.broadcast %reduce_sum3A_832 : f32 to vector<16xf32>
          %select_n3A_834 = arith.select %eq3A_828, %broadcast_in_dim3A_833, %select_n3A_788 : vector<16xi1>, vector<16xf32>
          %mul3A_835 = arith.constant 16 : i32
          %mul3A_836 = arith.muli %scan3A_100, %mul3A_835 : i32
          %swap3A = arith.index_cast %mul3A_836 : i32 to index
          %swap3A_837 = tpu.vector_load %arg11[%swap3A] {strides = array<i32>} : memref<256xf32, #tpu.memory_space<vmem>>, vector<16xf32>,
          tpu.vector_store %arg11[%swap3A], %select_n3A_834 {strides = array<i32>} : memref<256xf32, #tpu.memory_space<vmem>>, vector<16xf32>,
          %scan3A_838 = arith.constant 0 : i32
          scf.yield %scan3A_838 : i32
        }
        %scan3A_96 = arith.constant 16 : i32
        %mul3A_97 = arith.constant 256 : i32
        %mul3A_98 = arith.muli %add3A_89, %mul3A_97 : i32
        %add3A_99 = arith.addi %mul3A_2, %mul3A_98 : i32
        "tpu.region"() ({
          %run_scoped3A = tpu.sem_alloc : memref<!tpu.dma_semaphore, #tpu.memory_space<semaphore_mem>>
          %dma_start3A_100 = tpu.memref_slice %arg6[%add3A_99] : memref<98304xf32, #tpu.memory_space<hbm>> -> memref<256xf32, #tpu.memory_space<hbm>>
          %dma_start3A_101 = tpu.memref_slice %arg6[%add3A_99] : memref<98304xf32, #tpu.memory_space<hbm>> -> memref<256xf32, #tpu.memory_space<hbm>>
          tpu.enqueue_dma source(%arg11 : memref<256xf32, #tpu.memory_space<vmem>>) target(%dma_start3A_101 : memref<256xf32, #tpu.memory_space<hbm>>) target_semaphore(%run_scoped3A : memref<!tpu.dma_semaphore, #tpu.memory_space<semaphore_mem>>)
          %dma_wait3A_102 = tpu.memref_slice %arg6[%add3A_99] : memref<98304xf32, #tpu.memory_space<hbm>> -> memref<256xf32, #tpu.memory_space<hbm>>
          %dma_wait3A_103 = tpu.memref_slice %arg6[%add3A_99] : memref<98304xf32, #tpu.memory_space<hbm>> -> memref<256xf32, #tpu.memory_space<hbm>>
          tpu.wait_dma2 semaphore(%run_scoped3A : memref<!tpu.dma_semaphore, #tpu.memory_space<semaphore_mem>>) src(%arg11 : memref<256xf32, #tpu.memory_space<vmem>>) dst(%dma_wait3A_103 : memref<256xf32, #tpu.memory_space<hbm>>)
          tpu.yield
        }) : () -> ()
      } else {
      }
      %scan3A_71 = arith.constant 0 : i32
      scf.yield %scan3A_71 : i32
    }
    %scan3A_23 = arith.constant 6 : i32
    return
  }
}

module attributes {stable_mosaic.version = 14 : i64} {
  func.func @_tc_loss_body(%arg0: memref<768x128xf32, #tpu.memory_space<vmem>>, %arg1: memref<1x1xf32, #tpu.memory_space<smem>>) attributes {dimension_semantics = [], scalar_prefetch = 0 : i64, scratch_operands = 0 : i64, tpu.core_type = #tpu.core_type<tc>} {
    %get3A = arith.constant 0 : index
    %get3A_0 = arith.constant 0 : index
    %get3A_1 = vector.load %arg0[%get3A, %get3A_0] : memref<768x128xf32, #tpu.memory_space<vmem>>, vector<768x128xf32>
    %iota3A = tpu.iota {dimensions = array<i32: 0>} : vector<768x128xi32>
    %lt3A = arith.constant 128 : i32
    %lt3A_2 = vector.broadcast %lt3A : i32 to vector<768x128xi32>
    %lt3A_3 = arith.cmpi slt, %iota3A, %lt3A_2 : vector<768x128xi32>
    %jit3A = arith.constant 1.000000e+00 : f32
    %jit3A_4 = arith.constant -1.000000e+00 : f32
    %broadcast_in_dim3A = vector.broadcast %jit3A : f32 to vector<768x128xf32>
    %broadcast_in_dim3A_5 = vector.broadcast %jit3A_4 : f32 to vector<768x128xf32>
    %select_n3A = arith.select %lt3A_3, %broadcast_in_dim3A, %broadcast_in_dim3A_5 : vector<768x128xi1>, vector<768x128xf32>
    %mul3A = arith.mulf %get3A_1, %select_n3A : vector<768x128xf32>
    %min3A = arith.constant 0.000000e+00 : f32
    %min3A_6 = vector.broadcast %min3A : f32 to vector<768x128xf32>
    %min3A_7 = arith.minimumf %mul3A, %min3A_6 : vector<768x128xf32>
    %abs3A = math.absf %mul3A : vector<768x128xf32>
    %neg3A = arith.constant 0.000000e+00 : f32
    %neg3A_8 = vector.broadcast %neg3A : f32 to vector<768x128xf32>
    %neg3A_9 = arith.subf %neg3A_8, %abs3A : vector<768x128xf32>
    %exp3A = math.exp %neg3A_9 : vector<768x128xf32>
    %log1p3A = math.log1p %exp3A : vector<768x128xf32>
    %sub3A = arith.subf %min3A_7, %log1p3A : vector<768x128xf32>
    %reduce_sum3A = vector.shape_cast %sub3A : vector<768x128xf32> to vector<1x768x128xf32>
    %reduce_sum3A_10 = arith.constant dense<0.000000e+00> : vector<1xf32>
    %reduce_sum3A_11 = vector.multi_reduction <add>, %reduce_sum3A, %reduce_sum3A_10 [1, 2] : vector<1x768x128xf32> to vector<1xf32>
    %reduce_sum3A_12 = vector.shape_cast %reduce_sum3A_11 : vector<1xf32> to vector<1x1x1xf32>
    %reduce_sum3A_13 = vector.extract %reduce_sum3A_12[0, 0, 0] : f32 from vector<1x1x1xf32>
    %neg3A_14 = arith.constant 0.000000e+00 : f32
    %neg3A_15 = arith.subf %neg3A_14, %reduce_sum3A_13 : f32
    %swap3A = arith.constant 0 : index
    %swap3A_16 = arith.constant 0 : index
    %swap3A_17 = memref.load %arg1[%swap3A, %swap3A_16] : memref<1x1xf32, #tpu.memory_space<smem>>
    memref.store %neg3A_15, %arg1[%swap3A, %swap3A_16] : memref<1x1xf32, #tpu.memory_space<smem>>
    return
  }
}

</mosaic_0001>

<sc_bundles>
// kernel: kernel.4.cloned.1.call-start
scs
__scs_entry_jumppad:
0x0: {  	(pc) =	sbr.rel $0x88, $3  }
0x1: {  	(tag) =	ssettag $0x0;
	lr =	simm.s32 $0x1  }
0x2: {  	[smem:$0x3F9B] =	sst lr;
	_ =	strace $0xD0000000  }
0x3: {  	_ = 	snop  }
0x4: {  	_ = 	snop  }
0x5: {  	_ = 	snop  }
0x6: {  	_ = 	snop  }
0x7: {  	_ = 	snop  }
__scs_overlays_trampoline_lowered:
0x8: {  	[smem:$0x3FAA] =	sst s0  }
0x9: {  	[smem:$0x3FAB] =	sst s1  }
0xa: {  	[smem:$0x3FAC] =	sst s2  }
0xb: {  	[smem:$0x3FAD] =	sst s3  }
0xc: {  	[smem:$0x3FAE] =	sst s4  }
0xd: {  	[smem:$0x3FAF] =	sst s5  }
0xe: {  	[smem:$0x3FB0] =	sst s6  }
0xf: {  	[smem:$0x3FB1] =	sst s7  }
0x10: {  	[smem:$0x3FB2] =	sst s8  }
0x11: {  	[smem:$0x3FB3] =	sst s9;
	s0 =	simm.s32 @!p0 $0x0  }
0x12: {  	s1 =	sld [smem:$0x3F99];
	s0 =	simm.s32 @p0 $0x1  }
0x13: {  	[smem:$0x3FB4] =	sst s0;
	s0 =	simm.s32 @!p1 $0x0  }
0x14: {  	s2 =	sld [smem:$0x3F98];
	s0 =	simm.s32 @p1 $0x1  }
0x15: {  	[smem:$0x3FB5] =	sst s0;
	s0 =	simm.s32 @!p2 $0x0  }
0x16: {  	s3 =	sld [smem:$0x3FDB];
	s0 =	simm.s32 @p2 $0x1  }
0x17: {  	s4 =	simm.s32 $0x1BF5;
	[smem:$0x3FB7] =	sst s0  }
0x18: {  	s0 =	sld [smem:$0x3F9A];
	_ =	swait.ge [sflag:s4], $0x0  }
0x19: {  	s7 =	sld [smem:$0x3F9B]  }
0x1a: {  	s8 =	sadd.s32 $0xFFFFE003, lr  }
0x1b: {  	s9 =	sadd.s32 $0xFFFFFEF7, lr;
	s5 =	simm.s32 $0xFFFFFFFF;
	p2 =	slt.u32 s8, $0xFFFFF086  }
0x1c: {  	p1 =	slt.u32 s9, $0xF7A;
	s5 =	simm.s32 @!p2 $0x0  }
0x1d: {  	s5 =	simm.s32 @p1 $0x1;
	p0 =	seq.s32 s7, s2  }
0x1e: {  	s7 =	smul.u32 @!p0 $0xF7A, s2;
	p2 =	seq.s32 @!p0 s5, $0x0  }
0x1f: {  	s9 =	smul.u32 $0xF7A, s1;
	s8 =	simm.s32 @!p0 $0x1BF5;
	p2 =	por !p2, p0  }
0x20: {  	[sflag:s8] =	ssyncset.s32 @!p0 $0xFFFFF086;
	s6 =	sadd.s32 @!p0 s3, s7;
	s7 =	simm.s32 @!p0 $0x108  }
0x21: {  	s3 =	sadd.s32 s3, s9;
	s6 =	sadd.s32 @!p0 $0x88, s6;
	s7 =	simm.s32 @p2 $0x1082  }
0x22: {  	[simem:s7], [sflag:s8] =	dma.local @!p0 [hbm:s6], $0xF7A  }
0x23: {  	s9 =	sor.u32 $0xD0000000, s2;
	s6 =	simm.s32 $0x108;
	_ =	swait.ge @!p0 [sflag:s8], $0x0  }
0x24: {  	s3 =	sadd.s32 $0x88, s3;
	s6 =	simm.s32 @!p1 $0x1082;
	[sflag:s4] =	ssyncset.s32 $0xFFFFF086  }
0x25: {  	[simem:s6], [sflag:s4] =	dma.local [hbm:s3], $0xF7A  }
0x26: {  	[smem:$0x3F9B] =	sst s1;
	(tag) =	ssettag s2;
	_ =	strace s9  }
0x27: {  	s1 =	sld [smem:$0x3FAB]  }
0x28: {  	s2 =	sld [smem:$0x3FAC]  }
0x29: {  	s4 =	sld [smem:$0x3FAE]  }
0x2a: {  	p0 =	seq.s32 s5, $0x0;
	s5 =	sld [smem:$0x3FAF]  }
0x2b: {  	s6 =	sld [smem:$0x3FB0]  }
0x2c: {  	s7 =	sld [smem:$0x3FB1]  }
0x2d: {  	s3 =	simm.s32 $0x108;
	s8 =	sld [smem:$0x3FB2]  }
0x2e: {  	s3 =	simm.s32 @!p0 $0x1082;
	s9 =	sld [smem:$0x3FB3]  }
0x2f: {  	lr =	sadd.s32 s0, s3;
	s0 =	sld [smem:$0x3FAA]  }
0x30: {  	s3 =	sld [smem:$0x3FAD]  }
0x31: {  	[smem:$0x3FB6] =	sst s10  }
0x32: {  	s10 =	sld [smem:$0x3FB4];
	_ =	sdelay $0x3  }
0x33: {  	p0 =	seq.s32 s10, $0x1;
	s10 =	sld [smem:$0x3FB6];
	_ =	sdelay $0x3  }
0x34: {  	[smem:$0x3FB6] =	sst s10  }
0x35: {  	s10 =	sld [smem:$0x3FB5];
	_ =	sdelay $0x3  }
0x36: {  	p1 =	seq.s32 s10, $0x1;
	s10 =	sld [smem:$0x3FB6];
	_ =	sdelay $0x3  }
0x37: {  	[smem:$0x3FB6] =	sst s10  }
0x38: {  	s10 =	sld [smem:$0x3FB7]  }
0x39: {  	_ = 	snop;
	(pc) =	sbr.ind lr, $3  }
0x3a: {  	_ = 	snop  }
0x3b: {  	_ = 	snop  }
0x3c: {  	p2 =	seq.s32 s10, $0x1;
	s10 =	sld [smem:$0x3FB6]  }
0x3d: {  	_ =	shalt  }
0x3e: {  	_ =	shalt  }
0x3f: {  	_ =	shalt  }
0x40: {  	_ =	shalt  }
0x41: {  	_ =	shalt  }
0x42: {  	_ =	shalt  }
0x43: {  	_ =	shalt  }
0x44: {  	_ =	shalt  }
0x45: {  	_ =	shalt  }
0x46: {  	_ =	shalt  }
0x47: {  	_ =	shalt  }
0x48: {  	_ =	shalt  }
0x49: {  	_ =	shalt  }
0x4a: {  	_ =	shalt  }
0x4b: {  	_ =	shalt  }
0x4c: {  	_ =	shalt  }
0x4d: {  	_ =	shalt  }
0x4e: {  	_ =	shalt  }
0x4f: {  	_ =	shalt  }
0x50: {  	_ =	shalt  }
0x51: {  	_ =	shalt  }
0x52: {  	_ =	shalt  }
0x53: {  	_ =	shalt  }
0x54: {  	_ =	shalt  }
0x55: {  	_ =	shalt  }
0x56: {  	_ =	shalt  }
0x57: {  	_ =	shalt  }
0x58: {  	_ =	shalt  }
0x59: {  	_ =	shalt  }
0x5a: {  	_ =	shalt  }
0x5b: {  	_ =	shalt  }
0x5c: {  	_ =	shalt  }
0x5d: {  	_ =	shalt  }
0x5e: {  	_ =	shalt  }
0x5f: {  	_ =	shalt  }
0x60: {  	_ =	shalt  }
0x61: {  	_ =	shalt  }
0x62: {  	_ =	shalt  }
0x63: {  	_ =	shalt  }
0x64: {  	_ =	shalt  }
0x65: {  	_ =	shalt  }
0x66: {  	_ =	shalt  }
0x67: {  	_ =	shalt  }
0x68: {  	_ =	shalt  }
0x69: {  	_ =	shalt  }
0x6a: {  	_ =	shalt  }
0x6b: {  	_ =	shalt  }
0x6c: {  	_ =	shalt  }
0x6d: {  	_ =	shalt  }
0x6e: {  	_ =	shalt  }
0x6f: {  	_ =	shalt  }
0x70: {  	_ =	shalt  }
0x71: {  	_ =	shalt  }
0x72: {  	_ =	shalt  }
0x73: {  	_ =	shalt  }
0x74: {  	_ =	shalt  }
0x75: {  	_ =	shalt  }
0x76: {  	_ =	shalt  }
0x77: {  	_ =	shalt  }
0x78: {  	_ =	shalt  }
0x79: {  	_ =	shalt  }
0x7a: {  	_ =	shalt  }
0x7b: {  	_ =	shalt  }
0x7c: {  	_ =	shalt  }
0x7d: {  	_ =	shalt  }
0x7e: {  	_ =	shalt  }
0x7f: {  	_ =	shalt  }
0x80: {  	_ =	shalt  }
0x81: {  	_ =	shalt  }
0x82: {  	_ =	shalt  }
0x83: {  	_ =	shalt  }
0x84: {  	_ =	shalt  }
0x85: {  	_ =	shalt  }
0x86: {  	_ =	shalt  }
0x87: {  	_ =	shalt  }
.Lfunc_end0:
.L_simem_size_0:
called_computation_lowered:
.L_overlay_start_0:
0x88: {  	s2 =	sld [smem:$0x3FD9]  }
0x89: {  	s3 =	sld [smem:$0x3FFE];
	_ =	sdelay $0x1  }
0x8a: {  	s1 =	srdreg.scid  }
0x8b: {  	s0 =	sand.u32 $0x1, s1  }
0x8c: {  	s16 =	sshll.u32 s0, $0xA;
	s2 =	sadd.s32 s3, s2  }
0x8d: {  	s2 =	sadd.s32 s2, s16  }
0x8e: {  	[smem:$0x3FC2] =	sst s2  }
0x8f: {  	_ = 	snop  }
0x90: {  	(tm) =	ssettm $0x1  }
0x91: {  	s17 =	sld [smem:$0x3FFB];
	_ =	sdelay $0x3  }
0x92: {  	_ =	strace s17  }
0x93: {  	s2 =	sld [smem:$0x3FFC];
	_ =	sdelay $0x3  }
0x94: {  	_ =	strace s2  }
0x95: {  	s2 =	sld [smem:$0x3FFD];
	_ =	sdelay $0x3  }
0x96: {  	_ =	strace s2  }
0x97: {  	_ =	strace $0x8FFFFFFF  }
0x98: {  	s18 =	sld [smem:$0x3FDB];
	_ =	sdelay $0x1  }
0x99: {  	s19 =	simm.s32 $_scs_section_size  }
0x9a: {  	s4 =	simm.s32 $_size__tile_overlayer_lowered;
	s5 =	simm.s32 $_tile_overlayer_lowered  }
0x9b: {  	s22 =	simm.s32 $0x1BFF;
	s21 =	sshll.u32 s5, $0x1;
	s2 =	sadd.s32 s19, s18  }
0x9c: {  	s6 =	simm.s32 $0x0;
	s20 =	sshll.u32 s4, $0x1;
	s4 =	sadd.s32 s21, s2  }
0x9d: {  	[timem:s6], [sflag:s22] =	dma.local [hbm:s4], s20  }
0x9e: {  	_ =	swait.ge [sflag:s22], s20  }
0x9f: {  	s3 =	ssub.s32 $0x0, s20;
	[sflag:s22] =	ssyncset.done $0x0  }
0xa0: {  	[sflag:s22] =	ssyncadd.s32 s3;
	_ =	sdelay $0x1  }
0xa1: {  	s23 =	simm.s32 $0x1B8B  }
0xa2: {  	_ =	swait.ge [sflag:s23], $0x1  }
0xa3: {  	[sflag:s23] =	ssyncset.done $0x0  }
0xa4: {  	s25 =	simm.s32 $0x1B8E;
	s24 =	sld [smem:$0x3FFE];
	[sflag:s23] =	ssyncadd.s32 $0xFFFFFFFF  }
0xa5: {  	s26 =	simm.s32 $execute0_lowered;
	[smem:$0x3FD2] =	sst s25  }
0xa6: {  	s4 =	sshll.u32 s26, $0x1;
	_ =	strace $0x80000046;
	[dreg:$0x1] =	wrdreg $0xFFFFFFFF  }
0xa7: {  	s28 =	simm.s32 $_size_execute0_lowered;
	s2 =	sadd.s32 s2, s4;
	[dreg:$0x0] =	wrdreg $0x0  }
0xa8: {  	s4 =	sshll.u32 s28, $0x1;
	[dreg:$0x2] =	wrdreg s2  }
0xa9: {  	[dreg:$0x3] =	wrdreg s4  }
0xaa: {  	[dreg:$0x4] =	wrdreg $0xC0  }
0xab: {  	_ =	task [dreg:s6], $0x5FFFF  }
0xac: {  	[dreg:$0x1] =	wrdreg $0xFFFFFFFF  }
0xad: {  	[dreg:$0x0] =	wrdreg $0x60  }
0xae: {  	[dreg:$0x2] =	wrdreg s24  }
0xaf: {  	[dreg:$0x3] =	wrdreg $0x9  }
0xb0: {  	_ =	task.clear_ibuf [dreg:s6], $0x4FFFF;
	_ =	strace $0x90000046  }
0xb1: {  	s29 =	simm.s32 $0x9;
	_ =	strace $0x80000048  }
0xb2: {  	_ =	swait.ge [sflag:s29], $0x1  }
0xb3: {  	[sflag:s29] =	ssyncadd.s32 $0xFFFFFFFF  }
0xb4: {  	_ =	strace $0x90000048  }
0xb5: {  	_ =	sfence  }
0xb6: {  	s30 =	sld [smem:$0x0];
	_ =	sdelay $0x2  }
0xb7: {  	s31 =	sshll.u32 s1, $0xD;
	s1 =	sshrl.u32 s1, $0x2  }
0xb8: {  	s3 =	sand.u32 $0x4000, s31;
	s1 =	sadd.s32 s1, s30  }
0xb9: {  	s0 =	sor.u32 s3, s0;
	s1 =	sshll.u32 s1, $0x11  }
0xba: {  	s0 =	sor.u32 s1, s0  }
0xbb: {  	s0 =	sadd.s32 $0x8F2B, s0  }
0xbc: {  	[sflag:s0] =	ssyncadd.remote.s32 $0x1  }
0xbd: {  	_ =	sfence.sel $0xFFFF  }
0xbe: {  	[dreg:$0x0] =	wrdreg $0xFFFFFFFF;
	(pc) =	sbr.abs _section_cstart, $3  }
0xbf: {  	[dreg:$0x1] =	wrdreg $0xFFFFFFFF  }
0xc0: {  	_ =	task.clear_ibuf [dreg:s6], $0x2FFFF;
	_ =	strace $0x9FFFFFFF  }
0xc1: {  	(tm) =	ssettm $0x7FFFFFFF  }
tec
execute0_lowered:
.L_overlay_start_1:
0x0: {  	(tag) =	ssettag $0x1  }
0x1: {  	s1 =	srdreg.scid  }
0x2: {  	s0 =	stileid.u32;
	s6 =	rddreg [dreg:$0x0]  }
0x3: {  	s2 =	simm.s32 $0x0;
	s10 =	simm.s32 $0x5;
	s11 =	simm.s32 $0xC00  }
0x4: {  	s12 =	simm.s32 $0x100;
	s13 =	simm.s32 $0x1800;
	s14 =	simm.s32 $0x9800  }
0x5: {  	s15 =	simm.s32 $0x5800;
	s16 =	simm.s32 $0xD800;
	s17 =	simm.s32 $0x1  }
0x6: {  	s18 =	simm.s32 $0x3;
	s19 =	simm.s32 $0x11800;
	s20 =	simm.s32 $0x6  }
0x7: {  	s21 =	simm.s32 $0x2;
	s5 =	sand.u32 $0x1, s1;
	s31 =	sshll.u32 s0, $0x1  }
0x8: {  	s22 =	simm.s32 $0x4;
	s23 =	simm.s32 $0x0;
	s3 =	sor.u32 s5, s31  }
0x9: {  	vm0 =	vmmov $0x1;
	vm1 =	vmmov $0x3;
	vm2 =	vmmov $0x7;
	[smem:$0x7FF] =	sst s2;
	s7 =	ssub.s32 $0x2, s5;
	s3 =	smul.u32 $0xC00, s3  }
0xa: {  	vm3 =	vmmov $0xf;
	vm4 =	vmmov $0x1f;
	vm5 =	vmmov $0x3f;
	s1 =	rddreg [dreg:$0x1];
	_ =	strace $0x80000047;
	s9 =	sshrl.u32 s7, $0x1  }
0xb: {  	vm6 =	vmmov $0x7f;
	vm7 =	vmmov $0xff;
	vm8 =	vmmov $0x1ff;
	s5 =	sadd.s32 $0xF43200, s6;
	s9 =	ssub.s32 s7, s9;
	s4 =	sshrl.u32 s3, $0x3  }
0xc: {  	vm9 =	vmmov $0x3ff;
	vm10 =	vmmov $0x7ff;
	vm11 =	vmmov $0xfff;
	s9 =	smax.u32 s9, $0x1;
	s8 =	sadd.s32 s4, s6;
	s4 =	sadd.s32 $0x16E4400, s6  }
0xd: {  	vm12 =	vmmov $0x1fff;
	vm13 =	vmmov $0x3fff;
	vm14 =	vmmov $0x7fff;
	s6 =	sadd.s32 $0x6E00, s6;
	s7 =	sadd.s32 $0x3E00, s8;
	s8 =	sadd.s32 $0xE00, s8  }
.LBB2_1:
0xe: {  	[tilespmem:s2], [sflag:$0x5] =	stream.linear.gather [hbm4b:s7+s2], $0xC00, $0x38;
	[tilespmem:$0x11900] =	vst v63  }
0xf: {  	_ =	swait.ge [sflag:s10], $0xC00  }
0x10: {  	[sflag:s10] =	ssyncset.done $0x0  }
0x11: {  	[sflag:s10] =	ssyncadd.s32 $0xFFFFF400  }
0x12: {  	[tilespmem:s11], [sflag:$0x5] =	stream.linear.gather [hbm4b:s8+s2], $0xC00, $0x38;
	[tilespmem:$0x11900] =	vst v63  }
0x13: {  	_ =	swait.ge [sflag:s10], $0xC00  }
0x14: {  	[sflag:s10] =	ssyncset.done $0x0  }
0x15: {  	[sflag:s10] =	ssyncadd.s32 $0xFFFFF400  }
0x16: {  	[tilespmem:s13], [sflag:$0x1] =	stream.indirect.gather [hbm4b:s4+s12], $0x40, s2, s12, $0xb8;
	[tilespmem:$0x11900] =	vst v63  }
0x17: {  	s24 =	simm.s32 $0x0  }
0x18: {  	[tilespmem:s14], [sflag:$0x3] =	stream.indirect.gather [hbm4b:s5+s12], $0x40, s11, s12, $0xb8;
	[tilespmem:$0x11900] =	vst v63  }
.LBB2_2:
0x19: {  	s26 =	sshll.u32 s24, $0x9  }
0x1a: {  	s25 =	sor.u32 $0x100, s26  }
0x1b: {  	[tilespmem:s15], [sflag:$0x2] =	stream.indirect.gather [hbm4b:s4+s12], $0x40, s25, s12, $0xb8;
	[tilespmem:$0x11900] =	vst v63  }
0x1c: {  	s28 =	sadd.s32 $0xD00, s26  }
0x1d: {  	[tilespmem:s16], [sflag:$0x4] =	stream.indirect.gather [hbm4b:s5+s12], $0x40, s28, s12, $0xb8;
	[tilespmem:$0x11900] =	vst v63  }
0x1e: {  	_ =	swait.ge [sflag:s17], $0x4000  }
0x1f: {  	[sflag:s17] =	ssyncset.done $0x0  }
0x20: {  	[sflag:s17] =	ssyncadd.s32 $0xFFFFC000  }
0x21: {  	_ =	swait.ge [sflag:s18], $0x4000  }
0x22: {  	[sflag:s18] =	ssyncset.done $0x0  }
0x23: {  	s28 =	simm.s32 $0x0;
	[sflag:s18] =	ssyncadd.s32 $0xFFFFC000  }
0x24: {  	v0 =	vld [tilespmem:s28+$0x1BC0]  }
0x25: {  	v43 =	vld [tilespmem:s28+$0x9BC0]  }
0x26: {  	v44 =	vld [tilespmem:s28+$0x1BD0]  }
0x27: {  	v45 =	vld [tilespmem:s28+$0x9BD0]  }
0x28: {  	v1 =	vld [tilespmem:s28+$0x1B80]  }
0x29: {  	v4 =	vld [tilespmem:s28+$0x9B80]  }
0x2a: {  	v8 =	vld [tilespmem:s28+$0x1B90]  }
0x2b: {  	v23 =	vld [tilespmem:s28+$0x9B90]  }
0x2c: {  	v46 =	vld [tilespmem:s28+$0x1BA0]  }
0x2d: {  	v47 =	vld [tilespmem:s28+$0x9BA0]  }
0x2e: {  	v48 =	vld [tilespmem:s28+$0x1BB0]  }
0x2f: {  	v26 =	vld [tilespmem:s28+$0x9BB0]  }
0x30: {  	v49 =	vld [tilespmem:s28+$0x1B40]  }
0x31: {  	v50 =	vld [tilespmem:s28+$0x9B40]  }
0x32: {  	v51 =	vld [tilespmem:s28+$0x1B50]  }
0x33: {  	v52 =	vld [tilespmem:s28+$0x9B50]  }
0x34: {  	v53 =	vld [tilespmem:s28+$0x1B60]  }
0x35: {  	v31 =	vld [tilespmem:s28+$0x1B00]  }
0x36: {  	v28 =	vld [tilespmem:s28+$0x9B00]  }
0x37: {  	v29 =	vld [tilespmem:s28+$0x1B10]  }
0x38: {  	v30 =	vld [tilespmem:s28+$0x9B10]  }
0x39: {  	v35 =	vld [tilespmem:s28+$0x1B20]  }
0x3a: {  	v32 =	vld [tilespmem:s28+$0x9B20]  }
0x3b: {  	v33 =	vld [tilespmem:s28+$0x1B30]  }
0x3c: {  	v34 =	vld [tilespmem:s28+$0x9B30]  }
0x3d: {  	v54 =	vld [tilespmem:s28+$0x1AC0]  }
0x3e: {  	v36 =	vld [tilespmem:s28+$0x9AC0]  }
0x3f: {  	v37 =	vld [tilespmem:s28+$0x1AD0]  }
0x40: {  	v38 =	vld [tilespmem:s28+$0x9AD0]  }
0x41: {  	v39 =	vld [tilespmem:s28+$0x1AE0]  }
0x42: {  	v40 =	vld [tilespmem:s28+$0x9AE0]  }
0x43: {  	v41 =	vld [tilespmem:s28+$0x1AF0]  }
0x44: {  	v42 =	vld [tilespmem:s28+$0x9AF0]  }
0x45: {  	v55 =	vld [tilespmem:s28+$0x1A80]  }
0x46: {  	v56 =	vld [tilespmem:s28+$0x9A80]  }
0x47: {  	v57 =	vld [tilespmem:s28+$0x1A90]  }
0x48: {  	v58 =	vld [tilespmem:s28+$0x9A90]  }
0x49: {  	v59 =	vld [tilespmem:s28+$0x1AA0]  }
0x4a: {  	v60 =	vld [tilespmem:s28+$0x19C0]  }
0x4b: {  	v61 =	vld [tilespmem:s28+$0x99C0]  }
0x4c: {  	v62 =	vld [tilespmem:s28+$0x19D0]  }
0x4d: {  	v63 =	vld [tilespmem:s28+$0x99D0]  }
0x4e: {  	v5 =	vld [tilespmem:s28+$0x19E0]  }
0x4f: {  	v15 =	vld [tilespmem:s28+$0x99A0]  }
0x50: {  	v19 =	vld [tilespmem:s28+$0x19B0]  }
0x51: {  	v12 =	vld [tilespmem:s28+$0x99B0]  }
0x52: {  	v25 =	vld [tilespmem:s28+$0x1940]  }
0x53: {  	v21 =	vld [tilespmem:s28+$0x9940]  }
0x54: {  	v20 =	vld [tilespmem:s28+$0x1950]  }
0x55: {  	v16 =	vld [tilespmem:s28+$0x9950]  }
0x56: {  	v27 =	vld [tilespmem:s28+$0x1960]  }
0x57: {  	v22 =	vld [tilespmem:s28+$0x9960]  }
0x58: {  	v24 =	vld [tilespmem:s28+$0x1970]  }
0x59: {  	v17 =	vld [tilespmem:s28+$0x9970]  }
0x5a: {  	v6 =	vld [tilespmem:s28+$0x1900]  }
0x5b: {  	v7 =	vld [tilespmem:s28+$0x9900]  }
0x5c: {  	v9 =	vld [tilespmem:s28+$0x1910]  }
0x5d: {  	v10 =	vld [tilespmem:s28+$0x9910]  }
0x5e: {  	v11 =	vld [tilespmem:s28+$0x1920]  }
0x5f: {  	v3 =	vld [tilespmem:s28+$0x18D0]  }
0x60: {  	v2 =	vld [tilespmem:s28+$0x98D0]  }
0x61: {  	v18 =	vld [tilespmem:s28+$0x1880]  }
0x62: {  	v13 =	vld [tilespmem:s28+$0x9880]  }
0x63: {  	v14 =	vld [tilespmem:s28+$0x1890]  }
0x64: {  	[tilespmem:$0x1FE00] =	vst v43;
	v43 =	vld [tilespmem:s28+$0x1A40]  }
0x65: {  	[tilespmem:$0x1FE10] =	vst v44;
	v44 =	vld [tilespmem:s28+$0x9A40]  }
0x66: {  	[tilespmem:$0x1FE20] =	vst v45;
	v45 =	vld [tilespmem:s28+$0x1A50]  }
0x67: {  	[tilespmem:$0x1FC70] =	vst v46;
	v46 =	vld [tilespmem:s28+$0x9A50]  }
0x68: {  	[tilespmem:$0x1FC80] =	vst v47;
	v47 =	vld [tilespmem:s28+$0x1A60]  }
0x69: {  	[tilespmem:$0x1FC90] =	vst v48;
	v48 =	vld [tilespmem:s28+$0x9A60]  }
0x6a: {  	[tilespmem:$0x1FDA0] =	vst v49;
	v49 =	vld [tilespmem:s28+$0x1A70]  }
0x6b: {  	[tilespmem:$0x1FDB0] =	vst v50;
	v50 =	vld [tilespmem:s28+$0x9A70]  }
0x6c: {  	[tilespmem:$0x1FDC0] =	vst v51;
	v51 =	vld [tilespmem:s28+$0x1A00]  }
0x6d: {  	[tilespmem:$0x1FDD0] =	vst v52;
	v52 =	vld [tilespmem:s28+$0x9A00]  }
0x6e: {  	[tilespmem:$0x1FDE0] =	vst v53;
	v53 =	vld [tilespmem:s28+$0x1A10]  }
0x6f: {  	[tilespmem:$0x1FCA0] =	vst v54;
	v54 =	vld [tilespmem:s28+$0x9A10]  }
0x70: {  	[tilespmem:$0x1FD50] =	vst v55;
	v55 =	vld [tilespmem:s28+$0x1A20]  }
0x71: {  	[tilespmem:$0x1FD60] =	vst v56;
	v56 =	vld [tilespmem:s28+$0x9A20]  }
0x72: {  	[tilespmem:$0x1FD70] =	vst v57;
	v57 =	vld [tilespmem:s28+$0x1A30]  }
0x73: {  	[tilespmem:$0x1FD80] =	vst v58;
	v58 =	vld [tilespmem:s28+$0x9A30]  }
0x74: {  	[tilespmem:$0x1FD90] =	vst v59;
	v59 =	vld [tilespmem:s28+$0x1980]  }
0x75: {  	[tilespmem:$0x1FD00] =	vst v60;
	v60 =	vld [tilespmem:s28+$0x9980]  }
0x76: {  	[tilespmem:$0x1FD10] =	vst v61;
	v61 =	vld [tilespmem:s28+$0x1990]  }
0x77: {  	[tilespmem:$0x1FD20] =	vst v62;
	v62 =	vld [tilespmem:s28+$0x9990]  }
0x78: {  	[tilespmem:$0x1FD30] =	vst v63;
	v63 =	vld [tilespmem:s28+$0x19A0]  }
0x79: {  	[tilespmem:$0x1FCC0] =	vst v7;
	v7 =	vld [tilespmem:s28+$0x18C0]  }
0x7a: {  	[tilespmem:$0x1FD40] =	vst v5;
	v5 =	vld [tilespmem:s28+$0x98C0]  }
0x7b: {  	[tilespmem:$0x1FCF0] =	vst v11;
	v11 =	vld [tilespmem:s28+$0x18E0]  }
0x7c: {  	[tilespmem:$0x1FCE0] =	vst v10;
	v10 =	vld [tilespmem:s28+$0x98E0]  }
0x7d: {  	[tilespmem:$0x1FCD0] =	vst v9;
	v9 =	vld [tilespmem:s28+$0x18F0]  }
0x7e: {  	[tilespmem:$0x1FCB0] =	vst v6;
	v6 =	vld [tilespmem:s28+$0x98F0]  }
0x7f: {  	v1 =	vmul.f32 v4, v1;
	v4 =	vld [tilespmem:s28+$0x9890]  }
0x80: {  	v29 =	vmul.f32 v30, v29;
	v30 =	vld [tilespmem:s28+$0x98A0]  }
0x81: {  	v28 =	vmul.f32 v28, v31;
	v31 =	vmul.f32 v34, v33;
	v33 =	vld [tilespmem:s28+$0x9800]  }
0x82: {  	v38 =	vmul.f32 v38, v37;
	v37 =	vld [tilespmem:s28+$0x1810]  }
0x83: {  	v16 =	vmul.f32 v16, v20;
	v20 =	vld [tilespmem:s28+$0x1850]  }
0x84: {  	[tilespmem:$0x1FDF0] =	vst v0;
	v23 =	vmul.f32 v23, v8;
	v0 =	vld [tilespmem:$0x1FC70]  }
0x85: {  	v8 =	vld [tilespmem:$0x1FC80]  }
0x86: {  	v1 =	vadd.f32 v23, v1;
	v23 =	vld [tilespmem:s28+$0x18B0]  }
0x87: {  	v28 =	vadd.f32 v29, v28;
	v29 =	vld [tilespmem:s28+$0x98B0]  }
0x88: {  	v4 =	vmul.f32 v4, v14;
	v14 =	vld [tilespmem:s28+$0x1930]  }
0x89: {  	v46 =	vmul.f32 v46, v45;
	v45 =	vld [tilespmem:$0x1FD00]  }
0x8a: {  	v48 =	vmul.f32 v48, v47;
	v50 =	vmul.f32 v50, v49;
	v47 =	vld [tilespmem:s28+$0x9AB0]  }
0x8b: {  	v12 =	vmul.f32 v12, v19;
	v0 =	vmul.f32 v8, v0;
	v8 =	vld [tilespmem:$0x1FC90]  }
0x8c: {  	v56 =	vmul.f32 v56, v55;
	v15 =	vmul.f32 v15, v63;
	v34 =	vadd.f32 v50, v48;
	v48 =	vld [tilespmem:s28+$0x9830]  }
0x8d: {  	v60 =	vmul.f32 v60, v59;
	v62 =	vmul.f32 v62, v61;
	v50 =	vld [tilespmem:s28+$0x1840]  }
0x8e: {  	v58 =	vmul.f32 v58, v57;
	v12 =	vadd.f32 v12, v15;
	v15 =	vmul.f32 v22, v27;
	v22 =	vld [tilespmem:s28+$0x9850]  }
0x8f: {  	v17 =	vmul.f32 v17, v24;
	v19 =	vadd.f32 v62, v60;
	v60 =	vld [tilespmem:s28+$0x9920]  }
0x90: {  	v21 =	vmul.f32 v21, v25;
	v49 =	vadd.f32 v58, v56;
	v56 =	vmul.f32 v13, v18;
	v18 =	vld [tilespmem:s28+$0x99E0]  }
0x91: {  	v54 =	vmul.f32 v54, v53;
	v53 =	vadd.f32 v12, v19;
	v12 =	vadd.f32 v17, v15;
	v15 =	vld [tilespmem:s28+$0x9860]  }
0x92: {  	v4 =	vadd.f32 v4, v56;
	v56 =	vld [tilespmem:$0x1FD70]  }
0x93: {  	v16 =	vadd.f32 v16, v21;
	v19 =	vld [tilespmem:$0x1FDE0]  }
0x94: {  	v26 =	vmul.f32 v26, v8;
	v8 =	vld [tilespmem:s28+$0x18A0]  }
0x95: {  	v55 =	vadd.f32 v12, v16;
	v12 =	vld [tilespmem:s28+$0x9870]  }
0x96: {  	v44 =	vmul.f32 v44, v43;
	v16 =	vld [tilespmem:s28+$0x9930]  }
0x97: {  	v0 =	vadd.f32 v26, v0;
	v26 =	vmul.f32 v32, v35;
	v35 =	vld [tilespmem:$0x1FCA0]  }
0x98: {  	v32 =	vadd.f32 v46, v44;
	v44 =	vld [tilespmem:s28+$0x1AB0]  }
0x99: {  	v2 =	vmul.f32 v2, v3;
	v46 =	vld [tilespmem:$0x1FD10]  }
0x9a: {  	v5 =	vmul.f32 v5, v7;
	v26 =	vadd.f32 v31, v26;
	v31 =	vmul.f32 v40, v39;
	v40 =	vld [tilespmem:s28+$0x9820]  }
0x9b: {  	v10 =	vmul.f32 v10, v11;
	v6 =	vmul.f32 v6, v9;
	v32 =	vadd.f32 v34, v32;
	v34 =	vld [tilespmem:$0x1FCB0]  }
0x9c: {  	v42 =	vmul.f32 v42, v41;
	v2 =	vadd.f32 v2, v5;
	v39 =	vld [tilespmem:$0x1FCE0]  }
0x9d: {  	v57 =	vadd.f32 v6, v10;
	v0 =	vadd.f32 v0, v1;
	v43 =	vmul.f32 v16, v14;
	v16 =	vld [tilespmem:$0x1FD90]  }
0x9e: {  	v26 =	vadd.f32 v26, v28;
	v28 =	vadd.f32 v42, v31;
	v31 =	vld [tilespmem:s28+$0x9810]  }
0x9f: {  	v42 =	vld [tilespmem:s28+$0x1830]  }
0xa0: {  	v59 =	vmul.f32 v29, v23;
	(xrf2) =	vadd.scan.msk.f32 $0xffff, v0;
	v0 =	vadd.f32 v57, v2;
	v57 =	vld [tilespmem:$0x1FD80]  }
0xa1: {  	v58 =	vmul.f32 v30, v8;
	v1 =	vmul.f32 v36, v35;
	v35 =	vld [tilespmem:s28+$0x1800]  }
0xa2: {  	v36 =	vld [tilespmem:s28+$0x1820]  }
0xa3: {  	v6 =	vadd.f32 v59, v58;
	v58 =	vld [tilespmem:s28+$0x1BE0]  }
0xa4: {  	v59 =	vld [tilespmem:s28+$0x9BE0];
	v1 =	vadd.f32 v38, v1  }
0xa5: {  	v38 =	vld [tilespmem:$0x1FCD0]  }
0xa6: {  	v1 =	vadd.f32 v28, v1;
	v28 =	vmul.f32 v52, v51;
	v51 =	vld [tilespmem:s28+$0x9840]  }
0xa7: {  	v52 =	vld [tilespmem:s28+$0x1860]  }
0xa8: {  	v28 =	vadd.f32 v54, v28;
	v54 =	vld [tilespmem:s28+$0x1870]  }
0xa9: {  	v13 =	vmul.f32 v31, v37;
	v63 =	vmul.f32 v48, v42;
	v42 =	vld [tilespmem:$0x1FCF0]  }
0xaa: {  	v61 =	vmul.f32 v33, v35;
	v62 =	vmul.f32 v40, v36;
	v35 =	vld [tilespmem:$0x1FCC0]  }
0xab: {  	(xrf2) =	vadd.scan.msk.f32 $0xffff, v26;
	v36 =	vld [tilespmem:s28+$0x99F0]  }
0xac: {  	(xrf2) =	vadd.scan.msk.f32 $0xffff, v1;
	v11 =	vadd.f32 v13, v61;
	v1 =	vadd.f32 v63, v62;
	v13 =	vld [tilespmem:$0x1FD60]  }
0xad: {  	v3 =	vmul.f32 v15, v52;
	v5 =	vmul.f32 v12, v54;
	v12 =	vld [tilespmem:s28+$0x19F0]  }
0xae: {  	v28 =	vadd.f32 v49, v28;
	v41 =	vadd.f32 v1, v11;
	v1 =	vmul.f32 v60, v42;
	v54 =	vld [tilespmem:$0x1FD50]  }
0xaf: {  	v40 =	vld [tilespmem:s28+$0x9AA0];
	(xrf2) =	vadd.scan.msk.f32 $0xffff, v32;
	v2 =	vmul.f32 v35, v34;
	v3 =	vadd.f32 v5, v3;
	v5 =	vmul.f32 v39, v38  }
0xb0: {  	v49 =	vld [tilespmem:$0x1FD20];
	(xrf2) =	vadd.scan.msk.f32 $0xffff, v28  }
0xb1: {  	v33 =	vmul.f32 v51, v50;
	v51 =	vld [tilespmem:s28+$0x9B60];
	(xrf2) =	vadd.scan.msk.f32 $0xffff, v53;
	v1 =	vadd.f32 v43, v1;
	v48 =	vadd.f32 v5, v2  }
0xb2: {  	v4 =	vadd.f32 v6, v4;
	(xrf2) =	vadd.scan.msk.f32 $0xffff, v55;
	v6 =	vmul.f32 v36, v12;
	v12 =	vld [tilespmem:s28+$0x1B70]  }
0xb3: {  	(xrf2) =	vadd.scan.msk.f32 $0xffff, v0;
	v0 =	vadd.f32 v1, v48;
	v1 =	vmul.f32 v13, v54;
	v13 =	vld [tilespmem:s28+$0x9B70]  }
0xb4: {  	v17 =	vmul.f32 v22, v20;
	v50 =	vld [tilespmem:$0x1FD30]  }
0xb5: {  	v52 =	vld [tilespmem:$0x1FD40]  }
0xb6: {  	v61 =	vld [tilespmem:$0x1FDA0];
	v37 =	vadd.f32 v17, v33  }
0xb7: {  	v63 =	vld [tilespmem:$0x1FDC0];
	v8 =	vmul.f32 v40, v16  }
0xb8: {  	v16 =	vld [tilespmem:$0x1FDB0];
	(xrf2) =	vadd.scan.msk.f32 $0xffff, v4;
	v3 =	vadd.f32 v3, v37;
	v5 =	vmul.f32 v51, v19;
	v12 =	vmul.f32 v13, v12  }
0xb9: {  	v4 =	vmul.f32 v46, v45;
	(xrf2) =	vadd.scan.msk.f32 $0xffff, v41;
	v13 =	vld [tilespmem:$0x1FE00]  }
0xba: {  	v9, _, _ =	vpop (xrf2);
	v11 =	vmul.f32 v18, v52;
	v2 =	vmul.f32 v50, v49;
	(xrf2) =	vadd.scan.msk.f32 $0xffff, v3;
	v5 =	vadd.f32 v12, v5;
	v12 =	vld [tilespmem:$0x1FDF0]  }
0xbb: {  	v32 =	vld [tilespmem:$0x1FDD0];
	v53, _, _ =	vpop (xrf2)  }
0xbc: {  	v33 =	vld [tilespmem:s28+$0x9BF0];
	v14, _, _ =	vpop (xrf2);
	v2 =	vadd.f32 v2, v4;
	v55 =	vadd.f32 v6, v11  }
0xbd: {  	v7 =	vmul.f32 v47, v44;
	v19 =	vld [tilespmem:$0x1FE20];
	v15, _, _ =	vpop (xrf2);
	v6 =	vmul.f32 v57, v56;
	(xrf2) =	vadd.scan.msk.f32 $0xffff, v0  }
0xbe: {  	v4 =	vmul.f32 v16, v61;
	v16 =	vld [tilespmem:s28+$0x1BF0];
	v60, _, _ =	vpop (xrf2);
	v2 =	vadd.f32 v55, v2  }
0xbf: {  	v62 =	vadd.f32 v7, v8;
	v1 =	vadd.f32 v6, v1;
	v17, _, _ =	vpop (xrf2);
	v12 =	vmul.f32 v13, v12;
	v13 =	vld [tilespmem:$0x1FE10]  }
0xc0: {  	v7 =	vmul.f32 v32, v63;
	v18, _, _ =	vpop (xrf2);
	(xrf2) =	vadd.scan.msk.f32 $0xffff, v2  }
0xc1: {  	v1 =	vadd.f32 v62, v1;
	v34, _, _ =	vpop (xrf2)  }
0xc2: {  	v4 =	vadd.f32 v7, v4;
	v35, _, _ =	vpop (xrf2)  }
0xc3: {  	v38 =	vmul.f32 v59, v58;
	(xrf2) =	vadd.scan.msk.f32 $0xffff, v1;
	v36, _, _ =	vpop (xrf2)  }
0xc4: {  	v39 =	vmul.f32 v33, v16;
	v37 =	vadd.f32 v5, v4;
	v40, _, _ =	vpop (xrf2);
	v13 =	vmul.f32 v19, v13  }
0xc5: {  	v7 =	vbroadcast v36, $0xF;
	v8 =	vbroadcast v40, $0xF  }
0xc6: {  	v6 =	vbroadcast v35, $0xF;
	v4 =	vadd.f32 v39, v38;
	(xrf2) =	vadd.scan.msk.f32 $0xffff, v37;
	v41 =	vadd.f32 v13, v12  }
0xc7: {  	v2 =	vbroadcast v34, $0xF;
	v43, _, _ =	vpop (xrf2);
	v42 =	vsel vm0, v7, v8  }
0xc8: {  	v5 =	vbroadcast v43, $0xF;
	v1 =	vsel vm1, v42, v6;
	v4 =	vadd.f32 v4, v41  }
0xc9: {  	v44 =	vbroadcast v18, $0xF;
	v1 =	vsel vm2, v1, v2  }
0xca: {  	v45 =	vbroadcast v17, $0xF;
	v46, _, _ =	vpop (xrf2);
	v1 =	vsel vm3, v1, v5;
	(xrf2) =	vadd.scan.msk.f32 $0xffff, v4  }
0xcb: {  	v47 =	vbroadcast v46, $0xF;
	v1 =	vsel vm4, v1, v44  }
0xcc: {  	v0 =	vbroadcast v60, $0xF;
	v1 =	vsel vm5, v1, v45  }
0xcd: {  	v48 =	vbroadcast v15, $0xF;
	v49, _, _ =	vpop (xrf2);
	v1 =	vsel vm6, v1, v47  }
0xce: {  	v50 =	vbroadcast v49, $0xF;
	v0 =	vsel vm7, v1, v0  }
0xcf: {  	v51 =	vbroadcast v14, $0xF;
	v0 =	vsel vm8, v0, v48  }
0xd0: {  	v52 =	vbroadcast v53, $0xF;
	v53, _, _ =	vpop (xrf2);
	v0 =	vsel vm9, v0, v50  }
0xd1: {  	v54 =	vbroadcast v53, $0xF;
	v0 =	vsel vm10, v0, v51  }
0xd2: {  	v55 =	vbroadcast v9, $0xF;
	v0 =	vsel vm11, v0, v52  }
0xd3: {  	v0 =	vsel vm12, v0, v54  }
0xd4: {  	v0 =	vsel vm13, v0, v55;
	v56, _, _ =	vpop (xrf2)  }
0xd5: {  	s28 =	simm.s32 $0x11800;
	v0 =	vsel vm14, v0, v56  }
0xd6: {  	s29 =	simm.s32 $0x400;
	[tilespmem:s28+$0x0] =	vst v0  }
0xd7: {  	v19 =	vld [tilespmem:s29+$0x1BC0]  }
0xd8: {  	v0 =	vld [tilespmem:s29+$0x9BC0]  }
0xd9: {  	v57 =	vld [tilespmem:s29+$0x1BD0]  }
0xda: {  	v58 =	vld [tilespmem:s29+$0x9BD0]  }
0xdb: {  	v1 =	vld [tilespmem:s29+$0x1B80]  }
0xdc: {  	v2 =	vld [tilespmem:s29+$0x9B80]  }
0xdd: {  	v3 =	vld [tilespmem:s29+$0x1B90]  }
0xde: {  	v5 =	vld [tilespmem:s29+$0x9B90]  }
0xdf: {  	v4 =	vld [tilespmem:s29+$0x1BA0]  }
0xe0: {  	v6 =	vld [tilespmem:s29+$0x9BA0]  }
0xe1: {  	v7 =	vld [tilespmem:s29+$0x1BB0]  }
0xe2: {  	v8 =	vld [tilespmem:s29+$0x9BB0]  }
0xe3: {  	v59 =	vld [tilespmem:s29+$0x1B40]  }
0xe4: {  	v60 =	vld [tilespmem:s29+$0x9B40]  }
0xe5: {  	v61 =	vld [tilespmem:s29+$0x1B50]  }
0xe6: {  	v62 =	vld [tilespmem:s29+$0x9B50]  }
0xe7: {  	v63 =	vld [tilespmem:s29+$0x1B60]  }
0xe8: {  	v28 =	vld [tilespmem:s29+$0x9B10]  }
0xe9: {  	v9 =	vld [tilespmem:s29+$0x1B20]  }
0xea: {  	v29 =	vld [tilespmem:s29+$0x9B20]  }
0xeb: {  	v31 =	vld [tilespmem:s29+$0x1B30]  }
0xec: {  	v39 =	vld [tilespmem:s29+$0x9B30]  }
0xed: {  	v10 =	vld [tilespmem:s29+$0x1AC0]  }
0xee: {  	v32 =	vld [tilespmem:s29+$0x9AC0]  }
0xef: {  	v52 =	vld [tilespmem:s29+$0x1AD0]  }
0xf0: {  	v43 =	vld [tilespmem:s29+$0x9AD0]  }
0xf1: {  	v46 =	vld [tilespmem:s29+$0x1AF0]  }
0xf2: {  	v47 =	vld [tilespmem:s29+$0x9AF0]  }
0xf3: {  	v11 =	vld [tilespmem:s29+$0x1A80]  }
0xf4: {  	v33 =	vld [tilespmem:s29+$0x9A80]  }
0xf5: {  	v34 =	vld [tilespmem:s29+$0x1A90]  }
0xf6: {  	v35 =	vld [tilespmem:s29+$0x9A90]  }
0xf7: {  	v36 =	vld [tilespmem:s29+$0x1AA0]  }
0xf8: {  	v37 =	vld [tilespmem:s29+$0x1A40]  }
0xf9: {  	v38 =	vld [tilespmem:s29+$0x9A40]  }
0xfa: {  	v40 =	vld [tilespmem:s29+$0x1A50]  }
0xfb: {  	v51 =	vld [tilespmem:s29+$0x9A50]  }
0xfc: {  	v41 =	vld [tilespmem:s29+$0x1A60]  }
0xfd: {  	v42 =	vld [tilespmem:s29+$0x9A60]  }
0xfe: {  	v44 =	vld [tilespmem:s29+$0x1A70]  }
0xff: {  	v55 =	vld [tilespmem:s29+$0x9A70]  }
0x100: {  	v12 =	vld [tilespmem:s29+$0x9A00]  }
0x101: {  	v13 =	vld [tilespmem:s29+$0x1A10]  }
0x102: {  	v45 =	vld [tilespmem:s29+$0x9A10]  }
0x103: {  	v14 =	vld [tilespmem:s29+$0x9A20]  }
0x104: {  	v48 =	vld [tilespmem:s29+$0x1A30]  }
0x105: {  	v49 =	vld [tilespmem:s29+$0x9A30]  }
0x106: {  	v17 =	vld [tilespmem:s29+$0x19C0]  }
0x107: {  	v18 =	vld [tilespmem:s29+$0x99C0]  }
0x108: {  	v15 =	vld [tilespmem:s29+$0x19D0]  }
0x109: {  	v16 =	vld [tilespmem:s29+$0x99D0]  }
0x10a: {  	v50 =	vld [tilespmem:s29+$0x19E0]  }
0x10b: {  	v56 =	vld [tilespmem:s29+$0x1940]  }
0x10c: {  	v30 =	vld [tilespmem:s29+$0x9970]  }
0x10d: {  	v23 =	vld [tilespmem:s29+$0x1900]  }
0x10e: {  	v24 =	vld [tilespmem:s29+$0x9900]  }
0x10f: {  	v21 =	vld [tilespmem:s29+$0x1910]  }
0x110: {  	v22 =	vld [tilespmem:s29+$0x9910]  }
0x111: {  	v20 =	vld [tilespmem:s29+$0x1920]  }
0x112: {  	v53 =	vld [tilespmem:s29+$0x18C0]  }
0x113: {  	v54 =	vld [tilespmem:s29+$0x18E0]  }
0x114: {  	[tilespmem:$0x1FE70] =	vst v60;
	v60 =	vld [tilespmem:s29+$0x1B00]  }
0x115: {  	[tilespmem:$0x1FE60] =	vst v59;
	v59 =	vld [tilespmem:s29+$0x9B00]  }
0x116: {  	[tilespmem:$0x1FE50] =	vst v58;
	v58 =	vld [tilespmem:s29+$0x1B10]  }
0x117: {  	[tilespmem:$0x1FE80] =	vst v61;
	v61 =	vld [tilespmem:s29+$0x1AE0]  }
0x118: {  	[tilespmem:$0x1FE40] =	vst v57;
	v57 =	vld [tilespmem:s29+$0x9AE0]  }
0x119: {  	[tilespmem:$0x1FF20] =	vst v10;
	v10 =	vld [tilespmem:s29+$0x1A00]  }
0x11a: {  	[tilespmem:$0x1FEB0] =	vst v11;
	v11 =	vld [tilespmem:s29+$0x1A20]  }
0x11b: {  	[tilespmem:$0x1FF00] =	vst v50;
	v50 =	vld [tilespmem:s29+$0x1980]  }
0x11c: {  	[tilespmem:$0x1FF40] =	vst v38;
	v38 =	vld [tilespmem:s29+$0x9980]  }
0x11d: {  	[tilespmem:$0x1FF80] =	vst v44;
	v44 =	vld [tilespmem:s29+$0x1990]  }
0x11e: {  	[tilespmem:$0x1FEC0] =	vst v33;
	v33 =	vld [tilespmem:s29+$0x9990]  }
0x11f: {  	[tilespmem:$0x1FFA0] =	vst v48;
	v48 =	vld [tilespmem:s29+$0x19A0]  }
0x120: {  	[tilespmem:$0x1FF70] =	vst v42;
	v42 =	vld [tilespmem:s29+$0x99A0]  }
0x121: {  	[tilespmem:$0x1FF90] =	vst v45;
	v45 =	vld [tilespmem:s29+$0x19B0]  }
0x122: {  	[tilespmem:$0x1FED0] =	vst v34;
	v34 =	vld [tilespmem:s29+$0x99B0]  }
0x123: {  	[tilespmem:$0x1FEF0] =	vst v36;
	v36 =	vld [tilespmem:s29+$0x9940]  }
0x124: {  	[tilespmem:$0x1FF30] =	vst v37;
	v37 =	vld [tilespmem:s29+$0x1950]  }
0x125: {  	[tilespmem:$0x1FEE0] =	vst v35;
	v35 =	vld [tilespmem:s29+$0x9950]  }
0x126: {  	[tilespmem:$0x1FFB0] =	vst v49;
	v49 =	vld [tilespmem:s29+$0x1960]  }
0x127: {  	[tilespmem:$0x1FF50] =	vst v40;
	v40 =	vld [tilespmem:s29+$0x9960]  }
0x128: {  	[tilespmem:$0x1FF60] =	vst v41;
	v41 =	vld [tilespmem:s29+$0x1970]  }
0x129: {  	[tilespmem:$0x1FE90] =	vst v62;
	v62 =	vld [tilespmem:s29+$0x98C0]  }
0x12a: {  	[tilespmem:$0x1FEA0] =	vst v63;
	v63 =	vld [tilespmem:s29+$0x18D0]  }
0x12b: {  	[tilespmem:$0x1FFC0] =	vst v53;
	v53 =	vld [tilespmem:s29+$0x98D0]  }
0x12c: {  	[tilespmem:$0x1FF10] =	vst v9;
	v9 =	vld [tilespmem:s29+$0x98E0]  }
0x12d: {  	[tilespmem:$0x1FFD0] =	vst v54;
	v54 =	vld [tilespmem:s29+$0x18F0]  }
0x12e: {  	[tilespmem:$0x1FE30] =	vst v0;
	v0 =	vmul.f32 v5, v3;
	v3 =	vld [tilespmem:s29+$0x9880]  }
0x12f: {  	v27 =	vmul.f32 v6, v4;
	v4 =	vld [tilespmem:s29+$0x1890]  }
0x130: {  	v25 =	vmul.f32 v2, v1;
	v26 =	vmul.f32 v8, v7;
	v8 =	vld [tilespmem:$0x1FF10]  }
0x131: {  	v6 =	vld [tilespmem:$0x1FF30]  }
0x132: {  	v7 =	vld [tilespmem:$0x1FF40];
	v0 =	vadd.f32 v0, v25;
	v26 =	vadd.f32 v26, v27  }
0x133: {  	v5 =	vmul.f32 v47, v46;
	v47 =	vld [tilespmem:$0x1FF50]  }
0x134: {  	v0 =	vadd.f32 v26, v0;
	v26 =	vld [tilespmem:s29+$0x98B0]  }
0x135: {  	[tilespmem:$0x1FFF0] =	vst v54;
	v54 =	vld [tilespmem:s29+$0x98F0]  }
0x136: {  	[tilespmem:$0x1FFE0] =	vst v9;
	v9 =	vld [tilespmem:s29+$0x1880]  }
0x137: {  	v28 =	vmul.f32 v28, v58;
	v58 =	vld [tilespmem:s29+$0x9890]  }
0x138: {  	v59 =	vmul.f32 v59, v60;
	v60 =	vld [tilespmem:s29+$0x18A0]  }
0x139: {  	v61 =	vmul.f32 v57, v61;
	v57 =	vld [tilespmem:$0x1FF60]  }
0x13a: {  	v44 =	vmul.f32 v33, v44;
	v33 =	vld [tilespmem:s29+$0x9820]  }
0x13b: {  	v25 =	vmul.f32 v29, v8;
	v29 =	vmul.f32 v39, v31;
	v39 =	vld [tilespmem:$0x1FF20]  }
0x13c: {  	v2 =	vmul.f32 v36, v56;
	v36 =	vld [tilespmem:s29+$0x9830]  }
0x13d: {  	v56 =	vld [tilespmem:$0x1FFD0]  }
0x13e: {  	v30 =	vmul.f32 v30, v41;
	v41 =	vld [tilespmem:s29+$0x9860]  }
0x13f: {  	v31 =	vmul.f32 v43, v52;
	v43 =	vld [tilespmem:s29+$0x98A0];
	v28 =	vadd.f32 v28, v59;
	v25 =	vadd.f32 v29, v25  }
0x140: {  	v52 =	vld [tilespmem:s29+$0x18B0];
	v27 =	vmul.f32 v32, v39  }
0x141: {  	v38 =	vmul.f32 v38, v50;
	v8 =	vmul.f32 v7, v6;
	v59 =	vld [tilespmem:$0x1FF70];
	v25 =	vadd.f32 v25, v28  }
0x142: {  	v51 =	vmul.f32 v51, v47;
	v29 =	vadd.f32 v31, v27;
	v31 =	vadd.f32 v5, v61;
	v61 =	vld [tilespmem:$0x1FF80]  }
0x143: {  	(xrf2) =	vadd.scan.msk.f32 $0xffff, v0;
	v44 =	vadd.f32 v44, v38;
	v38 =	vld [tilespmem:s29+$0x1850]  }
0x144: {  	(xrf2) =	vadd.scan.msk.f32 $0xffff, v25;
	v25 =	vadd.f32 v51, v8;
	v8 =	vld [tilespmem:$0x1FF90]  }
0x145: {  	v28 =	vld [tilespmem:s29+$0x1800]  }
0x146: {  	v0 =	vmul.f32 v59, v57;
	v57 =	vld [tilespmem:$0x1FFB0]  }
0x147: {  	v5 =	vmul.f32 v55, v61;
	v55 =	vld [tilespmem:$0x1FFA0]  }
0x148: {  	v32 =	vld [tilespmem:s29+$0x1820];
	v6 =	vadd.f32 v31, v29  }
0x149: {  	v7 =	vmul.f32 v12, v10;
	v27 =	vld [tilespmem:s29+$0x9800];
	v10 =	vmul.f32 v8, v13;
	v0 =	vadd.f32 v5, v0  }
0x14a: {  	v29 =	vld [tilespmem:s29+$0x1810];
	(xrf2) =	vadd.scan.msk.f32 $0xffff, v6;
	v61 =	vmul.f32 v34, v45  }
0x14b: {  	v39 =	vadd.f32 v10, v7;
	v10 =	vld [tilespmem:$0x1FFC0];
	v0 =	vadd.f32 v0, v25;
	v25 =	vmul.f32 v42, v48  }
0x14c: {  	v11 =	vmul.f32 v14, v11;
	v59 =	vmul.f32 v57, v55;
	v57 =	vld [tilespmem:$0x1FFE0]  }
0x14d: {  	v6 =	vmul.f32 v40, v49;
	v25 =	vadd.f32 v61, v25;
	v61 =	vld [tilespmem:$0x1FFF0]  }
0x14e: {  	v31 =	vld [tilespmem:s29+$0x9810];
	v5 =	vmul.f32 v35, v37;
	v1 =	vadd.f32 v59, v11  }
0x14f: {  	v40 =	vld [tilespmem:s29+$0x1860];
	v30 =	vadd.f32 v30, v6;
	v25 =	vadd.f32 v25, v44  }
0x150: {  	v47 =	vmul.f32 v58, v4;
	v34 =	vld [tilespmem:s29+$0x1830];
	v8 =	vadd.f32 v5, v2;
	v7 =	vadd.f32 v1, v39  }
0x151: {  	v35 =	vld [tilespmem:s29+$0x1840];
	v55 =	vmul.f32 v53, v63;
	(xrf2) =	vadd.scan.msk.f32 $0xffff, v0;
	v11 =	vmul.f32 v62, v10  }
0x152: {  	v50, _, _ =	vpop (xrf2);
	v37 =	vld [tilespmem:s29+$0x9840];
	v63 =	vadd.f32 v30, v8;
	v59 =	vmul.f32 v57, v56;
	(xrf2) =	vadd.scan.msk.f32 $0xffff, v7;
	v62 =	vmul.f32 v54, v61  }
0x153: {  	v43 =	vmul.f32 v43, v60;
	v45 =	vmul.f32 v3, v9;
	v42 =	vld [tilespmem:s29+$0x1870];
	(xrf2) =	vadd.scan.msk.f32 $0xffff, v25;
	v25, _, _ =	vpop (xrf2)  }
0x154: {  	s30 =	simm.s32 $0x2000;
	v44 =	vmul.f32 v26, v52;
	v39 =	vld [tilespmem:s29+$0x9850];
	v30 =	vadd.f32 v55, v11;
	v46 =	vadd.f32 v62, v59;
	v26, _, _ =	vpop (xrf2);
	(xrf2) =	vadd.scan.msk.f32 $0xffff, v63  }
.LBB2_3:
0x155: {  	v48 =	vld [tilespmem:s29+$0x9870]  }
0x156: {  	v4 =	vld [tilespmem:s29+$0x1930]  }
0x157: {  	v7 =	vld [tilespmem:s29+$0x99E0]  }
0x158: {  	v10 =	vld [tilespmem:s29+$0x19F0]  }
0x159: {  	v23 =	vmul.f32 v24, v23;
	v24 =	vld [tilespmem:s29+$0x99F0]  }
0x15a: {  	v21 =	vmul.f32 v22, v21;
	v22 =	vld [tilespmem:s29+$0x9AA0]  }
0x15b: {  	v1 =	vld [tilespmem:$0x1FEC0]  }
0x15c: {  	v13 =	vld [tilespmem:s29+$0x9B70]  }
0x15d: {  	v49 =	vld [tilespmem:$0x1FE60]  }
0x15e: {  	v51 =	vld [tilespmem:$0x1FE70]  }
0x15f: {  	v53 =	vld [tilespmem:$0x1FE80]  }
0x160: {  	v54 =	vld [tilespmem:$0x1FE90]  }
0x161: {  	v55 =	vld [tilespmem:$0x1FEA0]  }
0x162: {  	v58 =	vld [tilespmem:$0x1FE30]  }
0x163: {  	v59 =	vld [tilespmem:$0x1FE40];
	v45 =	vadd.f32 v47, v45  }
0x164: {  	v47 =	vld [tilespmem:$0x1FEE0];
	v27 =	vmul.f32 v27, v28;
	v28 =	vmul.f32 v31, v29;
	v29 =	vadd.f32 v44, v43  }
0x165: {  	v46 =	vadd.f32 v46, v30;
	v31 =	vld [tilespmem:s29+$0x9920];
	v32 =	vmul.f32 v33, v32;
	v63 =	vmul.f32 v36, v34  }
0x166: {  	v5 =	vmul.f32 v37, v35;
	v6 =	vmul.f32 v39, v38;
	v0 =	vadd.f32 v29, v45;
	v29 =	vld [tilespmem:s29+$0x9930]  }
0x167: {  	v8 =	vmul.f32 v41, v40;
	v17 =	vmul.f32 v18, v17;
	v18 =	vld [tilespmem:s29+$0x9AB0];
	v30, _, _ =	vpop (xrf2);
	(xrf2) =	vadd.scan.msk.f32 $0xffff, v46  }
0x168: {  	v43 =	vld [tilespmem:$0x1FF00];
	v9 =	vmul.f32 v48, v42;
	v27 =	vadd.f32 v28, v27;
	v32 =	vadd.f32 v63, v32  }
0x169: {  	v44 =	vld [tilespmem:$0x1FEB0];
	v11 =	vadd.f32 v6, v5  }
0x16a: {  	v48 =	vld [tilespmem:$0x1FEF0];
	v36, _, _ =	vpop (xrf2);
	v41 =	vadd.f32 v9, v8;
	(xrf2) =	vadd.scan.msk.f32 $0xffff, v0;
	v27 =	vadd.f32 v32, v27  }
0x16b: {  	v46 =	vld [tilespmem:$0x1FED0];
	v20 =	vmul.f32 v31, v20;
	v29 =	vmul.f32 v29, v4  }
0x16c: {  	v28, _, _ =	vpop (xrf2);
	v31 =	vld [tilespmem:s29+$0x1AB0];
	(xrf2) =	vadd.scan.msk.f32 $0xffff, v27;
	v27 =	vadd.f32 v41, v11  }
0x16d: {  	v60 =	vld [tilespmem:$0x1FE50];
	v2 =	vadd.f32 v21, v23;
	v14 =	vmul.f32 v16, v15;
	v20 =	vadd.f32 v29, v20  }
0x16e: {  	v16 =	vld [tilespmem:s29+$0x9B60];
	v23 =	vmul.f32 v24, v10;
	v42, _, _ =	vpop (xrf2);
	v15 =	vmul.f32 v7, v43;
	(xrf2) =	vadd.scan.msk.f32 $0xffff, v27  }
0x16f: {  	v24 =	vld [tilespmem:s29+$0x1B70];
	v14 =	vadd.f32 v14, v17;
	v20 =	vadd.f32 v20, v2  }
0x170: {  	v6 =	vld [tilespmem:s29+$0x9BF0];
	v12 =	vmul.f32 v1, v44;
	v10 =	vmul.f32 v22, v48;
	v45 =	vadd.f32 v23, v15  }
0x171: {  	v8 =	vld [tilespmem:s29+$0x1BF0];
	v9 =	vmul.f32 v47, v46;
	v17 =	vmul.f32 v18, v31;
	v21, _, _ =	vpop (xrf2);
	(xrf2) =	vadd.scan.msk.f32 $0xffff, v20  }
0x172: {  	v7 =	vmul.f32 v51, v49;
	v11 =	vld [tilespmem:s29+$0x1BE0];
	v14 =	vadd.f32 v45, v14  }
0x173: {  	v5 =	vmul.f32 v16, v55;
	v9 =	vadd.f32 v9, v12;
	v18 =	vld [tilespmem:s29+$0x9BE0];
	v52 =	vadd.f32 v17, v10  }
0x174: {  	v4 =	vmul.f32 v54, v53;
	v12 =	vmul.f32 v13, v24;
	v15, _, _ =	vpop (xrf2);
	(xrf2) =	vadd.scan.msk.f32 $0xffff, v14  }
0x175: {  	v9 =	vadd.f32 v52, v9  }
0x176: {  	v4 =	vadd.f32 v4, v7;
	v57 =	vadd.f32 v12, v5  }
0x177: {  	v0 =	vmul.f32 v58, v19;
	v1 =	vmul.f32 v60, v59;
	v56, _, _ =	vpop (xrf2);
	(xrf2) =	vadd.scan.msk.f32 $0xffff, v9  }
0x178: {  	v8 =	vmul.f32 v6, v8;
	v61 =	vadd.f32 v57, v4;
	v3 =	vmul.f32 v18, v11;
	v62, _, _ =	vpop (xrf2)  }
0x179: {  	v63 =	vbroadcast v56, $0xF;
	v5 =	vbroadcast v62, $0xF  }
0x17a: {  	v0 =	vadd.f32 v1, v0;
	v9 =	vbroadcast v15, $0xF;
	v10 =	vadd.f32 v8, v3;
	(xrf2) =	vadd.scan.msk.f32 $0xffff, v61  }
0x17b: {  	v33 =	vbroadcast v21, $0xF;
	v11 =	vsel vm0, v63, v5;
	v34, _, _ =	vpop (xrf2)  }
0x17c: {  	v0 =	vadd.f32 v10, v0;
	v2 =	vsel vm1, v11, v9;
	v35 =	vbroadcast v34, $0xF  }
0x17d: {  	v38 =	vbroadcast v42, $0xF;
	v37 =	vsel vm2, v2, v33  }
0x17e: {  	v39 =	vbroadcast v28, $0xF;
	v40, _, _ =	vpop (xrf2);
	(xrf2) =	vadd.scan.msk.f32 $0xffff, v0;
	v1 =	vsel vm3, v37, v35  }
0x17f: {  	v42 =	vbroadcast v40, $0xF;
	v41 =	vsel vm4, v1, v38  }
0x180: {  	v43 =	vbroadcast v36, $0xF;
	v0 =	vsel vm5, v41, v39  }
0x181: {  	v44 =	vbroadcast v30, $0xF;
	v45, _, _ =	vpop (xrf2);
	v0 =	vsel vm6, v0, v42  }
0x182: {  	v46 =	vbroadcast v45, $0xF;
	v0 =	vsel vm7, v0, v43  }
0x183: {  	v47 =	vbroadcast v26, $0xF;
	v0 =	vsel vm8, v0, v44  }
0x184: {  	v48 =	vbroadcast v25, $0xF;
	v49, _, _ =	vpop (xrf2);
	v0 =	vsel vm9, v0, v46  }
0x185: {  	v3 =	vbroadcast v49, $0xF;
	v0 =	vsel vm10, v0, v47  }
0x186: {  	v51 =	vbroadcast v50, $0xF;
	v0 =	vsel vm11, v0, v48  }
0x187: {  	v0 =	vsel vm12, v0, v3  }
0x188: {  	v52, _, _ =	vpop (xrf2);
	v0 =	vsel vm13, v0, v51  }
0x189: {  	s28 =	sadd.s32 $0x10, s28;
	v0 =	vsel vm14, v0, v52  }
0x18a: {  	s29 =	sshra.s32 s30, $0x2;
	[tilespmem:s28+$0x0] =	vst v0  }
0x18b: {  	v0 =	vld [tilespmem:s29+$0x1BC0]  }
0x18c: {  	v53 =	vld [tilespmem:s29+$0x9BC0]  }
0x18d: {  	v54 =	vld [tilespmem:s29+$0x1BD0]  }
0x18e: {  	v55 =	vld [tilespmem:s29+$0x9BD0]  }
0x18f: {  	v22 =	vld [tilespmem:s29+$0x1B80]  }
0x190: {  	v25 =	vld [tilespmem:s29+$0x9B80]  }
0x191: {  	v26 =	vld [tilespmem:s29+$0x1B90]  }
0x192: {  	v28 =	vld [tilespmem:s29+$0x9B90]  }
0x193: {  	v56 =	vld [tilespmem:s29+$0x1BA0]  }
0x194: {  	v27 =	vld [tilespmem:s29+$0x9BA0]  }
0x195: {  	v30 =	vld [tilespmem:s29+$0x1BB0]  }
0x196: {  	v23 =	vld [tilespmem:s29+$0x9BB0]  }
0x197: {  	v57 =	vld [tilespmem:s29+$0x1B40]  }
0x198: {  	v58 =	vld [tilespmem:s29+$0x9B40]  }
0x199: {  	v59 =	vld [tilespmem:s29+$0x1B50]  }
0x19a: {  	v60 =	vld [tilespmem:s29+$0x9B50]  }
0x19b: {  	v61 =	vld [tilespmem:s29+$0x1B60]  }
0x19c: {  	v29 =	vld [tilespmem:s29+$0x1B00]  }
0x19d: {  	v24 =	vld [tilespmem:s29+$0x9B00]  }
0x19e: {  	v1 =	vld [tilespmem:s29+$0x1B10]  }
0x19f: {  	v38 =	vld [tilespmem:s29+$0x9B10]  }
0x1a0: {  	v62 =	vld [tilespmem:s29+$0x1B20]  }
0x1a1: {  	v31 =	vld [tilespmem:s29+$0x9B20]  }
0x1a2: {  	v42 =	vld [tilespmem:s29+$0x1B30]  }
0x1a3: {  	v45 =	vld [tilespmem:s29+$0x9B30]  }
0x1a4: {  	v63 =	vld [tilespmem:s29+$0x1AC0]  }
0x1a5: {  	v37 =	vld [tilespmem:s29+$0x9AC0]  }
0x1a6: {  	v36 =	vld [tilespmem:s29+$0x1AD0]  }
0x1a7: {  	v43 =	vld [tilespmem:s29+$0x9AD0]  }
0x1a8: {  	v34 =	vld [tilespmem:s29+$0x1AE0]  }
0x1a9: {  	v44 =	vld [tilespmem:s29+$0x9AE0]  }
0x1aa: {  	v32 =	vld [tilespmem:s29+$0x1AF0]  }
0x1ab: {  	v4 =	vld [tilespmem:s29+$0x1A80]  }
0x1ac: {  	v5 =	vld [tilespmem:s29+$0x9A80]  }
0x1ad: {  	v6 =	vld [tilespmem:s29+$0x1A90]  }
0x1ae: {  	v7 =	vld [tilespmem:s29+$0x9A90]  }
0x1af: {  	v8 =	vld [tilespmem:s29+$0x1AA0]  }
0x1b0: {  	v48 =	vld [tilespmem:s29+$0x1A40]  }
0x1b1: {  	v50 =	vld [tilespmem:s29+$0x9A40]  }
0x1b2: {  	v51 =	vld [tilespmem:s29+$0x1A50]  }
0x1b3: {  	v52 =	vld [tilespmem:s29+$0x1A60]  }
0x1b4: {  	v49 =	vld [tilespmem:s29+$0x1A00]  }
0x1b5: {  	v9 =	vld [tilespmem:s29+$0x19C0]  }
0x1b6: {  	v10 =	vld [tilespmem:s29+$0x99C0]  }
0x1b7: {  	v11 =	vld [tilespmem:s29+$0x19D0]  }
0x1b8: {  	v33 =	vld [tilespmem:s29+$0x99D0]  }
0x1b9: {  	v35 =	vld [tilespmem:s29+$0x19E0]  }
0x1ba: {  	v2 =	vld [tilespmem:s29+$0x1990]  }
0x1bb: {  	v3 =	vld [tilespmem:s29+$0x9990]  }
0x1bc: {  	v39 =	vld [tilespmem:s29+$0x1940]  }
0x1bd: {  	v12 =	vld [tilespmem:s29+$0x1960]  }
0x1be: {  	v13 =	vld [tilespmem:s29+$0x9960]  }
0x1bf: {  	v14 =	vld [tilespmem:s29+$0x1970]  }
0x1c0: {  	v15 =	vld [tilespmem:s29+$0x9970]  }
0x1c1: {  	v47 =	vld [tilespmem:s29+$0x1900]  }
0x1c2: {  	v46 =	vld [tilespmem:s29+$0x9900]  }
0x1c3: {  	v41 =	vld [tilespmem:s29+$0x1910]  }
0x1c4: {  	v40 =	vld [tilespmem:s29+$0x9910]  }
0x1c5: {  	v16 =	vld [tilespmem:s29+$0x18C0]  }
0x1c6: {  	v17 =	vld [tilespmem:s29+$0x98C0]  }
0x1c7: {  	v18 =	vld [tilespmem:s29+$0x18D0]  }
0x1c8: {  	v20 =	vld [tilespmem:s29+$0x98D0]  }
0x1c9: {  	v19 =	vld [tilespmem:s29+$0x18E0]  }
0x1ca: {  	v21 =	vld [tilespmem:s29+$0x98E0]  }
0x1cb: {  	[tilespmem:$0x1FC60] =	vst v0;
	v0 =	vld [tilespmem:s29+$0x9AF0]  }
0x1cc: {  	[tilespmem:$0x1FE40] =	vst v54;
	v54 =	vld [tilespmem:s29+$0x9A50]  }
0x1cd: {  	[tilespmem:$0x1FE50] =	vst v55;
	v55 =	vld [tilespmem:s29+$0x9A60]  }
0x1ce: {  	[tilespmem:$0x1FBF0] =	vst v56;
	v56 =	vld [tilespmem:s29+$0x1A70]  }
0x1cf: {  	[tilespmem:$0x1FE60] =	vst v57;
	v57 =	vld [tilespmem:s29+$0x9A70]  }
0x1d0: {  	[tilespmem:$0x1FE30] =	vst v53;
	v53 =	vld [tilespmem:s29+$0x9A00]  }
0x1d1: {  	[tilespmem:$0x1FE70] =	vst v58;
	v58 =	vld [tilespmem:s29+$0x1A10]  }
0x1d2: {  	[tilespmem:$0x1FE80] =	vst v59;
	v59 =	vld [tilespmem:s29+$0x9A10]  }
0x1d3: {  	[tilespmem:$0x1FE90] =	vst v60;
	v60 =	vld [tilespmem:s29+$0x1A20]  }
0x1d4: {  	[tilespmem:$0x1FEA0] =	vst v61;
	v61 =	vld [tilespmem:s29+$0x9A20]  }
0x1d5: {  	[tilespmem:$0x1FC00] =	vst v62;
	v62 =	vld [tilespmem:s29+$0x1A30]  }
0x1d6: {  	[tilespmem:$0x1FC10] =	vst v63;
	v63 =	vld [tilespmem:s29+$0x9A30]  }
0x1d7: {  	[tilespmem:$0x1FC40] =	vst v33;
	v33 =	vld [tilespmem:s29+$0x1980]  }
0x1d8: {  	[tilespmem:$0x1FF00] =	vst v35;
	v35 =	vld [tilespmem:s29+$0x9980]  }
0x1d9: {  	[tilespmem:$0x1FEB0] =	vst v4;
	v4 =	vld [tilespmem:s29+$0x19A0]  }
0x1da: {  	[tilespmem:$0x1FEC0] =	vst v5;
	v5 =	vld [tilespmem:s29+$0x99A0]  }
0x1db: {  	[tilespmem:$0x1FED0] =	vst v6;
	v6 =	vld [tilespmem:s29+$0x19B0]  }
0x1dc: {  	[tilespmem:$0x1FEE0] =	vst v7;
	v7 =	vld [tilespmem:s29+$0x99B0]  }
0x1dd: {  	[tilespmem:$0x1FEF0] =	vst v8;
	v8 =	vld [tilespmem:s29+$0x9940]  }
0x1de: {  	[tilespmem:$0x1FC50] =	vst v10;
	v10 =	vld [tilespmem:s29+$0x1950]  }
0x1df: {  	[tilespmem:$0x1FC20] =	vst v11;
	v11 =	vld [tilespmem:s29+$0x9950]  }
0x1e0: {  	[tilespmem:$0x1FC30] =	vst v9;
	v9 =	vld [tilespmem:s29+$0x1920]  }
0x1e1: {  	v25 =	vmul.f32 v25, v22;
	v26 =	vmul.f32 v28, v26;
	v22 =	vld [tilespmem:s29+$0x18F0]  }
0x1e2: {  	v28 =	vld [tilespmem:$0x1FBF0]  }
0x1e3: {  	v25 =	vadd.f32 v26, v25;
	v26 =	vmul.f32 v24, v29;
	v24 =	vld [tilespmem:s29+$0x9880]  }
0x1e4: {  	v29 =	vmul.f32 v38, v1;
	v38 =	vld [tilespmem:$0x1FC00]  }
0x1e5: {  	v1 =	vld [tilespmem:s29+$0x9890]  }
0x1e6: {  	v26 =	vadd.f32 v29, v26;
	v29 =	vmul.f32 v43, v36;
	v43 =	vld [tilespmem:s29+$0x18A0]  }
0x1e7: {  	v36 =	vld [tilespmem:s29+$0x9830];
	v32 =	vmul.f32 v0, v32  }
0x1e8: {  	v0 =	vld [tilespmem:s29+$0x18B0];
	v27 =	vmul.f32 v27, v28;
	v28 =	vmul.f32 v23, v30  }
0x1e9: {  	v35 =	vmul.f32 v35, v33;
	v33 =	vld [tilespmem:s29+$0x9820]  }
0x1ea: {  	v30 =	vld [tilespmem:s29+$0x98F0];
	v27 =	vadd.f32 v28, v27  }
0x1eb: {  	v2 =	vmul.f32 v3, v2;
	v23 =	vld [tilespmem:s29+$0x1880]  }
0x1ec: {  	v25 =	vadd.f32 v27, v25;
	v27 =	vld [tilespmem:$0x1FC10]  }
0x1ed: {  	v2 =	vadd.f32 v2, v35;
	v35 =	vld [tilespmem:s29+$0x1840]  }
0x1ee: {  	v28 =	vmul.f32 v31, v38;
	v31 =	vmul.f32 v45, v42;
	v42 =	vld [tilespmem:s29+$0x1890]  }
0x1ef: {  	v45 =	vmul.f32 v53, v49;
	v38 =	vld [tilespmem:s29+$0x1850]  }
0x1f0: {  	v49 =	vmul.f32 v59, v58;
	v59 =	vmul.f32 v17, v16;
	v17 =	vld [tilespmem:$0x1FC30]  }
0x1f1: {  	v16 =	vld [tilespmem:$0x1FC40];
	v28 =	vadd.f32 v31, v28;
	v31 =	vmul.f32 v44, v34;
	v27 =	vmul.f32 v37, v27  }
0x1f2: {  	v55 =	vmul.f32 v55, v52;
	v44 =	vld [tilespmem:s29+$0x98A0]  }
0x1f3: {  	v57 =	vmul.f32 v57, v56;
	v34 =	vld [tilespmem:s29+$0x1830];
	(xrf2) =	vadd.scan.msk.f32 $0xffff, v25;
	v31 =	vadd.f32 v32, v31;
	v25 =	vadd.f32 v29, v27  }
0x1f4: {  	v26 =	vadd.f32 v28, v26;
	v28 =	vmul.f32 v50, v48;
	v48 =	vld [tilespmem:s29+$0x98B0]  }
0x1f5: {  	v32 =	vadd.f32 v57, v55;
	v57 =	vmul.f32 v15, v14;
	v15 =	vld [tilespmem:$0x1FC20];
	v25 =	vadd.f32 v31, v25  }
0x1f6: {  	v50 =	vmul.f32 v61, v60;
	v60 =	vmul.f32 v20, v18;
	v18 =	vld [tilespmem:$0x1FC50];
	(xrf2) =	vadd.scan.msk.f32 $0xffff, v26  }
0x1f7: {  	v4 =	vmul.f32 v5, v4;
	v61 =	vmul.f32 v21, v19;
	v19 =	vld [tilespmem:$0x1FC60];
	(xrf2) =	vadd.scan.msk.f32 $0xffff, v25  }
0x1f8: {  	v53 =	vmul.f32 v7, v6;
	v21 =	vmov v41;
	v41 =	vld [tilespmem:s29+$0x9860];
	v29 =	vmul.f32 v54, v51  }
0x1f9: {  	v56 =	vmul.f32 v13, v12;
	v37 =	vld [tilespmem:s29+$0x9840];
	v51 =	vmul.f32 v63, v62  }
0x1fa: {  	v4 =	vadd.f32 v53, v4;
	v55 =	vmul.f32 v11, v10;
	v27 =	vld [tilespmem:s29+$0x9800];
	v26 =	vadd.f32 v29, v28  }
0x1fb: {  	v54 =	vmul.f32 v8, v39;
	v39 =	vld [tilespmem:s29+$0x9850];
	v52 =	vadd.f32 v51, v50;
	v25 =	vadd.f32 v49, v45  }
0x1fc: {  	p0 =	sne.s32 s30, $0xF000;
	v5 =	vadd.f32 v57, v56;
	v62 =	vmul.f32 v30, v22;
	v22 =	vmovc v40;
	v40 =	vld [tilespmem:s29+$0x1860];
	v26 =	vadd.f32 v32, v26  }
.Ltmp0:
0x1fd: {  	v28 =	vld [tilespmem:s29+$0x1800];
	v58 =	vadd.f32 v55, v54;
	v3 =	vadd.f32 v52, v25;
	(pc) =	sbr.rel @p0 .LBB2_3-.Ltmp0, $4  }
0x1fe: {  	v2 =	vadd.f32 v4, v2;
	v20 =	vmov v9;
	v29 =	vld [tilespmem:s29+$0x1810];
	(xrf2) =	vadd.scan.msk.f32 $0xffff, v26  }
0x1ff: {  	v43 =	vmul.f32 v44, v43;
	v30 =	vadd.f32 v60, v59;
	v31 =	vld [tilespmem:s29+$0x9810];
	v63 =	vadd.f32 v5, v58;
	v50, _, _ =	vpop (xrf2);
	(xrf2) =	vadd.scan.msk.f32 $0xffff, v3  }
0x200: {  	v44 =	vmul.f32 v48, v0;
	v32 =	vld [tilespmem:s29+$0x1820];
	v45 =	vmul.f32 v24, v23;
	v24 =	vmov v46;
	v25, _, _ =	vpop (xrf2);
	(xrf2) =	vadd.scan.msk.f32 $0xffff, v2  }
0x201: {  	s30 =	sadd.s32 $0x1000, s30;
	v23 =	vmov v47;
	v47 =	vmul.f32 v1, v42;
	v46 =	vadd.f32 v62, v61;
	v42 =	vld [tilespmem:s29+$0x1870];
	v26, _, _ =	vpop (xrf2);
	(xrf2) =	vadd.scan.msk.f32 $0xffff, v63  }
0x202: {  	v0 =	vld [tilespmem:s29+$0x9870]  }
0x203: {  	v1 =	vld [tilespmem:s29+$0x9920]  }
0x204: {  	v5 =	vld [tilespmem:s29+$0x1930]  }
0x205: {  	v9 =	vld [tilespmem:s29+$0x9930]  }
0x206: {  	v13 =	vld [tilespmem:s29+$0x99E0]  }
0x207: {  	v14 =	vld [tilespmem:s29+$0x19F0]  }
0x208: {  	v60 =	vld [tilespmem:s29+$0x99F0]  }
0x209: {  	v62 =	vld [tilespmem:s29+$0x1AB0]  }
0x20a: {  	v11 =	vmul.f32 v37, v35;
	v35 =	vld [tilespmem:s29+$0x9B60]  }
0x20b: {  	v8 =	vmul.f32 v36, v34;
	v36 =	vld [tilespmem:$0x1FF00]  }
0x20c: {  	v12 =	vmul.f32 v39, v38;
	v38 =	vld [tilespmem:s29+$0x1B70]  }
0x20d: {  	v58 =	vmul.f32 v41, v40;
	v40 =	vld [tilespmem:$0x1FEB0]  }
0x20e: {  	v41 =	vld [tilespmem:$0x1FEC0]  }
0x20f: {  	v10 =	vadd.f32 v44, v43;
	v44 =	vld [tilespmem:$0x1FED0]  }
0x210: {  	v48 =	vld [tilespmem:s29+$0x9BE0]  }
0x211: {  	v51 =	vld [tilespmem:$0x1FE60]  }
0x212: {  	v11 =	vadd.f32 v12, v11;
	v12 =	vld [tilespmem:s29+$0x9AA0];
	v7 =	vmul.f32 v33, v32  }
0x213: {  	v3 =	vmul.f32 v27, v28;
	v32 =	vld [tilespmem:s29+$0x9AB0]  }
0x214: {  	v4 =	vmul.f32 v31, v29;
	v7 =	vadd.f32 v8, v7;
	v8 =	vmul.f32 v13, v36;
	v13 =	vld [tilespmem:$0x1FEF0]  }
0x215: {  	v59 =	vmul.f32 v24, v23;
	v52 =	vld [tilespmem:$0x1FE80];
	v2 =	vadd.f32 v47, v45;
	v0 =	vmul.f32 v0, v42  }
0x216: {  	v34 =	vmul.f32 v16, v15;
	v16 =	vld [tilespmem:$0x1FEA0];
	v6 =	vadd.f32 v46, v30;
	v3 =	vadd.f32 v4, v3  }
0x217: {  	v61 =	vmul.f32 v22, v21;
	v56 =	vld [tilespmem:$0x1FE30];
	v2 =	vadd.f32 v10, v2;
	v0 =	vadd.f32 v0, v58  }
0x218: {  	v45 =	vld [tilespmem:$0x1FEE0];
	(xrf2) =	vadd.scan.msk.f32 $0xffff, v6;
	v1 =	vmul.f32 v1, v20;
	v5 =	vmul.f32 v9, v5;
	v3 =	vadd.f32 v7, v3  }
0x219: {  	v57 =	vld [tilespmem:$0x1FE40];
	(xrf2) =	vadd.scan.msk.f32 $0xffff, v2;
	v6 =	vmul.f32 v32, v62;
	v0 =	vadd.f32 v0, v11;
	v12 =	vmul.f32 v12, v13  }
0x21a: {  	v33 =	vadd.f32 v61, v59;
	v1 =	vadd.f32 v5, v1;
	(xrf2) =	vadd.scan.msk.f32 $0xffff, v3;
	v13 =	vld [tilespmem:$0x1FE70]  }
0x21b: {  	v63 =	vmul.f32 v18, v17;
	v37 =	vmul.f32 v60, v14;
	(xrf2) =	vadd.scan.msk.f32 $0xffff, v0;
	v6 =	vadd.f32 v6, v12;
	v12 =	vld [tilespmem:$0x1FE90]  }
0x21c: {  	v42 =	vld [tilespmem:s29+$0x9B70];
	v39 =	vadd.f32 v1, v33  }
0x21d: {  	v46 =	vld [tilespmem:s29+$0x1BE0];
	v2 =	vadd.f32 v34, v63;
	v43 =	vadd.f32 v37, v8;
	v8 =	vmul.f32 v45, v44  }
0x21e: {  	v47, _, _ =	vpop (xrf2);
	v5 =	vmul.f32 v35, v16;
	v16 =	vld [tilespmem:$0x1FE50];
	v1 =	vmul.f32 v41, v40;
	(xrf2) =	vadd.scan.msk.f32 $0xffff, v39  }
0x21f: {  	v49, _, _ =	vpop (xrf2);
	v2 =	vadd.f32 v43, v2;
	v4 =	vmul.f32 v13, v51;
	v13 =	vld [tilespmem:s29+$0x1BF0]  }
0x220: {  	v14, _, _ =	vpop (xrf2);
	v1 =	vadd.f32 v8, v1;
	v8 =	vmul.f32 v12, v52;
	v12 =	vld [tilespmem:s29+$0x9BF0]  }
0x221: {  	v15, _, _ =	vpop (xrf2);
	v3 =	vmul.f32 v42, v38;
	(xrf2) =	vadd.scan.msk.f32 $0xffff, v2  }
0x222: {  	v53, _, _ =	vpop (xrf2);
	v1 =	vadd.f32 v6, v1  }
0x223: {  	v3 =	vadd.f32 v3, v5;
	v54, _, _ =	vpop (xrf2);
	v4 =	vadd.f32 v8, v4  }
0x224: {  	v59 =	vmul.f32 v48, v46;
	v10 =	vmul.f32 v16, v57;
	(xrf2) =	vadd.scan.msk.f32 $0xffff, v1;
	v55, _, _ =	vpop (xrf2)  }
0x225: {  	v8 =	vmul.f32 v56, v19;
	v58 =	vadd.f32 v3, v4;
	v61, _, _ =	vpop (xrf2);
	v60 =	vmul.f32 v12, v13  }
0x226: {  	v5 =	vbroadcast v55, $0xF;
	v7 =	vbroadcast v61, $0xF  }
0x227: {  	v6 =	vbroadcast v54, $0xF;
	v8 =	vadd.f32 v10, v8;
	(xrf2) =	vadd.scan.msk.f32 $0xffff, v58;
	v3 =	vadd.f32 v60, v59  }
0x228: {  	v2 =	vbroadcast v53, $0xF;
	v63, _, _ =	vpop (xrf2);
	v62 =	vsel vm0, v5, v7  }
0x229: {  	v4 =	vbroadcast v63, $0xF;
	v1 =	vsel vm1, v62, v6;
	v3 =	vadd.f32 v3, v8  }
0x22a: {  	v1 =	vsel vm2, v1, v2;
	v8 =	vbroadcast v15, $0xF  }
0x22b: {  	v9 =	vbroadcast v14, $0xF;
	v10, _, _ =	vpop (xrf2);
	v1 =	vsel vm3, v1, v4;
	(xrf2) =	vadd.scan.msk.f32 $0xffff, v3  }
0x22c: {  	v32 =	vbroadcast v10, $0xF;
	v1 =	vsel vm4, v1, v8  }
0x22d: {  	v0 =	vbroadcast v49, $0xF;
	v1 =	vsel vm5, v1, v9  }
0x22e: {  	v33 =	vbroadcast v47, $0xF;
	v34, _, _ =	vpop (xrf2);
	v1 =	vsel vm6, v1, v32  }
0x22f: {  	v35 =	vbroadcast v34, $0xF;
	v0 =	vsel vm7, v1, v0  }
0x230: {  	v36 =	vbroadcast v26, $0xF;
	v0 =	vsel vm8, v0, v33  }
0x231: {  	v37 =	vbroadcast v25, $0xF;
	v0 =	vsel vm9, v0, v35;
	v38, _, _ =	vpop (xrf2)  }
0x232: {  	v0 =	vsel vm10, v0, v36;
	v39 =	vbroadcast v38, $0xF  }
0x233: {  	v40 =	vbroadcast v50, $0xF;
	v0 =	vsel vm11, v0, v37  }
0x234: {  	v0 =	vsel vm12, v0, v39  }
0x235: {  	s29 =	sadd.s32 s3, s26;
	v0 =	vsel vm13, v0, v40;
	v41, _, _ =	vpop (xrf2)  }
0x236: {  	s28 =	sadd.s32 $0x10, s28;
	s29 =	sshrl.u32 s29, $0x3;
	v0 =	vsel vm14, v0, v41  }
0x237: {  	[tilespmem:s28+$0x0] =	vst v0;
	s28 =	sadd.s32 s6, s29  }
0x238: {  	[hbm4b:s28+s2] =	stream.linear.scatter [tilespmem:s19], [sflag:$0x6], $0x100, $0x38;
	[tilespmem:$0x11900] =	vst v63  }
0x239: {  	p0 =	seq.s32 s24, $0x5;
	_ =	swait.ge [sflag:s20], $0x100  }
0x23a: {  	s30 =	simm.s32 @!p0 $0x1800;
	[sflag:s20] =	ssyncset.done $0x0  }
0x23b: {  	s29 =	simm.s32 @!p0 $0x100;
	s28 =	sadd.s32 @!p0 $0x200, s26;
	[sflag:s20] =	ssyncadd.s32 $0xFFFFFF00  }
0x23c: {  	[tilespmem:s30], [sflag:$0x1] =	stream.indirect.gather @!p0 [hbm4b:s4+s29], $0x40, s28, s29, $0xb8;
	[tilespmem:$0x11900] =	vst v63  }
0x23d: {  	s26 =	sadd.s32 @!p0 $0xE00, s26;
	s28 =	simm.s32 @!p0 $0x9800  }
0x23e: {  	[tilespmem:s28], [sflag:$0x3] =	stream.indirect.gather @!p0 [hbm4b:s5+s29], $0x40, s26, s29, $0xb8;
	[tilespmem:$0x11900] =	vst v63  }
0x23f: {  	_ =	swait.ge [sflag:s21], $0x4000  }
0x240: {  	[sflag:s21] =	ssyncset.done $0x0  }
0x241: {  	[sflag:s21] =	ssyncadd.s32 $0xFFFFC000  }
0x242: {  	_ =	swait.ge [sflag:s22], $0x4000  }
0x243: {  	[sflag:s22] =	ssyncset.done $0x0  }
0x244: {  	s31 =	simm.s32 $0x0;
	[sflag:s22] =	ssyncadd.s32 $0xFFFFC000  }
0x245: {  	v42 =	vld [tilespmem:s31+$0x5BC0]  }
0x246: {  	v43 =	vld [tilespmem:s31+$0xDBC0]  }
0x247: {  	v44 =	vld [tilespmem:s31+$0x5BD0]  }
0x248: {  	v45 =	vld [tilespmem:s31+$0xDBD0]  }
0x249: {  	v1 =	vld [tilespmem:s31+$0x5B80]  }
0x24a: {  	v4 =	vld [tilespmem:s31+$0xDB80]  }
0x24b: {  	v8 =	vld [tilespmem:s31+$0x5B90]  }
0x24c: {  	v23 =	vld [tilespmem:s31+$0xDB90]  }
0x24d: {  	v46 =	vld [tilespmem:s31+$0x5BA0]  }
0x24e: {  	v47 =	vld [tilespmem:s31+$0xDBA0]  }
0x24f: {  	v48 =	vld [tilespmem:s31+$0x5BB0]  }
0x250: {  	v26 =	vld [tilespmem:s31+$0xDBB0]  }
0x251: {  	v49 =	vld [tilespmem:s31+$0x5B40]  }
0x252: {  	v50 =	vld [tilespmem:s31+$0xDB40]  }
0x253: {  	v51 =	vld [tilespmem:s31+$0x5B50]  }
0x254: {  	v52 =	vld [tilespmem:s31+$0xDB50]  }
0x255: {  	v53 =	vld [tilespmem:s31+$0x5B60]  }
0x256: {  	v31 =	vld [tilespmem:s31+$0x5B00]  }
0x257: {  	v28 =	vld [tilespmem:s31+$0xDB00]  }
0x258: {  	v29 =	vld [tilespmem:s31+$0x5B10]  }
0x259: {  	v30 =	vld [tilespmem:s31+$0xDB10]  }
0x25a: {  	v35 =	vld [tilespmem:s31+$0x5B20]  }
0x25b: {  	v32 =	vld [tilespmem:s31+$0xDB20]  }
0x25c: {  	v33 =	vld [tilespmem:s31+$0x5B30]  }
0x25d: {  	v34 =	vld [tilespmem:s31+$0xDB30]  }
0x25e: {  	v54 =	vld [tilespmem:s31+$0x5AC0]  }
0x25f: {  	v36 =	vld [tilespmem:s31+$0xDAC0]  }
0x260: {  	v37 =	vld [tilespmem:s31+$0x5AD0]  }
0x261: {  	v38 =	vld [tilespmem:s31+$0xDAD0]  }
0x262: {  	v39 =	vld [tilespmem:s31+$0x5AE0]  }
0x263: {  	v40 =	vld [tilespmem:s31+$0xDAE0]  }
0x264: {  	v41 =	vld [tilespmem:s31+$0x5AF0]  }
0x265: {  	v55 =	vld [tilespmem:s31+$0x5A80]  }
0x266: {  	v56 =	vld [tilespmem:s31+$0xDA80]  }
0x267: {  	v57 =	vld [tilespmem:s31+$0x5A90]  }
0x268: {  	v58 =	vld [tilespmem:s31+$0xDA90]  }
0x269: {  	v59 =	vld [tilespmem:s31+$0x5AA0]  }
0x26a: {  	v60 =	vld [tilespmem:s31+$0x59C0]  }
0x26b: {  	v61 =	vld [tilespmem:s31+$0xD9C0]  }
0x26c: {  	v62 =	vld [tilespmem:s31+$0x59D0]  }
0x26d: {  	v63 =	vld [tilespmem:s31+$0xD9D0]  }
0x26e: {  	v5 =	vld [tilespmem:s31+$0x59E0]  }
0x26f: {  	v15 =	vld [tilespmem:s31+$0xD9A0]  }
0x270: {  	v19 =	vld [tilespmem:s31+$0x59B0]  }
0x271: {  	v12 =	vld [tilespmem:s31+$0xD9B0]  }
0x272: {  	v25 =	vld [tilespmem:s31+$0x5940]  }
0x273: {  	v21 =	vld [tilespmem:s31+$0xD940]  }
0x274: {  	v20 =	vld [tilespmem:s31+$0x5950]  }
0x275: {  	v16 =	vld [tilespmem:s31+$0xD950]  }
0x276: {  	v27 =	vld [tilespmem:s31+$0x5960]  }
0x277: {  	v22 =	vld [tilespmem:s31+$0xD960]  }
0x278: {  	v24 =	vld [tilespmem:s31+$0x5970]  }
0x279: {  	v17 =	vld [tilespmem:s31+$0xD970]  }
0x27a: {  	v6 =	vld [tilespmem:s31+$0x5900]  }
0x27b: {  	v7 =	vld [tilespmem:s31+$0xD900]  }
0x27c: {  	v9 =	vld [tilespmem:s31+$0x5910]  }
0x27d: {  	v10 =	vld [tilespmem:s31+$0xD910]  }
0x27e: {  	v11 =	vld [tilespmem:s31+$0x5920]  }
0x27f: {  	v3 =	vld [tilespmem:s31+$0x58D0]  }
0x280: {  	v2 =	vld [tilespmem:s31+$0xD8D0]  }
0x281: {  	v18 =	vld [tilespmem:s31+$0x5880]  }
0x282: {  	v13 =	vld [tilespmem:s31+$0xD880]  }
0x283: {  	v14 =	vld [tilespmem:s31+$0x5890]  }
0x284: {  	[tilespmem:$0x1F9E0] =	vst v42;
	v42 =	vld [tilespmem:s31+$0xDAF0]  }
0x285: {  	[tilespmem:$0x1F9F0] =	vst v43;
	v43 =	vld [tilespmem:s31+$0x5A40]  }
0x286: {  	[tilespmem:$0x1FA00] =	vst v44;
	v44 =	vld [tilespmem:s31+$0xDA40]  }
0x287: {  	[tilespmem:$0x1FA10] =	vst v45;
	v45 =	vld [tilespmem:s31+$0x5A50]  }
0x288: {  	[tilespmem:$0x1F860] =	vst v46;
	v46 =	vld [tilespmem:s31+$0xDA50]  }
0x289: {  	[tilespmem:$0x1F870] =	vst v47;
	v47 =	vld [tilespmem:s31+$0x5A60]  }
0x28a: {  	[tilespmem:$0x1F880] =	vst v48;
	v48 =	vld [tilespmem:s31+$0xDA60]  }
0x28b: {  	[tilespmem:$0x1F990] =	vst v49;
	v49 =	vld [tilespmem:s31+$0x5A70]  }
0x28c: {  	[tilespmem:$0x1F9A0] =	vst v50;
	v50 =	vld [tilespmem:s31+$0xDA70]  }
0x28d: {  	[tilespmem:$0x1F9B0] =	vst v51;
	v51 =	vld [tilespmem:s31+$0x5A00]  }
0x28e: {  	[tilespmem:$0x1F9C0] =	vst v52;
	v52 =	vld [tilespmem:s31+$0xDA00]  }
0x28f: {  	[tilespmem:$0x1F9D0] =	vst v53;
	v53 =	vld [tilespmem:s31+$0x5A10]  }
0x290: {  	[tilespmem:$0x1F890] =	vst v54;
	v54 =	vld [tilespmem:s31+$0xDA10]  }
0x291: {  	[tilespmem:$0x1F940] =	vst v55;
	v55 =	vld [tilespmem:s31+$0x5A20]  }
0x292: {  	[tilespmem:$0x1F950] =	vst v56;
	v56 =	vld [tilespmem:s31+$0xDA20]  }
0x293: {  	[tilespmem:$0x1F960] =	vst v57;
	v57 =	vld [tilespmem:s31+$0x5A30]  }
0x294: {  	[tilespmem:$0x1F970] =	vst v58;
	v58 =	vld [tilespmem:s31+$0xDA30]  }
0x295: {  	[tilespmem:$0x1F980] =	vst v59;
	v59 =	vld [tilespmem:s31+$0x5980]  }
0x296: {  	[tilespmem:$0x1F8F0] =	vst v60;
	v60 =	vld [tilespmem:s31+$0xD980]  }
0x297: {  	[tilespmem:$0x1F900] =	vst v61;
	v61 =	vld [tilespmem:s31+$0x5990]  }
0x298: {  	[tilespmem:$0x1F910] =	vst v62;
	v62 =	vld [tilespmem:s31+$0xD990]  }
0x299: {  	[tilespmem:$0x1F920] =	vst v63;
	v63 =	vld [tilespmem:s31+$0x59A0]  }
0x29a: {  	[tilespmem:$0x1F8B0] =	vst v7;
	v7 =	vld [tilespmem:s31+$0x58C0]  }
0x29b: {  	[tilespmem:$0x1F930] =	vst v5;
	v5 =	vld [tilespmem:s31+$0xD8C0]  }
0x29c: {  	[tilespmem:$0x1F8E0] =	vst v11;
	v11 =	vld [tilespmem:s31+$0x58E0]  }
0x29d: {  	[tilespmem:$0x1F8D0] =	vst v10;
	v10 =	vld [tilespmem:s31+$0xD8E0]  }
0x29e: {  	[tilespmem:$0x1F8C0] =	vst v9;
	v9 =	vld [tilespmem:s31+$0x58F0]  }
0x29f: {  	[tilespmem:$0x1F8A0] =	vst v6;
	v6 =	vld [tilespmem:s31+$0xD8F0]  }
0x2a0: {  	v1 =	vmul.f32 v4, v1;
	v4 =	vld [tilespmem:s31+$0xD890]  }
0x2a1: {  	v29 =	vmul.f32 v30, v29;
	v30 =	vld [tilespmem:s31+$0xD8A0]  }
0x2a2: {  	v28 =	vmul.f32 v28, v31;
	v31 =	vmul.f32 v34, v33;
	v33 =	vld [tilespmem:s31+$0xD800]  }
0x2a3: {  	v38 =	vmul.f32 v38, v37;
	v37 =	vld [tilespmem:s31+$0x5810]  }
0x2a4: {  	v16 =	vmul.f32 v16, v20;
	v20 =	vld [tilespmem:s31+$0x5850]  }
0x2a5: {  	v23 =	vmul.f32 v23, v8;
	v0 =	vld [tilespmem:$0x1F860]  }
0x2a6: {  	v8 =	vld [tilespmem:$0x1F870]  }
0x2a7: {  	v1 =	vadd.f32 v23, v1;
	v23 =	vld [tilespmem:s31+$0x58B0]  }
0x2a8: {  	v28 =	vadd.f32 v29, v28;
	v29 =	vld [tilespmem:s31+$0xD8B0]  }
0x2a9: {  	v4 =	vmul.f32 v4, v14;
	v14 =	vld [tilespmem:s31+$0x5930]  }
0x2aa: {  	v46 =	vmul.f32 v46, v45;
	v45 =	vld [tilespmem:$0x1F8F0]  }
0x2ab: {  	v48 =	vmul.f32 v48, v47;
	v50 =	vmul.f32 v50, v49;
	v47 =	vld [tilespmem:s31+$0xDAB0]  }
0x2ac: {  	v12 =	vmul.f32 v12, v19;
	v0 =	vmul.f32 v8, v0;
	v8 =	vld [tilespmem:$0x1F880]  }
0x2ad: {  	v56 =	vmul.f32 v56, v55;
	v15 =	vmul.f32 v15, v63;
	v34 =	vadd.f32 v50, v48;
	v48 =	vld [tilespmem:s31+$0xD830]  }
0x2ae: {  	v60 =	vmul.f32 v60, v59;
	v62 =	vmul.f32 v62, v61;
	v50 =	vld [tilespmem:s31+$0x5840]  }
0x2af: {  	v58 =	vmul.f32 v58, v57;
	v12 =	vadd.f32 v12, v15;
	v15 =	vmul.f32 v22, v27;
	v22 =	vld [tilespmem:s31+$0xD850]  }
0x2b0: {  	v17 =	vmul.f32 v17, v24;
	v19 =	vadd.f32 v62, v60;
	v60 =	vld [tilespmem:s31+$0xD920]  }
0x2b1: {  	v21 =	vmul.f32 v21, v25;
	v49 =	vadd.f32 v58, v56;
	v56 =	vmul.f32 v13, v18;
	v18 =	vld [tilespmem:s31+$0xD9E0]  }
0x2b2: {  	v54 =	vmul.f32 v54, v53;
	v53 =	vadd.f32 v12, v19;
	v12 =	vadd.f32 v17, v15;
	v15 =	vld [tilespmem:s31+$0xD860]  }
0x2b3: {  	v4 =	vadd.f32 v4, v56;
	v56 =	vld [tilespmem:$0x1F960]  }
0x2b4: {  	v16 =	vadd.f32 v16, v21;
	v19 =	vld [tilespmem:$0x1F9D0]  }
0x2b5: {  	v26 =	vmul.f32 v26, v8;
	v8 =	vld [tilespmem:s31+$0x58A0]  }
0x2b6: {  	v55 =	vadd.f32 v12, v16;
	v12 =	vld [tilespmem:s31+$0xD870]  }
0x2b7: {  	v44 =	vmul.f32 v44, v43;
	v16 =	vld [tilespmem:s31+$0xD930]  }
0x2b8: {  	v0 =	vadd.f32 v26, v0;
	v26 =	vmul.f32 v32, v35;
	v35 =	vld [tilespmem:$0x1F890]  }
0x2b9: {  	v32 =	vadd.f32 v46, v44;
	v44 =	vld [tilespmem:s31+$0x5AB0]  }
0x2ba: {  	v2 =	vmul.f32 v2, v3;
	v46 =	vld [tilespmem:$0x1F900]  }
0x2bb: {  	v5 =	vmul.f32 v5, v7;
	v26 =	vadd.f32 v31, v26;
	v31 =	vmul.f32 v40, v39;
	v40 =	vld [tilespmem:s31+$0xD820]  }
0x2bc: {  	v10 =	vmul.f32 v10, v11;
	v6 =	vmul.f32 v6, v9;
	v32 =	vadd.f32 v34, v32;
	v34 =	vld [tilespmem:$0x1F8A0]  }
0x2bd: {  	v42 =	vmul.f32 v42, v41;
	v2 =	vadd.f32 v2, v5;
	v39 =	vld [tilespmem:$0x1F8D0]  }
0x2be: {  	v57 =	vadd.f32 v6, v10;
	v0 =	vadd.f32 v0, v1;
	v43 =	vmul.f32 v16, v14;
	v16 =	vld [tilespmem:$0x1F980]  }
0x2bf: {  	v26 =	vadd.f32 v26, v28;
	v28 =	vadd.f32 v42, v31;
	v31 =	vld [tilespmem:s31+$0xD810]  }
0x2c0: {  	v42 =	vld [tilespmem:s31+$0x5830]  }
0x2c1: {  	v59 =	vmul.f32 v29, v23;
	(xrf2) =	vadd.scan.msk.f32 $0xffff, v0;
	v0 =	vadd.f32 v57, v2;
	v57 =	vld [tilespmem:$0x1F970]  }
0x2c2: {  	v58 =	vmul.f32 v30, v8;
	v1 =	vmul.f32 v36, v35;
	v35 =	vld [tilespmem:s31+$0x5800]  }
0x2c3: {  	v36 =	vld [tilespmem:s31+$0x5820]  }
0x2c4: {  	v6 =	vadd.f32 v59, v58;
	v58 =	vld [tilespmem:s31+$0x5BE0]  }
0x2c5: {  	v59 =	vld [tilespmem:s31+$0xDBE0];
	v1 =	vadd.f32 v38, v1  }
0x2c6: {  	v38 =	vld [tilespmem:$0x1F8C0]  }
0x2c7: {  	v1 =	vadd.f32 v28, v1;
	v28 =	vmul.f32 v52, v51;
	v51 =	vld [tilespmem:s31+$0xD840]  }
0x2c8: {  	v52 =	vld [tilespmem:s31+$0x5860]  }
0x2c9: {  	v28 =	vadd.f32 v54, v28;
	v54 =	vld [tilespmem:s31+$0x5870]  }
0x2ca: {  	v13 =	vmul.f32 v31, v37;
	v63 =	vmul.f32 v48, v42;
	v42 =	vld [tilespmem:$0x1F8E0]  }
0x2cb: {  	v61 =	vmul.f32 v33, v35;
	v62 =	vmul.f32 v40, v36;
	v35 =	vld [tilespmem:$0x1F8B0]  }
0x2cc: {  	(xrf2) =	vadd.scan.msk.f32 $0xffff, v26;
	v36 =	vld [tilespmem:s31+$0xD9F0]  }
0x2cd: {  	(xrf2) =	vadd.scan.msk.f32 $0xffff, v1;
	v11 =	vadd.f32 v13, v61;
	v1 =	vadd.f32 v63, v62;
	v13 =	vld [tilespmem:$0x1F950]  }
0x2ce: {  	v3 =	vmul.f32 v15, v52;
	v5 =	vmul.f32 v12, v54;
	v12 =	vld [tilespmem:s31+$0x59F0]  }
0x2cf: {  	v28 =	vadd.f32 v49, v28;
	v41 =	vadd.f32 v1, v11;
	v1 =	vmul.f32 v60, v42;
	v54 =	vld [tilespmem:$0x1F940]  }
0x2d0: {  	v40 =	vld [tilespmem:s31+$0xDAA0];
	(xrf2) =	vadd.scan.msk.f32 $0xffff, v32;
	v2 =	vmul.f32 v35, v34;
	v3 =	vadd.f32 v5, v3;
	v5 =	vmul.f32 v39, v38  }
0x2d1: {  	v49 =	vld [tilespmem:$0x1F910];
	(xrf2) =	vadd.scan.msk.f32 $0xffff, v28  }
0x2d2: {  	v33 =	vmul.f32 v51, v50;
	v51 =	vld [tilespmem:s31+$0xDB60];
	(xrf2) =	vadd.scan.msk.f32 $0xffff, v53;
	v1 =	vadd.f32 v43, v1;
	v48 =	vadd.f32 v5, v2  }
0x2d3: {  	v4 =	vadd.f32 v6, v4;
	(xrf2) =	vadd.scan.msk.f32 $0xffff, v55;
	v6 =	vmul.f32 v36, v12;
	v12 =	vld [tilespmem:s31+$0x5B70]  }
0x2d4: {  	(xrf2) =	vadd.scan.msk.f32 $0xffff, v0;
	v0 =	vadd.f32 v1, v48;
	v1 =	vmul.f32 v13, v54;
	v13 =	vld [tilespmem:s31+$0xDB70]  }
0x2d5: {  	v17 =	vmul.f32 v22, v20;
	v50 =	vld [tilespmem:$0x1F920]  }
0x2d6: {  	v52 =	vld [tilespmem:$0x1F930]  }
0x2d7: {  	v61 =	vld [tilespmem:$0x1F990];
	v37 =	vadd.f32 v17, v33  }
0x2d8: {  	v63 =	vld [tilespmem:$0x1F9B0];
	v8 =	vmul.f32 v40, v16  }
0x2d9: {  	v16 =	vld [tilespmem:$0x1F9A0];
	(xrf2) =	vadd.scan.msk.f32 $0xffff, v4;
	v3 =	vadd.f32 v3, v37;
	v5 =	vmul.f32 v51, v19;
	v12 =	vmul.f32 v13, v12  }
0x2da: {  	v4 =	vmul.f32 v46, v45;
	(xrf2) =	vadd.scan.msk.f32 $0xffff, v41;
	v13 =	vld [tilespmem:$0x1F9F0]  }
0x2db: {  	v9, _, _ =	vpop (xrf2);
	v11 =	vmul.f32 v18, v52;
	v2 =	vmul.f32 v50, v49;
	(xrf2) =	vadd.scan.msk.f32 $0xffff, v3;
	v5 =	vadd.f32 v12, v5;
	v12 =	vld [tilespmem:$0x1F9E0]  }
0x2dc: {  	v32 =	vld [tilespmem:$0x1F9C0];
	v53, _, _ =	vpop (xrf2)  }
0x2dd: {  	v33 =	vld [tilespmem:s31+$0xDBF0];
	v14, _, _ =	vpop (xrf2);
	v2 =	vadd.f32 v2, v4;
	v55 =	vadd.f32 v6, v11  }
0x2de: {  	v7 =	vmul.f32 v47, v44;
	v19 =	vld [tilespmem:$0x1FA10];
	v15, _, _ =	vpop (xrf2);
	v6 =	vmul.f32 v57, v56;
	(xrf2) =	vadd.scan.msk.f32 $0xffff, v0  }
0x2df: {  	v4 =	vmul.f32 v16, v61;
	v16 =	vld [tilespmem:s31+$0x5BF0];
	v60, _, _ =	vpop (xrf2);
	v2 =	vadd.f32 v55, v2  }
0x2e0: {  	v62 =	vadd.f32 v7, v8;
	v1 =	vadd.f32 v6, v1;
	v17, _, _ =	vpop (xrf2);
	v12 =	vmul.f32 v13, v12;
	v13 =	vld [tilespmem:$0x1FA00]  }
0x2e1: {  	v7 =	vmul.f32 v32, v63;
	v18, _, _ =	vpop (xrf2);
	(xrf2) =	vadd.scan.msk.f32 $0xffff, v2  }
0x2e2: {  	v1 =	vadd.f32 v62, v1;
	v34, _, _ =	vpop (xrf2)  }
0x2e3: {  	v4 =	vadd.f32 v7, v4;
	v35, _, _ =	vpop (xrf2)  }
0x2e4: {  	v38 =	vmul.f32 v59, v58;
	(xrf2) =	vadd.scan.msk.f32 $0xffff, v1;
	v36, _, _ =	vpop (xrf2)  }
0x2e5: {  	v39 =	vmul.f32 v33, v16;
	v37 =	vadd.f32 v5, v4;
	v40, _, _ =	vpop (xrf2);
	v13 =	vmul.f32 v19, v13  }
0x2e6: {  	v7 =	vbroadcast v36, $0xF;
	v8 =	vbroadcast v40, $0xF  }
0x2e7: {  	v6 =	vbroadcast v35, $0xF;
	v4 =	vadd.f32 v39, v38;
	(xrf2) =	vadd.scan.msk.f32 $0xffff, v37;
	v41 =	vadd.f32 v13, v12  }
0x2e8: {  	v2 =	vbroadcast v34, $0xF;
	v43, _, _ =	vpop (xrf2);
	v42 =	vsel vm0, v7, v8  }
0x2e9: {  	v5 =	vbroadcast v43, $0xF;
	v1 =	vsel vm1, v42, v6;
	v4 =	vadd.f32 v4, v41  }
0x2ea: {  	v44 =	vbroadcast v18, $0xF;
	v1 =	vsel vm2, v1, v2  }
0x2eb: {  	v45 =	vbroadcast v17, $0xF;
	v46, _, _ =	vpop (xrf2);
	v1 =	vsel vm3, v1, v5;
	(xrf2) =	vadd.scan.msk.f32 $0xffff, v4  }
0x2ec: {  	v47 =	vbroadcast v46, $0xF;
	v1 =	vsel vm4, v1, v44  }
0x2ed: {  	v0 =	vbroadcast v60, $0xF;
	v1 =	vsel vm5, v1, v45  }
0x2ee: {  	v48 =	vbroadcast v15, $0xF;
	v49, _, _ =	vpop (xrf2);
	v1 =	vsel vm6, v1, v47  }
0x2ef: {  	v50 =	vbroadcast v49, $0xF;
	v0 =	vsel vm7, v1, v0  }
0x2f0: {  	v51 =	vbroadcast v14, $0xF;
	v0 =	vsel vm8, v0, v48  }
0x2f1: {  	v52 =	vbroadcast v53, $0xF;
	v53, _, _ =	vpop (xrf2);
	v0 =	vsel vm9, v0, v50  }
0x2f2: {  	v54 =	vbroadcast v53, $0xF;
	v0 =	vsel vm10, v0, v51  }
0x2f3: {  	v55 =	vbroadcast v9, $0xF;
	v0 =	vsel vm11, v0, v52  }
0x2f4: {  	v0 =	vsel vm12, v0, v54  }
0x2f5: {  	v0 =	vsel vm13, v0, v55;
	v56, _, _ =	vpop (xrf2)  }
0x2f6: {  	s26 =	simm.s32 $0x11800;
	v0 =	vsel vm14, v0, v56  }
0x2f7: {  	s28 =	simm.s32 $0x400;
	[tilespmem:s26+$0x0] =	vst v0  }
0x2f8: {  	v19 =	vld [tilespmem:s28+$0x5BC0]  }
0x2f9: {  	v0 =	vld [tilespmem:s28+$0xDBC0]  }
0x2fa: {  	v57 =	vld [tilespmem:s28+$0x5BD0]  }
0x2fb: {  	v58 =	vld [tilespmem:s28+$0xDBD0]  }
0x2fc: {  	v1 =	vld [tilespmem:s28+$0x5B80]  }
0x2fd: {  	v2 =	vld [tilespmem:s28+$0xDB80]  }
0x2fe: {  	v3 =	vld [tilespmem:s28+$0x5B90]  }
0x2ff: {  	v5 =	vld [tilespmem:s28+$0xDB90]  }
0x300: {  	v4 =	vld [tilespmem:s28+$0x5BA0]  }
0x301: {  	v6 =	vld [tilespmem:s28+$0xDBA0]  }
0x302: {  	v7 =	vld [tilespmem:s28+$0x5BB0]  }
0x303: {  	v8 =	vld [tilespmem:s28+$0xDBB0]  }
0x304: {  	v59 =	vld [tilespmem:s28+$0x5B40]  }
0x305: {  	v60 =	vld [tilespmem:s28+$0xDB40]  }
0x306: {  	v61 =	vld [tilespmem:s28+$0x5B50]  }
0x307: {  	v62 =	vld [tilespmem:s28+$0xDB50]  }
0x308: {  	v63 =	vld [tilespmem:s28+$0x5B60]  }
0x309: {  	v28 =	vld [tilespmem:s28+$0xDB10]  }
0x30a: {  	v9 =	vld [tilespmem:s28+$0x5B20]  }
0x30b: {  	v29 =	vld [tilespmem:s28+$0xDB20]  }
0x30c: {  	v31 =	vld [tilespmem:s28+$0x5B30]  }
0x30d: {  	v39 =	vld [tilespmem:s28+$0xDB30]  }
0x30e: {  	v10 =	vld [tilespmem:s28+$0x5AC0]  }
0x30f: {  	v32 =	vld [tilespmem:s28+$0xDAC0]  }
0x310: {  	v52 =	vld [tilespmem:s28+$0x5AD0]  }
0x311: {  	v43 =	vld [tilespmem:s28+$0xDAD0]  }
0x312: {  	v46 =	vld [tilespmem:s28+$0x5AF0]  }
0x313: {  	v47 =	vld [tilespmem:s28+$0xDAF0]  }
0x314: {  	v11 =	vld [tilespmem:s28+$0x5A80]  }
0x315: {  	v33 =	vld [tilespmem:s28+$0xDA80]  }
0x316: {  	v34 =	vld [tilespmem:s28+$0x5A90]  }
0x317: {  	v35 =	vld [tilespmem:s28+$0xDA90]  }
0x318: {  	v36 =	vld [tilespmem:s28+$0x5AA0]  }
0x319: {  	v37 =	vld [tilespmem:s28+$0x5A40]  }
0x31a: {  	v38 =	vld [tilespmem:s28+$0xDA40]  }
0x31b: {  	v40 =	vld [tilespmem:s28+$0x5A50]  }
0x31c: {  	v51 =	vld [tilespmem:s28+$0xDA50]  }
0x31d: {  	v41 =	vld [tilespmem:s28+$0x5A60]  }
0x31e: {  	v42 =	vld [tilespmem:s28+$0xDA60]  }
0x31f: {  	v44 =	vld [tilespmem:s28+$0x5A70]  }
0x320: {  	v55 =	vld [tilespmem:s28+$0xDA70]  }
0x321: {  	v12 =	vld [tilespmem:s28+$0xDA00]  }
0x322: {  	v13 =	vld [tilespmem:s28+$0x5A10]  }
0x323: {  	v45 =	vld [tilespmem:s28+$0xDA10]  }
0x324: {  	v14 =	vld [tilespmem:s28+$0xDA20]  }
0x325: {  	v48 =	vld [tilespmem:s28+$0x5A30]  }
0x326: {  	v49 =	vld [tilespmem:s28+$0xDA30]  }
0x327: {  	v17 =	vld [tilespmem:s28+$0x59C0]  }
0x328: {  	v18 =	vld [tilespmem:s28+$0xD9C0]  }
0x329: {  	v15 =	vld [tilespmem:s28+$0x59D0]  }
0x32a: {  	v16 =	vld [tilespmem:s28+$0xD9D0]  }
0x32b: {  	v50 =	vld [tilespmem:s28+$0x59E0]  }
0x32c: {  	v56 =	vld [tilespmem:s28+$0x5940]  }
0x32d: {  	v30 =	vld [tilespmem:s28+$0xD970]  }
0x32e: {  	v23 =	vld [tilespmem:s28+$0x5900]  }
0x32f: {  	v24 =	vld [tilespmem:s28+$0xD900]  }
0x330: {  	v21 =	vld [tilespmem:s28+$0x5910]  }
0x331: {  	v22 =	vld [tilespmem:s28+$0xD910]  }
0x332: {  	v20 =	vld [tilespmem:s28+$0x5920]  }
0x333: {  	v53 =	vld [tilespmem:s28+$0x58C0]  }
0x334: {  	v54 =	vld [tilespmem:s28+$0x58E0]  }
0x335: {  	[tilespmem:$0x1FA60] =	vst v60;
	v60 =	vld [tilespmem:s28+$0x5B00]  }
0x336: {  	[tilespmem:$0x1FA50] =	vst v59;
	v59 =	vld [tilespmem:s28+$0xDB00]  }
0x337: {  	[tilespmem:$0x1FA40] =	vst v58;
	v58 =	vld [tilespmem:s28+$0x5B10]  }
0x338: {  	[tilespmem:$0x1FA70] =	vst v61;
	v61 =	vld [tilespmem:s28+$0x5AE0]  }
0x339: {  	[tilespmem:$0x1FA30] =	vst v57;
	v57 =	vld [tilespmem:s28+$0xDAE0]  }
0x33a: {  	[tilespmem:$0x1FB10] =	vst v10;
	v10 =	vld [tilespmem:s28+$0x5A00]  }
0x33b: {  	[tilespmem:$0x1FAA0] =	vst v11;
	v11 =	vld [tilespmem:s28+$0x5A20]  }
0x33c: {  	[tilespmem:$0x1FAF0] =	vst v50;
	v50 =	vld [tilespmem:s28+$0x5980]  }
0x33d: {  	[tilespmem:$0x1FB30] =	vst v38;
	v38 =	vld [tilespmem:s28+$0xD980]  }
0x33e: {  	[tilespmem:$0x1FB70] =	vst v44;
	v44 =	vld [tilespmem:s28+$0x5990]  }
0x33f: {  	[tilespmem:$0x1FAB0] =	vst v33;
	v33 =	vld [tilespmem:s28+$0xD990]  }
0x340: {  	[tilespmem:$0x1FB90] =	vst v48;
	v48 =	vld [tilespmem:s28+$0x59A0]  }
0x341: {  	[tilespmem:$0x1FB60] =	vst v42;
	v42 =	vld [tilespmem:s28+$0xD9A0]  }
0x342: {  	[tilespmem:$0x1FB80] =	vst v45;
	v45 =	vld [tilespmem:s28+$0x59B0]  }
0x343: {  	[tilespmem:$0x1FAC0] =	vst v34;
	v34 =	vld [tilespmem:s28+$0xD9B0]  }
0x344: {  	[tilespmem:$0x1FAE0] =	vst v36;
	v36 =	vld [tilespmem:s28+$0xD940]  }
0x345: {  	[tilespmem:$0x1FB20] =	vst v37;
	v37 =	vld [tilespmem:s28+$0x5950]  }
0x346: {  	[tilespmem:$0x1FAD0] =	vst v35;
	v35 =	vld [tilespmem:s28+$0xD950]  }
0x347: {  	[tilespmem:$0x1FBA0] =	vst v49;
	v49 =	vld [tilespmem:s28+$0x5960]  }
0x348: {  	[tilespmem:$0x1FB40] =	vst v40;
	v40 =	vld [tilespmem:s28+$0xD960]  }
0x349: {  	[tilespmem:$0x1FB50] =	vst v41;
	v41 =	vld [tilespmem:s28+$0x5970]  }
0x34a: {  	[tilespmem:$0x1FA80] =	vst v62;
	v62 =	vld [tilespmem:s28+$0xD8C0]  }
0x34b: {  	[tilespmem:$0x1FA90] =	vst v63;
	v63 =	vld [tilespmem:s28+$0x58D0]  }
0x34c: {  	[tilespmem:$0x1FBB0] =	vst v53;
	v53 =	vld [tilespmem:s28+$0xD8D0]  }
0x34d: {  	[tilespmem:$0x1FB00] =	vst v9;
	v9 =	vld [tilespmem:s28+$0xD8E0]  }
0x34e: {  	[tilespmem:$0x1FBC0] =	vst v54;
	v54 =	vld [tilespmem:s28+$0x58F0]  }
0x34f: {  	[tilespmem:$0x1FA20] =	vst v0;
	v0 =	vmul.f32 v5, v3;
	v3 =	vld [tilespmem:s28+$0xD880]  }
0x350: {  	v27 =	vmul.f32 v6, v4;
	v4 =	vld [tilespmem:s28+$0x5890]  }
0x351: {  	v25 =	vmul.f32 v2, v1;
	v26 =	vmul.f32 v8, v7;
	v8 =	vld [tilespmem:$0x1FB00]  }
0x352: {  	v6 =	vld [tilespmem:$0x1FB20]  }
0x353: {  	v7 =	vld [tilespmem:$0x1FB30];
	v0 =	vadd.f32 v0, v25;
	v26 =	vadd.f32 v26, v27  }
0x354: {  	v5 =	vmul.f32 v47, v46;
	v47 =	vld [tilespmem:$0x1FB40]  }
0x355: {  	v0 =	vadd.f32 v26, v0;
	v26 =	vld [tilespmem:s28+$0xD8B0]  }
0x356: {  	[tilespmem:$0x1FBE0] =	vst v54;
	v54 =	vld [tilespmem:s28+$0xD8F0]  }
0x357: {  	[tilespmem:$0x1FBD0] =	vst v9;
	v9 =	vld [tilespmem:s28+$0x5880]  }
0x358: {  	v28 =	vmul.f32 v28, v58;
	v58 =	vld [tilespmem:s28+$0xD890]  }
0x359: {  	v59 =	vmul.f32 v59, v60;
	v60 =	vld [tilespmem:s28+$0x58A0]  }
0x35a: {  	v61 =	vmul.f32 v57, v61;
	v57 =	vld [tilespmem:$0x1FB50]  }
0x35b: {  	v44 =	vmul.f32 v33, v44;
	v33 =	vld [tilespmem:s28+$0xD820]  }
0x35c: {  	v25 =	vmul.f32 v29, v8;
	v29 =	vmul.f32 v39, v31;
	v39 =	vld [tilespmem:$0x1FB10]  }
0x35d: {  	v2 =	vmul.f32 v36, v56;
	v36 =	vld [tilespmem:s28+$0xD830]  }
0x35e: {  	v56 =	vld [tilespmem:$0x1FBC0]  }
0x35f: {  	v30 =	vmul.f32 v30, v41;
	v41 =	vld [tilespmem:s28+$0xD860]  }
0x360: {  	v31 =	vmul.f32 v43, v52;
	v43 =	vld [tilespmem:s28+$0xD8A0];
	v28 =	vadd.f32 v28, v59;
	v25 =	vadd.f32 v29, v25  }
0x361: {  	v52 =	vld [tilespmem:s28+$0x58B0];
	v27 =	vmul.f32 v32, v39  }
0x362: {  	v38 =	vmul.f32 v38, v50;
	v8 =	vmul.f32 v7, v6;
	v59 =	vld [tilespmem:$0x1FB60];
	v25 =	vadd.f32 v25, v28  }
0x363: {  	v51 =	vmul.f32 v51, v47;
	v29 =	vadd.f32 v31, v27;
	v31 =	vadd.f32 v5, v61;
	v61 =	vld [tilespmem:$0x1FB70]  }
0x364: {  	(xrf2) =	vadd.scan.msk.f32 $0xffff, v0;
	v44 =	vadd.f32 v44, v38;
	v38 =	vld [tilespmem:s28+$0x5850]  }
0x365: {  	(xrf2) =	vadd.scan.msk.f32 $0xffff, v25;
	v25 =	vadd.f32 v51, v8;
	v8 =	vld [tilespmem:$0x1FB80]  }
0x366: {  	v28 =	vld [tilespmem:s28+$0x5800]  }
0x367: {  	v0 =	vmul.f32 v59, v57;
	v57 =	vld [tilespmem:$0x1FBA0]  }
0x368: {  	v5 =	vmul.f32 v55, v61;
	v55 =	vld [tilespmem:$0x1FB90]  }
0x369: {  	v32 =	vld [tilespmem:s28+$0x5820];
	v6 =	vadd.f32 v31, v29  }
0x36a: {  	v7 =	vmul.f32 v12, v10;
	v27 =	vld [tilespmem:s28+$0xD800];
	v10 =	vmul.f32 v8, v13;
	v0 =	vadd.f32 v5, v0  }
0x36b: {  	v29 =	vld [tilespmem:s28+$0x5810];
	(xrf2) =	vadd.scan.msk.f32 $0xffff, v6;
	v61 =	vmul.f32 v34, v45  }
0x36c: {  	v39 =	vadd.f32 v10, v7;
	v10 =	vld [tilespmem:$0x1FBB0];
	v0 =	vadd.f32 v0, v25;
	v25 =	vmul.f32 v42, v48  }
0x36d: {  	v11 =	vmul.f32 v14, v11;
	v59 =	vmul.f32 v57, v55;
	v57 =	vld [tilespmem:$0x1FBD0]  }
0x36e: {  	v6 =	vmul.f32 v40, v49;
	v25 =	vadd.f32 v61, v25;
	v61 =	vld [tilespmem:$0x1FBE0]  }
0x36f: {  	v31 =	vld [tilespmem:s28+$0xD810];
	v5 =	vmul.f32 v35, v37;
	v1 =	vadd.f32 v59, v11  }
0x370: {  	v40 =	vld [tilespmem:s28+$0x5860];
	v30 =	vadd.f32 v30, v6;
	v25 =	vadd.f32 v25, v44  }
0x371: {  	v47 =	vmul.f32 v58, v4;
	v34 =	vld [tilespmem:s28+$0x5830];
	v8 =	vadd.f32 v5, v2;
	v7 =	vadd.f32 v1, v39  }
0x372: {  	v35 =	vld [tilespmem:s28+$0x5840];
	v55 =	vmul.f32 v53, v63;
	(xrf2) =	vadd.scan.msk.f32 $0xffff, v0;
	v11 =	vmul.f32 v62, v10  }
0x373: {  	v50, _, _ =	vpop (xrf2);
	v37 =	vld [tilespmem:s28+$0xD840];
	v63 =	vadd.f32 v30, v8;
	v59 =	vmul.f32 v57, v56;
	(xrf2) =	vadd.scan.msk.f32 $0xffff, v7;
	v62 =	vmul.f32 v54, v61  }
0x374: {  	v43 =	vmul.f32 v43, v60;
	v45 =	vmul.f32 v3, v9;
	v42 =	vld [tilespmem:s28+$0x5870];
	(xrf2) =	vadd.scan.msk.f32 $0xffff, v25;
	v25, _, _ =	vpop (xrf2)  }
0x375: {  	s29 =	simm.s32 $0x2000;
	v44 =	vmul.f32 v26, v52;
	v39 =	vld [tilespmem:s28+$0xD850];
	v30 =	vadd.f32 v55, v11;
	v46 =	vadd.f32 v62, v59;
	v26, _, _ =	vpop (xrf2);
	(xrf2) =	vadd.scan.msk.f32 $0xffff, v63  }
.LBB2_5:
0x376: {  	v48 =	vld [tilespmem:s28+$0xD870]  }
0x377: {  	v4 =	vld [tilespmem:s28+$0x5930]  }
0x378: {  	v7 =	vld [tilespmem:s28+$0xD9E0]  }
0x379: {  	v10 =	vld [tilespmem:s28+$0x59F0]  }
0x37a: {  	v23 =	vmul.f32 v24, v23;
	v24 =	vld [tilespmem:s28+$0xD9F0]  }
0x37b: {  	v21 =	vmul.f32 v22, v21;
	v22 =	vld [tilespmem:s28+$0xDAA0]  }
0x37c: {  	v1 =	vld [tilespmem:$0x1FAB0]  }
0x37d: {  	v13 =	vld [tilespmem:s28+$0xDB70]  }
0x37e: {  	v49 =	vld [tilespmem:$0x1FA50]  }
0x37f: {  	v51 =	vld [tilespmem:$0x1FA60]  }
0x380: {  	v53 =	vld [tilespmem:$0x1FA70]  }
0x381: {  	v54 =	vld [tilespmem:$0x1FA80]  }
0x382: {  	v55 =	vld [tilespmem:$0x1FA90]  }
0x383: {  	v58 =	vld [tilespmem:$0x1FA20]  }
0x384: {  	v59 =	vld [tilespmem:$0x1FA30];
	v45 =	vadd.f32 v47, v45  }
0x385: {  	v47 =	vld [tilespmem:$0x1FAD0];
	v27 =	vmul.f32 v27, v28;
	v28 =	vmul.f32 v31, v29;
	v29 =	vadd.f32 v44, v43  }
0x386: {  	v46 =	vadd.f32 v46, v30;
	v31 =	vld [tilespmem:s28+$0xD920];
	v32 =	vmul.f32 v33, v32;
	v63 =	vmul.f32 v36, v34  }
0x387: {  	v5 =	vmul.f32 v37, v35;
	v6 =	vmul.f32 v39, v38;
	v0 =	vadd.f32 v29, v45;
	v29 =	vld [tilespmem:s28+$0xD930]  }
0x388: {  	v8 =	vmul.f32 v41, v40;
	v17 =	vmul.f32 v18, v17;
	v18 =	vld [tilespmem:s28+$0xDAB0];
	v30, _, _ =	vpop (xrf2);
	(xrf2) =	vadd.scan.msk.f32 $0xffff, v46  }
0x389: {  	v43 =	vld [tilespmem:$0x1FAF0];
	v9 =	vmul.f32 v48, v42;
	v27 =	vadd.f32 v28, v27;
	v32 =	vadd.f32 v63, v32  }
0x38a: {  	v44 =	vld [tilespmem:$0x1FAA0];
	v11 =	vadd.f32 v6, v5  }
0x38b: {  	v48 =	vld [tilespmem:$0x1FAE0];
	v36, _, _ =	vpop (xrf2);
	v41 =	vadd.f32 v9, v8;
	(xrf2) =	vadd.scan.msk.f32 $0xffff, v0;
	v27 =	vadd.f32 v32, v27  }
0x38c: {  	v46 =	vld [tilespmem:$0x1FAC0];
	v20 =	vmul.f32 v31, v20;
	v29 =	vmul.f32 v29, v4  }
0x38d: {  	v28, _, _ =	vpop (xrf2);
	v31 =	vld [tilespmem:s28+$0x5AB0];
	(xrf2) =	vadd.scan.msk.f32 $0xffff, v27;
	v27 =	vadd.f32 v41, v11  }
0x38e: {  	v60 =	vld [tilespmem:$0x1FA40];
	v2 =	vadd.f32 v21, v23;
	v14 =	vmul.f32 v16, v15;
	v20 =	vadd.f32 v29, v20  }
0x38f: {  	v16 =	vld [tilespmem:s28+$0xDB60];
	v23 =	vmul.f32 v24, v10;
	v42, _, _ =	vpop (xrf2);
	v15 =	vmul.f32 v7, v43;
	(xrf2) =	vadd.scan.msk.f32 $0xffff, v27  }
0x390: {  	v24 =	vld [tilespmem:s28+$0x5B70];
	v14 =	vadd.f32 v14, v17;
	v20 =	vadd.f32 v20, v2  }
0x391: {  	v6 =	vld [tilespmem:s28+$0xDBF0];
	v12 =	vmul.f32 v1, v44;
	v10 =	vmul.f32 v22, v48;
	v45 =	vadd.f32 v23, v15  }
0x392: {  	v8 =	vld [tilespmem:s28+$0x5BF0];
	v9 =	vmul.f32 v47, v46;
	v17 =	vmul.f32 v18, v31;
	v21, _, _ =	vpop (xrf2);
	(xrf2) =	vadd.scan.msk.f32 $0xffff, v20  }
0x393: {  	v7 =	vmul.f32 v51, v49;
	v11 =	vld [tilespmem:s28+$0x5BE0];
	v14 =	vadd.f32 v45, v14  }
0x394: {  	v5 =	vmul.f32 v16, v55;
	v9 =	vadd.f32 v9, v12;
	v18 =	vld [tilespmem:s28+$0xDBE0];
	v52 =	vadd.f32 v17, v10  }
0x395: {  	v4 =	vmul.f32 v54, v53;
	v12 =	vmul.f32 v13, v24;
	v15, _, _ =	vpop (xrf2);
	(xrf2) =	vadd.scan.msk.f32 $0xffff, v14  }
0x396: {  	v9 =	vadd.f32 v52, v9  }
0x397: {  	v4 =	vadd.f32 v4, v7;
	v57 =	vadd.f32 v12, v5  }
0x398: {  	v0 =	vmul.f32 v58, v19;
	v1 =	vmul.f32 v60, v59;
	v56, _, _ =	vpop (xrf2);
	(xrf2) =	vadd.scan.msk.f32 $0xffff, v9  }
0x399: {  	v8 =	vmul.f32 v6, v8;
	v61 =	vadd.f32 v57, v4;
	v3 =	vmul.f32 v18, v11;
	v62, _, _ =	vpop (xrf2)  }
0x39a: {  	v63 =	vbroadcast v56, $0xF;
	v5 =	vbroadcast v62, $0xF  }
0x39b: {  	v0 =	vadd.f32 v1, v0;
	v9 =	vbroadcast v15, $0xF;
	v10 =	vadd.f32 v8, v3;
	(xrf2) =	vadd.scan.msk.f32 $0xffff, v61  }
0x39c: {  	v33 =	vbroadcast v21, $0xF;
	v11 =	vsel vm0, v63, v5;
	v34, _, _ =	vpop (xrf2)  }
0x39d: {  	v0 =	vadd.f32 v10, v0;
	v2 =	vsel vm1, v11, v9;
	v35 =	vbroadcast v34, $0xF  }
0x39e: {  	v38 =	vbroadcast v42, $0xF;
	v37 =	vsel vm2, v2, v33  }
0x39f: {  	v39 =	vbroadcast v28, $0xF;
	v40, _, _ =	vpop (xrf2);
	(xrf2) =	vadd.scan.msk.f32 $0xffff, v0;
	v1 =	vsel vm3, v37, v35  }
0x3a0: {  	v42 =	vbroadcast v40, $0xF;
	v41 =	vsel vm4, v1, v38  }
0x3a1: {  	v43 =	vbroadcast v36, $0xF;
	v0 =	vsel vm5, v41, v39  }
0x3a2: {  	v44 =	vbroadcast v30, $0xF;
	v45, _, _ =	vpop (xrf2);
	v0 =	vsel vm6, v0, v42  }
0x3a3: {  	v46 =	vbroadcast v45, $0xF;
	v0 =	vsel vm7, v0, v43  }
0x3a4: {  	v47 =	vbroadcast v26, $0xF;
	v0 =	vsel vm8, v0, v44  }
0x3a5: {  	v48 =	vbroadcast v25, $0xF;
	v49, _, _ =	vpop (xrf2);
	v0 =	vsel vm9, v0, v46  }
0x3a6: {  	v3 =	vbroadcast v49, $0xF;
	v0 =	vsel vm10, v0, v47  }
0x3a7: {  	v51 =	vbroadcast v50, $0xF;
	v0 =	vsel vm11, v0, v48  }
0x3a8: {  	v0 =	vsel vm12, v0, v3  }
0x3a9: {  	v52, _, _ =	vpop (xrf2);
	v0 =	vsel vm13, v0, v51  }
0x3aa: {  	s26 =	sadd.s32 $0x10, s26;
	v0 =	vsel vm14, v0, v52  }
0x3ab: {  	s28 =	sshra.s32 s29, $0x2;
	[tilespmem:s26+$0x0] =	vst v0  }
0x3ac: {  	v0 =	vld [tilespmem:s28+$0x5BC0]  }
0x3ad: {  	v53 =	vld [tilespmem:s28+$0xDBC0]  }
0x3ae: {  	v54 =	vld [tilespmem:s28+$0x5BD0]  }
0x3af: {  	v55 =	vld [tilespmem:s28+$0xDBD0]  }
0x3b0: {  	v22 =	vld [tilespmem:s28+$0x5B80]  }
0x3b1: {  	v25 =	vld [tilespmem:s28+$0xDB80]  }
0x3b2: {  	v26 =	vld [tilespmem:s28+$0x5B90]  }
0x3b3: {  	v28 =	vld [tilespmem:s28+$0xDB90]  }
0x3b4: {  	v56 =	vld [tilespmem:s28+$0x5BA0]  }
0x3b5: {  	v27 =	vld [tilespmem:s28+$0xDBA0]  }
0x3b6: {  	v30 =	vld [tilespmem:s28+$0x5BB0]  }
0x3b7: {  	v23 =	vld [tilespmem:s28+$0xDBB0]  }
0x3b8: {  	v57 =	vld [tilespmem:s28+$0x5B40]  }
0x3b9: {  	v58 =	vld [tilespmem:s28+$0xDB40]  }
0x3ba: {  	v59 =	vld [tilespmem:s28+$0x5B50]  }
0x3bb: {  	v60 =	vld [tilespmem:s28+$0xDB50]  }
0x3bc: {  	v61 =	vld [tilespmem:s28+$0x5B60]  }
0x3bd: {  	v29 =	vld [tilespmem:s28+$0x5B00]  }
0x3be: {  	v24 =	vld [tilespmem:s28+$0xDB00]  }
0x3bf: {  	v1 =	vld [tilespmem:s28+$0x5B10]  }
0x3c0: {  	v38 =	vld [tilespmem:s28+$0xDB10]  }
0x3c1: {  	v62 =	vld [tilespmem:s28+$0x5B20]  }
0x3c2: {  	v31 =	vld [tilespmem:s28+$0xDB20]  }
0x3c3: {  	v42 =	vld [tilespmem:s28+$0x5B30]  }
0x3c4: {  	v45 =	vld [tilespmem:s28+$0xDB30]  }
0x3c5: {  	v63 =	vld [tilespmem:s28+$0x5AC0]  }
0x3c6: {  	v37 =	vld [tilespmem:s28+$0xDAC0]  }
0x3c7: {  	v36 =	vld [tilespmem:s28+$0x5AD0]  }
0x3c8: {  	v43 =	vld [tilespmem:s28+$0xDAD0]  }
0x3c9: {  	v34 =	vld [tilespmem:s28+$0x5AE0]  }
0x3ca: {  	v44 =	vld [tilespmem:s28+$0xDAE0]  }
0x3cb: {  	v32 =	vld [tilespmem:s28+$0x5AF0]  }
0x3cc: {  	v4 =	vld [tilespmem:s28+$0x5A80]  }
0x3cd: {  	v5 =	vld [tilespmem:s28+$0xDA80]  }
0x3ce: {  	v6 =	vld [tilespmem:s28+$0x5A90]  }
0x3cf: {  	v7 =	vld [tilespmem:s28+$0xDA90]  }
0x3d0: {  	v8 =	vld [tilespmem:s28+$0x5AA0]  }
0x3d1: {  	v48 =	vld [tilespmem:s28+$0x5A40]  }
0x3d2: {  	v50 =	vld [tilespmem:s28+$0xDA40]  }
0x3d3: {  	v51 =	vld [tilespmem:s28+$0x5A50]  }
0x3d4: {  	v52 =	vld [tilespmem:s28+$0x5A60]  }
0x3d5: {  	v49 =	vld [tilespmem:s28+$0x5A00]  }
0x3d6: {  	v9 =	vld [tilespmem:s28+$0x59C0]  }
0x3d7: {  	v10 =	vld [tilespmem:s28+$0xD9C0]  }
0x3d8: {  	v11 =	vld [tilespmem:s28+$0x59D0]  }
0x3d9: {  	v33 =	vld [tilespmem:s28+$0xD9D0]  }
0x3da: {  	v35 =	vld [tilespmem:s28+$0x59E0]  }
0x3db: {  	v2 =	vld [tilespmem:s28+$0x5990]  }
0x3dc: {  	v3 =	vld [tilespmem:s28+$0xD990]  }
0x3dd: {  	v39 =	vld [tilespmem:s28+$0x5940]  }
0x3de: {  	v12 =	vld [tilespmem:s28+$0x5960]  }
0x3df: {  	v13 =	vld [tilespmem:s28+$0xD960]  }
0x3e0: {  	v14 =	vld [tilespmem:s28+$0x5970]  }
0x3e1: {  	v15 =	vld [tilespmem:s28+$0xD970]  }
0x3e2: {  	v47 =	vld [tilespmem:s28+$0x5900]  }
0x3e3: {  	v46 =	vld [tilespmem:s28+$0xD900]  }
0x3e4: {  	v41 =	vld [tilespmem:s28+$0x5910]  }
0x3e5: {  	v40 =	vld [tilespmem:s28+$0xD910]  }
0x3e6: {  	v16 =	vld [tilespmem:s28+$0x58C0]  }
0x3e7: {  	v17 =	vld [tilespmem:s28+$0xD8C0]  }
0x3e8: {  	v18 =	vld [tilespmem:s28+$0x58D0]  }
0x3e9: {  	v20 =	vld [tilespmem:s28+$0xD8D0]  }
0x3ea: {  	v19 =	vld [tilespmem:s28+$0x58E0]  }
0x3eb: {  	v21 =	vld [tilespmem:s28+$0xD8E0]  }
0x3ec: {  	[tilespmem:$0x1F850] =	vst v0;
	v0 =	vld [tilespmem:s28+$0xDAF0]  }
0x3ed: {  	[tilespmem:$0x1FA30] =	vst v54;
	v54 =	vld [tilespmem:s28+$0xDA50]  }
0x3ee: {  	[tilespmem:$0x1FA40] =	vst v55;
	v55 =	vld [tilespmem:s28+$0xDA60]  }
0x3ef: {  	[tilespmem:$0x1F7E0] =	vst v56;
	v56 =	vld [tilespmem:s28+$0x5A70]  }
0x3f0: {  	[tilespmem:$0x1FA50] =	vst v57;
	v57 =	vld [tilespmem:s28+$0xDA70]  }
0x3f1: {  	[tilespmem:$0x1FA20] =	vst v53;
	v53 =	vld [tilespmem:s28+$0xDA00]  }
0x3f2: {  	[tilespmem:$0x1FA60] =	vst v58;
	v58 =	vld [tilespmem:s28+$0x5A10]  }
0x3f3: {  	[tilespmem:$0x1FA70] =	vst v59;
	v59 =	vld [tilespmem:s28+$0xDA10]  }
0x3f4: {  	[tilespmem:$0x1FA80] =	vst v60;
	v60 =	vld [tilespmem:s28+$0x5A20]  }
0x3f5: {  	[tilespmem:$0x1FA90] =	vst v61;
	v61 =	vld [tilespmem:s28+$0xDA20]  }
0x3f6: {  	[tilespmem:$0x1F7F0] =	vst v62;
	v62 =	vld [tilespmem:s28+$0x5A30]  }
0x3f7: {  	[tilespmem:$0x1F800] =	vst v63;
	v63 =	vld [tilespmem:s28+$0xDA30]  }
0x3f8: {  	[tilespmem:$0x1F830] =	vst v33;
	v33 =	vld [tilespmem:s28+$0x5980]  }
0x3f9: {  	[tilespmem:$0x1FAF0] =	vst v35;
	v35 =	vld [tilespmem:s28+$0xD980]  }
0x3fa: {  	[tilespmem:$0x1FAA0] =	vst v4;
	v4 =	vld [tilespmem:s28+$0x59A0]  }
0x3fb: {  	[tilespmem:$0x1FAB0] =	vst v5;
	v5 =	vld [tilespmem:s28+$0xD9A0]  }
0x3fc: {  	[tilespmem:$0x1FAC0] =	vst v6;
	v6 =	vld [tilespmem:s28+$0x59B0]  }
0x3fd: {  	[tilespmem:$0x1FAD0] =	vst v7;
	v7 =	vld [tilespmem:s28+$0xD9B0]  }
0x3fe: {  	[tilespmem:$0x1FAE0] =	vst v8;
	v8 =	vld [tilespmem:s28+$0xD940]  }
0x3ff: {  	[tilespmem:$0x1F840] =	vst v10;
	v10 =	vld [tilespmem:s28+$0x5950]  }
0x400: {  	[tilespmem:$0x1F810] =	vst v11;
	v11 =	vld [tilespmem:s28+$0xD950]  }
0x401: {  	[tilespmem:$0x1F820] =	vst v9;
	v9 =	vld [tilespmem:s28+$0x5920]  }
0x402: {  	v25 =	vmul.f32 v25, v22;
	v26 =	vmul.f32 v28, v26;
	v22 =	vld [tilespmem:s28+$0x58F0]  }
0x403: {  	v28 =	vld [tilespmem:$0x1F7E0]  }
0x404: {  	v25 =	vadd.f32 v26, v25;
	v26 =	vmul.f32 v24, v29;
	v24 =	vld [tilespmem:s28+$0xD880]  }
0x405: {  	v29 =	vmul.f32 v38, v1;
	v38 =	vld [tilespmem:$0x1F7F0]  }
0x406: {  	v1 =	vld [tilespmem:s28+$0xD890]  }
0x407: {  	v26 =	vadd.f32 v29, v26;
	v29 =	vmul.f32 v43, v36;
	v43 =	vld [tilespmem:s28+$0x58A0]  }
0x408: {  	v36 =	vld [tilespmem:s28+$0xD830];
	v32 =	vmul.f32 v0, v32  }
0x409: {  	v0 =	vld [tilespmem:s28+$0x58B0];
	v27 =	vmul.f32 v27, v28;
	v28 =	vmul.f32 v23, v30  }
0x40a: {  	v35 =	vmul.f32 v35, v33;
	v33 =	vld [tilespmem:s28+$0xD820]  }
0x40b: {  	v30 =	vld [tilespmem:s28+$0xD8F0];
	v27 =	vadd.f32 v28, v27  }
0x40c: {  	v2 =	vmul.f32 v3, v2;
	v23 =	vld [tilespmem:s28+$0x5880]  }
0x40d: {  	v25 =	vadd.f32 v27, v25;
	v27 =	vld [tilespmem:$0x1F800]  }
0x40e: {  	v2 =	vadd.f32 v2, v35;
	v35 =	vld [tilespmem:s28+$0x5840]  }
0x40f: {  	v28 =	vmul.f32 v31, v38;
	v31 =	vmul.f32 v45, v42;
	v42 =	vld [tilespmem:s28+$0x5890]  }
0x410: {  	v45 =	vmul.f32 v53, v49;
	v38 =	vld [tilespmem:s28+$0x5850]  }
0x411: {  	v49 =	vmul.f32 v59, v58;
	v59 =	vmul.f32 v17, v16;
	v17 =	vld [tilespmem:$0x1F820]  }
0x412: {  	v16 =	vld [tilespmem:$0x1F830];
	v28 =	vadd.f32 v31, v28;
	v31 =	vmul.f32 v44, v34;
	v27 =	vmul.f32 v37, v27  }
0x413: {  	v55 =	vmul.f32 v55, v52;
	v44 =	vld [tilespmem:s28+$0xD8A0]  }
0x414: {  	v57 =	vmul.f32 v57, v56;
	v34 =	vld [tilespmem:s28+$0x5830];
	(xrf2) =	vadd.scan.msk.f32 $0xffff, v25;
	v31 =	vadd.f32 v32, v31;
	v25 =	vadd.f32 v29, v27  }
0x415: {  	v26 =	vadd.f32 v28, v26;
	v28 =	vmul.f32 v50, v48;
	v48 =	vld [tilespmem:s28+$0xD8B0]  }
0x416: {  	v32 =	vadd.f32 v57, v55;
	v57 =	vmul.f32 v15, v14;
	v15 =	vld [tilespmem:$0x1F810];
	v25 =	vadd.f32 v31, v25  }
0x417: {  	v50 =	vmul.f32 v61, v60;
	v60 =	vmul.f32 v20, v18;
	v18 =	vld [tilespmem:$0x1F840];
	(xrf2) =	vadd.scan.msk.f32 $0xffff, v26  }
0x418: {  	v4 =	vmul.f32 v5, v4;
	v61 =	vmul.f32 v21, v19;
	v19 =	vld [tilespmem:$0x1F850];
	(xrf2) =	vadd.scan.msk.f32 $0xffff, v25  }
0x419: {  	v53 =	vmul.f32 v7, v6;
	v21 =	vmov v41;
	v41 =	vld [tilespmem:s28+$0xD860];
	v29 =	vmul.f32 v54, v51  }
0x41a: {  	v56 =	vmul.f32 v13, v12;
	v37 =	vld [tilespmem:s28+$0xD840];
	v51 =	vmul.f32 v63, v62  }
0x41b: {  	v4 =	vadd.f32 v53, v4;
	v55 =	vmul.f32 v11, v10;
	v27 =	vld [tilespmem:s28+$0xD800];
	v26 =	vadd.f32 v29, v28  }
0x41c: {  	v54 =	vmul.f32 v8, v39;
	v39 =	vld [tilespmem:s28+$0xD850];
	v52 =	vadd.f32 v51, v50;
	v25 =	vadd.f32 v49, v45  }
0x41d: {  	p0 =	sne.s32 s29, $0xF000;
	v5 =	vadd.f32 v57, v56;
	v62 =	vmul.f32 v30, v22;
	v22 =	vmovc v40;
	v40 =	vld [tilespmem:s28+$0x5860];
	v26 =	vadd.f32 v32, v26  }
.Ltmp1:
0x41e: {  	v28 =	vld [tilespmem:s28+$0x5800];
	v58 =	vadd.f32 v55, v54;
	v3 =	vadd.f32 v52, v25;
	(pc) =	sbr.rel @p0 .LBB2_5-.Ltmp1, $4  }
0x41f: {  	v2 =	vadd.f32 v4, v2;
	v20 =	vmov v9;
	v29 =	vld [tilespmem:s28+$0x5810];
	(xrf2) =	vadd.scan.msk.f32 $0xffff, v26  }
0x420: {  	v43 =	vmul.f32 v44, v43;
	v30 =	vadd.f32 v60, v59;
	v31 =	vld [tilespmem:s28+$0xD810];
	v63 =	vadd.f32 v5, v58;
	v50, _, _ =	vpop (xrf2);
	(xrf2) =	vadd.scan.msk.f32 $0xffff, v3  }
0x421: {  	v44 =	vmul.f32 v48, v0;
	v32 =	vld [tilespmem:s28+$0x5820];
	v45 =	vmul.f32 v24, v23;
	v24 =	vmov v46;
	v25, _, _ =	vpop (xrf2);
	(xrf2) =	vadd.scan.msk.f32 $0xffff, v2  }
0x422: {  	s29 =	sadd.s32 $0x1000, s29;
	v23 =	vmov v47;
	v47 =	vmul.f32 v1, v42;
	v46 =	vadd.f32 v62, v61;
	v42 =	vld [tilespmem:s28+$0x5870];
	v26, _, _ =	vpop (xrf2);
	(xrf2) =	vadd.scan.msk.f32 $0xffff, v63  }
0x423: {  	v0 =	vld [tilespmem:s28+$0xD870]  }
0x424: {  	v1 =	vld [tilespmem:s28+$0xD920]  }
0x425: {  	v5 =	vld [tilespmem:s28+$0x5930]  }
0x426: {  	v9 =	vld [tilespmem:s28+$0xD930]  }
0x427: {  	v13 =	vld [tilespmem:s28+$0xD9E0]  }
0x428: {  	v14 =	vld [tilespmem:s28+$0x59F0]  }
0x429: {  	v49 =	vld [tilespmem:s28+$0xDAA0]  }
0x42a: {  	v51 =	vld [tilespmem:s28+$0x5AB0]  }
0x42b: {  	v53 =	vld [tilespmem:s28+$0xDAB0]  }
0x42c: {  	v56 =	vld [tilespmem:s28+$0xDB60]  }
0x42d: {  	v57 =	vld [tilespmem:$0x1FAF0]  }
0x42e: {  	v59 =	vld [tilespmem:s28+$0x5B70]  }
0x42f: {  	v61 =	vld [tilespmem:$0x1FAA0]  }
0x430: {  	v62 =	vld [tilespmem:$0x1FAB0]  }
0x431: {  	v63 =	vld [tilespmem:s28+$0xDB70]  }
0x432: {  	v48 =	vmul.f32 v22, v21;
	v21 =	vld [tilespmem:$0x1FAD0]  }
0x433: {  	v3 =	vmul.f32 v27, v28;
	v8 =	vmul.f32 v36, v34;
	v10 =	vadd.f32 v44, v43;
	v22 =	vld [tilespmem:s28+$0x5BE0]  }
0x434: {  	v11 =	vmul.f32 v37, v35;
	v12 =	vmul.f32 v39, v38;
	v27 =	vld [tilespmem:s28+$0xDBE0];
	v2 =	vadd.f32 v47, v45  }
0x435: {  	v34 =	vld [tilespmem:$0x1FA80];
	v6 =	vadd.f32 v46, v30;
	v4 =	vmul.f32 v31, v29;
	v7 =	vmul.f32 v33, v32  }
0x436: {  	v35 =	vld [tilespmem:s28+$0xDBF0];
	v45 =	vmul.f32 v41, v40;
	v11 =	vadd.f32 v12, v11;
	v0 =	vmul.f32 v0, v42  }
0x437: {  	v47 =	vld [tilespmem:s28+$0xD9F0];
	v3 =	vadd.f32 v4, v3;
	v7 =	vadd.f32 v8, v7  }
0x438: {  	v46 =	vmul.f32 v24, v23;
	v24 =	vld [tilespmem:$0x1FAE0];
	v2 =	vadd.f32 v10, v2;
	v0 =	vadd.f32 v0, v45  }
0x439: {  	v30 =	vld [tilespmem:$0x1FA60];
	(xrf2) =	vadd.scan.msk.f32 $0xffff, v6;
	v1 =	vmul.f32 v1, v20;
	v5 =	vmul.f32 v9, v5;
	v3 =	vadd.f32 v7, v3  }
0x43a: {  	v52 =	vmul.f32 v18, v17;
	(xrf2) =	vadd.scan.msk.f32 $0xffff, v2;
	v20 =	vld [tilespmem:$0x1FAC0];
	v0 =	vadd.f32 v0, v11  }
0x43b: {  	v55 =	vmul.f32 v16, v15;
	v29 =	vld [tilespmem:$0x1FA50];
	v54 =	vadd.f32 v48, v46;
	v1 =	vadd.f32 v5, v1;
	(xrf2) =	vadd.scan.msk.f32 $0xffff, v3  }
0x43c: {  	v37 =	vld [tilespmem:$0x1FA90];
	v8 =	vmul.f32 v13, v57;
	v58 =	vmul.f32 v47, v14;
	(xrf2) =	vadd.scan.msk.f32 $0xffff, v0  }
0x43d: {  	v33 =	vld [tilespmem:$0x1FA70];
	v2 =	vadd.f32 v55, v52;
	v60 =	vadd.f32 v1, v54  }
0x43e: {  	v43 =	vld [tilespmem:$0x1FA40];
	v6 =	vmul.f32 v53, v51;
	v12 =	vmul.f32 v49, v24;
	v18 =	vadd.f32 v58, v8  }
0x43f: {  	v41 =	vld [tilespmem:$0x1FA20];
	v23, _, _ =	vpop (xrf2);
	v1 =	vmul.f32 v62, v61;
	v8 =	vmul.f32 v21, v20;
	(xrf2) =	vadd.scan.msk.f32 $0xffff, v60  }
0x440: {  	v31 =	vld [tilespmem:s28+$0x5BF0];
	v28, _, _ =	vpop (xrf2);
	v4 =	vmul.f32 v30, v29;
	v2 =	vadd.f32 v18, v2  }
0x441: {  	v42 =	vld [tilespmem:$0x1FA30];
	v5 =	vmul.f32 v56, v37;
	v32, _, _ =	vpop (xrf2);
	v6 =	vadd.f32 v6, v12;
	v1 =	vadd.f32 v8, v1  }
0x442: {  	v36, _, _ =	vpop (xrf2);
	v3 =	vmul.f32 v63, v59;
	v8 =	vmul.f32 v34, v33;
	(xrf2) =	vadd.scan.msk.f32 $0xffff, v2  }
0x443: {  	v38, _, _ =	vpop (xrf2);
	v1 =	vadd.f32 v6, v1  }
0x444: {  	v3 =	vadd.f32 v3, v5;
	v4 =	vadd.f32 v8, v4;
	v39, _, _ =	vpop (xrf2)  }
0x445: {  	v45 =	vmul.f32 v27, v22;
	v46 =	vmul.f32 v35, v31;
	(xrf2) =	vadd.scan.msk.f32 $0xffff, v1;
	v40, _, _ =	vpop (xrf2)  }
0x446: {  	v10 =	vmul.f32 v43, v42;
	v8 =	vmul.f32 v41, v19;
	v44 =	vadd.f32 v3, v4;
	v47, _, _ =	vpop (xrf2)  }
0x447: {  	v5 =	vbroadcast v40, $0xF;
	v7 =	vbroadcast v47, $0xF  }
0x448: {  	v6 =	vbroadcast v39, $0xF;
	v8 =	vadd.f32 v10, v8;
	v3 =	vadd.f32 v46, v45;
	(xrf2) =	vadd.scan.msk.f32 $0xffff, v44  }
0x449: {  	v2 =	vbroadcast v38, $0xF;
	v49, _, _ =	vpop (xrf2);
	v48 =	vsel vm0, v5, v7  }
0x44a: {  	v3 =	vadd.f32 v3, v8;
	v4 =	vbroadcast v49, $0xF;
	v1 =	vsel vm1, v48, v6  }
0x44b: {  	v51 =	vbroadcast v36, $0xF;
	v1 =	vsel vm2, v1, v2  }
0x44c: {  	v52 =	vbroadcast v32, $0xF;
	(xrf2) =	vadd.scan.msk.f32 $0xffff, v3;
	v53, _, _ =	vpop (xrf2);
	v1 =	vsel vm3, v1, v4  }
0x44d: {  	v54 =	vbroadcast v53, $0xF;
	v1 =	vsel vm4, v1, v51  }
0x44e: {  	v0 =	vbroadcast v28, $0xF;
	v1 =	vsel vm5, v1, v52  }
0x44f: {  	v55 =	vbroadcast v23, $0xF;
	v56, _, _ =	vpop (xrf2);
	v1 =	vsel vm6, v1, v54  }
0x450: {  	v57 =	vbroadcast v56, $0xF;
	v0 =	vsel vm7, v1, v0  }
0x451: {  	v58 =	vbroadcast v26, $0xF;
	v0 =	vsel vm8, v0, v55  }
0x452: {  	v59 =	vbroadcast v25, $0xF;
	v60, _, _ =	vpop (xrf2);
	v0 =	vsel vm9, v0, v57  }
0x453: {  	v61 =	vbroadcast v60, $0xF;
	v0 =	vsel vm10, v0, v58  }
0x454: {  	v62 =	vbroadcast v50, $0xF;
	v0 =	vsel vm11, v0, v59  }
0x455: {  	v0 =	vsel vm12, v0, v61  }
0x456: {  	s25 =	sadd.s32 s3, s25;
	s24 =	sadd.s32 $0x1, s24;
	v63, _, _ =	vpop (xrf2);
	v0 =	vsel vm13, v0, v62  }
0x457: {  	s26 =	sadd.s32 $0x10, s26;
	s25 =	sshrl.u32 s25, $0x3;
	p0 =	sne.s32 s24, $0x6;
	v0 =	vsel vm14, v0, v63  }
.Ltmp2:
0x458: {  	s25 =	sadd.s32 s6, s25;
	[tilespmem:s26+$0x0] =	vst v0;
	(pc) =	sbr.rel @p0 .LBB2_2-.Ltmp2, $4  }
0x459: {  	[hbm4b:s25+s2] =	stream.linear.scatter [tilespmem:s19], [sflag:$0x5], $0x100, $0x38;
	[tilespmem:$0x11900] =	vst v63  }
0x45a: {  	_ =	swait.ge [sflag:s10], $0x100  }
0x45b: {  	[sflag:s10] =	ssyncset.done $0x0  }
0x45c: {  	[sflag:s10] =	ssyncadd.s32 $0xFFFFFF00  }
0x45d: {  	s23 =	sadd.s32 $0x1, s23  }
0x45e: {  	p0 =	sne.s32 s23, s9  }
.Ltmp3:
0x45f: {  	_ = 	snop;
	(pc) =	sbr.rel @p0 .LBB2_1-.Ltmp3, $1  }
0x460: {  	_ =	sdelay $0x3  }
0x461: {  	_ =	sfence.sel $0x180000  }
0x462: {  	[bflag:$0x0] =	sbarrier.arrive $0xFFFF  }
0x463: {  	p0 =	sne.s32 s0, $0x0;
	_ =	strace $0x90000047  }
0x464: {  	s0 =	sadd.s32 @!p0 $0x100000, s1;
	[bflag:$0x2] =	sbarrier.arrive $0xFFFF  }
0x465: {  	[sflag:s0] =	ssyncadd.tile.s32 @!p0 $0x1;
	_ =	shalt  }
.Lfunc_end2:
_tile_overlayer_lowered:
.L_overlay_start_2:
0x466: {  	(tag) =	ssettag $0x2  }
0x467: {  	s0 =	rddreg [dreg:$0x0];
	s2 =	stileid.u32  }
0x468: {  	s1 =	rddreg [dreg:$0x1];
	p0 =	sne.s32 s2, $0x0  }
0x469: {  	s3 =	rddreg [dreg:$0x2];
	[bflag:$0x3] =	sbarrier.arrive $0xFFFF;
	s2 =	simm.s32 @!p0 $0x1C05  }
0x46a: {  	[timem:s3], [sflag:s2] =	dma.local @!p0 [hbm:s0], s1  }
0x46b: {  	s0 =	simm.s32 @!p0 $0x5  }
0x46c: {  	_ =	swait.ge @!p0 [sflag:s0], s1  }
0x46d: {  	s1 =	ssub.s32 @!p0 $0x0, s1;
	[sflag:s0] =	ssyncset.done @!p0 $0x0  }
0x46e: {  	[sflag:s0] =	ssyncadd.s32 @!p0 s1  }
0x46f: {  	[bflag:$0x3] =	sbarrier.arrive $0xFFFF  }
0x470: {  	_ =	shalt  }

</sc_bundles>
